<compile_context>
chip_gen: v7x
topology: tpu7x:2x2x1
jax: 0.10.2.dev20260603
libtpu: 0.0.44.dev20260713+nightly
codegen_flags: <defaults>
</compile_context>

<pallas_src>
import functools

import jax
import jax.numpy as jnp
from jax import lax
from jax.experimental import pallas as pl
from jax.experimental.pallas import tpu as pltpu
from jax.experimental.pallas import tpu_sc as plsc

B = 16384
F = 26
EMB = 16
ND = 8
OUT = 64
VOCAB = 1000000

NC = 2
NS = 16
NW = NC * NS
LANES = 16

N_FLAT = B * F
N_PER_W = N_FLAT // NW
PERIOD = 208
N_CHUNK = 16
G = N_PER_W // N_CHUNK


TILE_COLS = 128
N_TILES_FULL = VOCAB // TILE_COLS
TAIL_COL0 = N_TILES_FULL * TILE_COLS
BLK_PER_W = N_TILES_FULL // NW
BLK_REM = N_TILES_FULL - BLK_PER_W * NW


SBW = 512
CH = 61
T_PER_W = CH * (SBW // TILE_COLS)
EXTRA_T0 = NW * T_PER_W


def _sc_transpose_body(tT_hbm, tail_hbm, out_hbm, stage, obuf,
                       isem0, isem1, osem0, osem1):
    wid = lax.axis_index("s") * NC + lax.axis_index("c")
    start_col = wid * (T_PER_W * TILE_COLS)
    lane = lax.iota(jnp.int32, 16)
    i0 = lane // 8
    i1 = lane % 8
    isems = (isem0, isem1)
    osems = (osem0, osem1)

    def fire_in(i, b):
        col0 = start_col + i * SBW
        pltpu.async_copy(tT_hbm.at[pl.ds(0, 8), pl.ds(col0, SBW)],
                         stage.at[b, 0], isems[b])
        pltpu.async_copy(tT_hbm.at[pl.ds(8, 8), pl.ds(col0, SBW)],
                         stage.at[b, 1], isems[b])

    def wait_in(i, b):
        col0 = start_col + i * SBW
        pltpu.make_async_copy(tT_hbm.at[pl.ds(0, 8), pl.ds(col0, SBW)],
                              stage.at[b, 0], isems[b]).wait()
        pltpu.make_async_copy(tT_hbm.at[pl.ds(8, 8), pl.ds(col0, SBW)],
                              stage.at[b, 1], isems[b]).wait()

    def out_slice(i):
        return out_hbm.at[pl.ds((start_col + i * SBW) * EMB, SBW * EMB)]

    def extract(b, nrows):
        def row(l, i2):
            g = plsc.load_gather(stage.at[b], [i0, i1, i2])
            obuf[b, pl.ds(l * 16, 16)] = g
            return i2 + 1
        lax.fori_loop(0, nrows, row, jnp.zeros((16,), jnp.int32), unroll=8)

    def chunk_step(i, b):
        wait_in(i, b)

        @pl.when(i + 1 < CH)
        def _():
            fire_in(i + 1, b ^ 1)

        @pl.when(i >= 2)
        def _():
            pltpu.make_async_copy(obuf.at[b], out_slice(i - 2), osems[b]).wait()

        extract(b, SBW)
        pltpu.async_copy(obuf.at[b], out_slice(i), osems[b])

    fire_in(0, 0)

    def pair(k, carry):
        chunk_step(k * 2, 0)

        @pl.when(k * 2 + 1 < CH)
        def _():
            chunk_step(k * 2 + 1, 1)
        return carry

    lax.fori_loop(0, (CH + 1) // 2, pair, 0)
    pltpu.make_async_copy(obuf.at[1], out_slice(CH - 2), osems[1]).wait()
    pltpu.make_async_copy(obuf.at[0], out_slice(CH - 1), osems[0]).wait()

    @pl.when(wid < N_TILES_FULL - EXTRA_T0)
    def _extra():
        col0 = (EXTRA_T0 + wid) * TILE_COLS
        pltpu.async_copy(tT_hbm.at[pl.ds(0, 8), pl.ds(col0, TILE_COLS)],
                         stage.at[0, 0, :, pl.ds(0, TILE_COLS)], isem0)
        pltpu.async_copy(tT_hbm.at[pl.ds(8, 8), pl.ds(col0, TILE_COLS)],
                         stage.at[0, 1, :, pl.ds(0, TILE_COLS)], isem0)
        pltpu.make_async_copy(tT_hbm.at[pl.ds(0, 8), pl.ds(col0, TILE_COLS)],
                              stage.at[0, 0, :, pl.ds(0, TILE_COLS)], isem0).wait()
        pltpu.make_async_copy(tT_hbm.at[pl.ds(8, 8), pl.ds(col0, TILE_COLS)],
                              stage.at[0, 1, :, pl.ds(0, TILE_COLS)], isem0).wait()
        extract(0, TILE_COLS)
        pltpu.sync_copy(obuf.at[0, pl.ds(0, TILE_COLS * EMB)],
                        out_hbm.at[pl.ds(col0 * EMB, TILE_COLS * EMB)])

    @pl.when(wid == NW - 1)
    def _tail():
        pltpu.async_copy(tail_hbm.at[pl.ds(0, 8), :],
                         stage.at[0, 0, :, pl.ds(0, TILE_COLS)], isem0)
        pltpu.async_copy(tail_hbm.at[pl.ds(8, 8), :],
                         stage.at[0, 1, :, pl.ds(0, TILE_COLS)], isem0)
        pltpu.make_async_copy(tail_hbm.at[pl.ds(0, 8), :],
                              stage.at[0, 0, :, pl.ds(0, TILE_COLS)], isem0).wait()
        pltpu.make_async_copy(tail_hbm.at[pl.ds(8, 8), :],
                              stage.at[0, 1, :, pl.ds(0, TILE_COLS)], isem0).wait()
        extract(0, VOCAB - TAIL_COL0)
        pltpu.sync_copy(
            obuf.at[0, pl.ds(0, (VOCAB - TAIL_COL0) * EMB)],
            out_hbm.at[pl.ds(TAIL_COL0 * EMB, (VOCAB - TAIL_COL0) * EMB)])


@jax.jit
def _sc_transpose(tableT, tail_pad):
    mesh = plsc.VectorSubcoreMesh(core_axis_name="c", subcore_axis_name="s")
    f = pl.kernel(
        _sc_transpose_body,
        out_type=jax.ShapeDtypeStruct((VOCAB * EMB,), jnp.float32),
        mesh=mesh,
        scratch_types=[
            pltpu.VMEM((2, 2, 8, SBW), jnp.float32),
            pltpu.VMEM((2, SBW * EMB), jnp.float32),
            pltpu.SemaphoreType.DMA,
            pltpu.SemaphoreType.DMA,
            pltpu.SemaphoreType.DMA,
            pltpu.SemaphoreType.DMA,
        ],
        compiler_params=pltpu.CompilerParams(
            use_tc_tiling_on_sc=True, needs_layout_passes=False),
    )
    return f(tableT, tail_pad)


def _sc_gather_body(ids_hbm, pat_hbm, table_hbm, out_hbm, idx_v, pat_v, rows_v, gsem):
    wid = lax.axis_index("s") * NC + lax.axis_index("c")
    base = wid * N_PER_W
    pltpu.sync_copy(ids_hbm.at[pl.ds(base, N_PER_W)], idx_v)
    pltpu.sync_copy(pat_hbm, pat_v)

    pats = tuple(pat_v[pl.ds(j * LANES, LANES)] for j in range(PERIOD // LANES))

    def tbody(t, pats):
        p0 = t * PERIOD
        for j in range(PERIOD // LANES):
            sl = pl.ds(p0 + j * LANES, LANES)
            idx_v[sl] = idx_v[sl] + pats[j]
        return pats

    lax.fori_loop(0, N_PER_W // PERIOD, tbody, pats)

    def gbody(c, carry):
        off = c * G
        pltpu.async_copy(table_hbm.at[idx_v.at[pl.ds(off, G)]], rows_v, gsem).wait()
        pltpu.sync_copy(rows_v, out_hbm.at[pl.ds(base + off, G)])
        return carry

    lax.fori_loop(0, N_CHUNK, gbody, 0)


@jax.jit
def _sc_gather(ids_flat, pattern, table):
    mesh = plsc.VectorSubcoreMesh(core_axis_name="c", subcore_axis_name="s")
    f = pl.kernel(
        _sc_gather_body,
        out_type=jax.ShapeDtypeStruct((N_FLAT, EMB), jnp.float32),
        mesh=mesh,
        scratch_types=[
            pltpu.VMEM((N_PER_W,), jnp.int32),
            pltpu.VMEM((PERIOD,), jnp.int32),
            pltpu.VMEM((G, EMB), jnp.float32),
            pltpu.SemaphoreType.DMA,
        ],
        compiler_params=pltpu.CompilerParams(use_tc_tiling_on_sc=False),
    )
    return f(ids_flat, pattern, table)


def _mlp_body(dense_ref, emb_ref, wd_ref, wc_ref, b_ref, out_ref):
    acc = jnp.dot(dense_ref[...], wd_ref[...], preferred_element_type=jnp.float32)
    acc = acc + jnp.dot(emb_ref[...], wc_ref[...], preferred_element_type=jnp.float32)
    acc = acc + b_ref[...]
    out_ref[...] = 0.5 * acc * (1.0 + lax.erf(acc * (2.0 ** -0.5)))


@functools.partial(jax.jit, static_argnames=("bm",))
def _mlp(dense, emb, wd, wc, b, bm=2048):
    grid = (B // bm,)
    return pl.pallas_call(
        _mlp_body,
        grid=grid,
        in_specs=[
            pl.BlockSpec((bm, ND), lambda i: (i, 0)),
            pl.BlockSpec((bm, F * EMB), lambda i: (i, 0)),
            pl.BlockSpec((ND, OUT), lambda i: (0, 0)),
            pl.BlockSpec((F * EMB, OUT), lambda i: (0, 0)),
            pl.BlockSpec((1, OUT), lambda i: (0, 0)),
        ],
        out_specs=pl.BlockSpec((bm, OUT), lambda i: (i, 0)),
        out_shape=jax.ShapeDtypeStruct((B, OUT), jnp.float32),
    )(dense, emb, wd, wc, b)


def kernel(dense_features, categorical_ids, field_offsets, table, W, b):
    ids_flat = categorical_ids.reshape(-1)
    pattern = jnp.tile(field_offsets, PERIOD // F)
    tableT = table.T
    tail_pad = jnp.pad(
        tableT[:, TAIL_COL0:], ((0, 0), (0, TILE_COLS - (VOCAB - TAIL_COL0))))
    table_lin = _sc_transpose(tableT, tail_pad).reshape(VOCAB, EMB)
    emb = _sc_gather(ids_flat, pattern, table_lin)
    emb2d = emb.reshape(B, F * EMB)
    wd = W[:ND]
    wc = W[ND:]
    return _mlp(dense_features, emb2d, wd, wc, b.reshape(1, OUT))

# --- scband reference (transcript-rebuilt; emitter-appended) ---
"""Pipeline reference for scband-metadata-branch-30863634989872 (READ-ONLY COPY).

The authoritative reference and input builder live on the scoring server;
editing this copy changes nothing except your own understanding.
"""

import jax, jax.numpy as jnp
import numpy as np

B = 16384
F = 26
BUCKET = 38461
VOCAB = 1000000
EMB = 16
ND = 8
OUT = 64


def setup_inputs(seed: int = 0) -> dict:
    key = jax.random.key(seed)
    k1, k2, k3, k4 = jax.random.split(key, 4)
    dense_features = jax.random.normal(k1, (B, ND), dtype=jnp.float32)
    categorical_ids = jax.random.randint(k2, (B, F), 0, BUCKET, dtype=jnp.int32)
    field_offsets = (jnp.arange(F, dtype=jnp.int32) * BUCKET)
    table = jax.random.normal(k3, (VOCAB, EMB), dtype=jnp.float32) * 0.02
    in_dim = ND + F * EMB
    W = jax.random.normal(k4, (in_dim, OUT), dtype=jnp.float32) * (1.0 / np.sqrt(in_dim))
    b = jnp.zeros((OUT,), dtype=jnp.float32)
    return {
        "dense_features": dense_features,
        "categorical_ids": categorical_ids,
        "field_offsets": field_offsets,
        "table": table,
        "W": W,
        "b": b,
    }


def reference(dense_features, categorical_ids, field_offsets, table, W, b):
    # offset each field's ids into the shared bucket space
    offset_ids = categorical_ids + field_offsets[None, :]  # (B, F)
    # embedding lookup (gather)
    cat_emb = jnp.take(table, offset_ids, axis=0)  # (B, F, EMB)
    cat_flat = cat_emb.reshape(cat_emb.shape[0], -1)  # (B, F*EMB)
    combined = jnp.concatenate([dense_features, cat_flat], axis=1)
    # Linear -> GELU (exact, torch default) -> Dropout(eval = identity)
    out = combined @ W + b
    return jax.nn.gelu(out, approximate=False)

if __name__ == "__main__":
    import jax
    _d = setup_inputs()
    print(jax.jit(kernel)(*tuple(_d.values())))

</pallas_src>

<mosaic_0001>
#map = affine_map<(d0, d1) -> (0, 0)>
#map1 = affine_map<(d0, d1) -> (0)>
module attributes {stable_mosaic.version = 14 : i64} {
  func.func @_sc_transpose_body(%arg0: i32, %arg1: i32, %arg2: memref<16x1000000xf32, #tpu.memory_space<hbm>>, %arg3: memref<16x128xf32, #tpu.memory_space<hbm>>, %arg4: memref<16000000xf32, #tpu.memory_space<hbm>>, %arg5: memref<2x2x8x512xf32, #tpu.memory_space<vmem>>, %arg6: memref<2x8192xf32, #tpu.memory_space<vmem>>, %arg7: memref<!tpu.dma_semaphore, #tpu.memory_space<semaphore_mem>>, %arg8: memref<!tpu.dma_semaphore, #tpu.memory_space<semaphore_mem>>, %arg9: memref<!tpu.dma_semaphore, #tpu.memory_space<semaphore_mem>>, %arg10: memref<!tpu.dma_semaphore, #tpu.memory_space<semaphore_mem>>) attributes {dimension_semantics = [#tpu.dimension_semantics<core_parallel>, #tpu.dimension_semantics<subcore_parallel>], iteration_bounds = array<i64: 2, 16>, scalar_prefetch = 0 : i64, scratch_operands = 6 : i64, tpu.core_type = #tpu.core_type<sc_vector_subcore>, window_params = [{transform_indices = #map}, {transform_indices = #map}, {transform_indices = #map1}]} {
    %mul3A = arith.constant 2 : i32
    %mul3A_0 = arith.muli %arg1, %mul3A : i32
    %add3A = arith.addi %mul3A_0, %arg0 : i32
    %mul3A_1 = arith.constant 31232 : i32
    %mul3A_2 = arith.muli %add3A, %mul3A_1 : i32
    %iota3A = tpu.iota {dimensions = array<i32: 0>} : vector<16xi32>
    %jit3A = arith.constant 8 : i32
    %div3A = vector.broadcast %jit3A : i32 to vector<16xi32>
    %div3A_3 = arith.divsi %iota3A, %div3A : vector<16xi32>
    %sign3A = arith.constant 0 : i32
    %sign3A_4 = vector.broadcast %sign3A : i32 to vector<16xi32>
    %sign3A_5 = arith.cmpi sgt, %iota3A, %sign3A_4 : vector<16xi32>
    %sign3A_6 = arith.extui %sign3A_5 : vector<16xi1> to vector<16xi32>
    %sign3A_7 = arith.constant 0 : i32
    %sign3A_8 = vector.broadcast %sign3A_7 : i32 to vector<16xi32>
    %sign3A_9 = arith.cmpi slt, %iota3A, %sign3A_8 : vector<16xi32>
    %sign3A_10 = arith.extui %sign3A_9 : vector<16xi1> to vector<16xi32>
    %sign3A_11 = arith.subi %sign3A_6, %sign3A_10 : vector<16xi32>
    %sign3A_12 = arith.constant 0 : i32
    %sign3A_13 = arith.cmpi sgt, %jit3A, %sign3A_12 : i32
    %sign3A_14 = arith.extui %sign3A_13 : i1 to i32
    %sign3A_15 = arith.constant 0 : i32
    %sign3A_16 = arith.cmpi slt, %jit3A, %sign3A_15 : i32
    %sign3A_17 = arith.extui %sign3A_16 : i1 to i32
    %sign3A_18 = arith.subi %sign3A_14, %sign3A_17 : i32
    %ne3A = vector.broadcast %sign3A_18 : i32 to vector<16xi32>
    %ne3A_19 = arith.cmpi ne, %sign3A_11, %ne3A : vector<16xi32>
    %rem3A = vector.broadcast %jit3A : i32 to vector<16xi32>
    %rem3A_20 = arith.remsi %iota3A, %rem3A : vector<16xi32>
    %ne3A_21 = arith.constant 0 : i32
    %ne3A_22 = vector.broadcast %ne3A_21 : i32 to vector<16xi32>
    %ne3A_23 = arith.cmpi ne, %rem3A_20, %ne3A_22 : vector<16xi32>
    %and3A = arith.andi %ne3A_19, %ne3A_23 : vector<16xi1>
    %sub3A = arith.constant 1 : i32
    %sub3A_24 = vector.broadcast %sub3A : i32 to vector<16xi32>
    %sub3A_25 = arith.subi %div3A_3, %sub3A_24 : vector<16xi32>
    %select_n3A = arith.select %and3A, %sub3A_25, %div3A_3 : vector<16xi1>, vector<16xi32>
    %jit3A_26 = arith.constant 8 : i32
    %eq3A = arith.constant 0 : i32
    %eq3A_27 = arith.cmpi eq, %jit3A_26, %eq3A : i32
    %jit3A_28 = arith.constant 1 : i32
    %select_n3A_29 = arith.select %eq3A_27, %jit3A_28, %jit3A_26 : i32
    %rem3A_30 = vector.broadcast %select_n3A_29 : i32 to vector<16xi32>
    %rem3A_31 = arith.remsi %iota3A, %rem3A_30 : vector<16xi32>
    %ne3A_32 = arith.constant 0 : i32
    %ne3A_33 = vector.broadcast %ne3A_32 : i32 to vector<16xi32>
    %ne3A_34 = arith.cmpi ne, %rem3A_31, %ne3A_33 : vector<16xi32>
    %lt3A = arith.constant 0 : i32
    %lt3A_35 = vector.broadcast %lt3A : i32 to vector<16xi32>
    %lt3A_36 = arith.cmpi slt, %rem3A_31, %lt3A_35 : vector<16xi32>
    %lt3A_37 = arith.constant 0 : i32
    %lt3A_38 = arith.cmpi slt, %select_n3A_29, %lt3A_37 : i32
    %ne3A_39 = vector.broadcast %lt3A_38 : i1 to vector<16xi1>
    %ne3A_40 = vector.broadcast %ne3A_39 : vector<16xi1> to vector<16xi1>
    %ne3A_41 = arith.xori %lt3A_36, %ne3A_40 : vector<16xi1>
    %and3A_42 = arith.andi %ne3A_41, %ne3A_34 : vector<16xi1>
    %add3A_43 = vector.broadcast %select_n3A_29 : i32 to vector<16xi32>
    %add3A_44 = arith.addi %rem3A_31, %add3A_43 : vector<16xi32>
    %select_n3A_45 = arith.select %and3A_42, %add3A_44, %rem3A_31 : vector<16xi1>, vector<16xi32>
    %add3A_46 = arith.constant 0 : i32
    %add3A_47 = arith.addi %mul3A_2, %add3A_46 : i32
    %dma_start3A = arith.constant 0 : i32
    %dma_start3A_48 = arith.constant 0 : i32
    %dma_start3A_49 = arith.constant 0 : i32
    %dma_start3A_50 = arith.constant 0 : i32
    %dma_start3A_51 = tpu.memref_slice %arg5[%dma_start3A, %dma_start3A_48, %dma_start3A_49, %dma_start3A_50] : memref<2x2x8x512xf32, #tpu.memory_space<vmem>> -> memref<1x1x8x512xf32, #tpu.memory_space<vmem>>
    %dma_start3A_52 = tpu.memref_squeeze %dma_start3A_51 : memref<1x1x8x512xf32, #tpu.memory_space<vmem>> -> memref<8x512xf32, #tpu.memory_space<vmem>>
    %dma_start3A_53 = arith.constant 0 : i32
    %dma_start3A_54 = tpu.memref_slice %arg2[%dma_start3A_53, %add3A_47] : memref<16x1000000xf32, #tpu.memory_space<hbm>> -> memref<8x512xf32, #tpu.memory_space<hbm>>
    %dma_start3A_55 = arith.constant 0 : i32
    %dma_start3A_56 = arith.constant 0 : i32
    %dma_start3A_57 = tpu.memref_slice %arg5[%dma_start3A, %dma_start3A_48, %dma_start3A_55, %dma_start3A_56] : memref<2x2x8x512xf32, #tpu.memory_space<vmem>> -> memref<1x1x8x512xf32, #tpu.memory_space<vmem>>
    %dma_start3A_58 = tpu.memref_squeeze %dma_start3A_57 : memref<1x1x8x512xf32, #tpu.memory_space<vmem>> -> memref<8x512xf32, #tpu.memory_space<vmem>>
    %dma_start3A_59 = arith.constant 0 : i32
    %dma_start3A_60 = tpu.memref_slice %arg2[%dma_start3A_59, %add3A_47] : memref<16x1000000xf32, #tpu.memory_space<hbm>> -> memref<8x512xf32, #tpu.memory_space<hbm>>
    tpu.enqueue_dma source(%dma_start3A_60 : memref<8x512xf32, #tpu.memory_space<hbm>>) target(%dma_start3A_58 : memref<8x512xf32, #tpu.memory_space<vmem>>) target_semaphore(%arg7 : memref<!tpu.dma_semaphore, #tpu.memory_space<semaphore_mem>>)
    %dma_start3A_61 = arith.constant 0 : i32
    %dma_start3A_62 = arith.constant 1 : i32
    %dma_start3A_63 = arith.constant 0 : i32
    %dma_start3A_64 = arith.constant 0 : i32
    %dma_start3A_65 = tpu.memref_slice %arg5[%dma_start3A_61, %dma_start3A_62, %dma_start3A_63, %dma_start3A_64] : memref<2x2x8x512xf32, #tpu.memory_space<vmem>> -> memref<1x1x8x512xf32, #tpu.memory_space<vmem>>
    %dma_start3A_66 = tpu.memref_squeeze %dma_start3A_65 : memref<1x1x8x512xf32, #tpu.memory_space<vmem>> -> memref<8x512xf32, #tpu.memory_space<vmem>>
    %dma_start3A_67 = arith.constant 8 : i32
    %dma_start3A_68 = tpu.memref_slice %arg2[%dma_start3A_67, %add3A_47] : memref<16x1000000xf32, #tpu.memory_space<hbm>> -> memref<8x512xf32, #tpu.memory_space<hbm>>
    %dma_start3A_69 = arith.constant 0 : i32
    %dma_start3A_70 = arith.constant 0 : i32
    %dma_start3A_71 = tpu.memref_slice %arg5[%dma_start3A_61, %dma_start3A_62, %dma_start3A_69, %dma_start3A_70] : memref<2x2x8x512xf32, #tpu.memory_space<vmem>> -> memref<1x1x8x512xf32, #tpu.memory_space<vmem>>
    %dma_start3A_72 = tpu.memref_squeeze %dma_start3A_71 : memref<1x1x8x512xf32, #tpu.memory_space<vmem>> -> memref<8x512xf32, #tpu.memory_space<vmem>>
    %dma_start3A_73 = arith.constant 8 : i32
    %dma_start3A_74 = tpu.memref_slice %arg2[%dma_start3A_73, %add3A_47] : memref<16x1000000xf32, #tpu.memory_space<hbm>> -> memref<8x512xf32, #tpu.memory_space<hbm>>
    tpu.enqueue_dma source(%dma_start3A_74 : memref<8x512xf32, #tpu.memory_space<hbm>>) target(%dma_start3A_72 : memref<8x512xf32, #tpu.memory_space<vmem>>) target_semaphore(%arg7 : memref<!tpu.dma_semaphore, #tpu.memory_space<semaphore_mem>>)
    %scan3A = arith.constant 0 : i32
    %scan3A_75 = arith.constant 0 : i32
    %scan3A_76 = arith.constant 31 : i32
    %scan3A_77 = arith.addi %scan3A_75, %scan3A_76 : i32
    %scan3A_78 = arith.constant 1 : i32
    scf.for %scan3A_113 = %scan3A_75 to %scan3A_77 step %scan3A_78  : i32 {
      %mul3A_114 = arith.constant 2 : i32
      %mul3A_115 = arith.muli %scan3A_113, %mul3A_114 : i32
      %mul3A_116 = arith.constant 512 : i32
      %mul3A_117 = arith.muli %mul3A_115, %mul3A_116 : i32
      %add3A_118 = arith.addi %mul3A_2, %mul3A_117 : i32
      %dma_wait3A_119 = arith.constant 0 : i32
      %dma_wait3A_120 = arith.constant 0 : i32
      %dma_wait3A_121 = arith.constant 0 : i32
      %dma_wait3A_122 = arith.constant 0 : i32
      %dma_wait3A_123 = tpu.memref_slice %arg5[%dma_wait3A_119, %dma_wait3A_120, %dma_wait3A_121, %dma_wait3A_122] : memref<2x2x8x512xf32, #tpu.memory_space<vmem>> -> memref<1x1x8x512xf32, #tpu.memory_space<vmem>>
      %dma_wait3A_124 = tpu.memref_squeeze %dma_wait3A_123 : memref<1x1x8x512xf32, #tpu.memory_space<vmem>> -> memref<8x512xf32, #tpu.memory_space<vmem>>
      %dma_wait3A_125 = arith.constant 0 : i32
      %dma_wait3A_126 = tpu.memref_slice %arg2[%dma_wait3A_125, %add3A_118] : memref<16x1000000xf32, #tpu.memory_space<hbm>> -> memref<8x512xf32, #tpu.memory_space<hbm>>
      %dma_wait3A_127 = arith.constant 0 : i32
      %dma_wait3A_128 = arith.constant 0 : i32
      %dma_wait3A_129 = tpu.memref_slice %arg5[%dma_wait3A_119, %dma_wait3A_120, %dma_wait3A_127, %dma_wait3A_128] : memref<2x2x8x512xf32, #tpu.memory_space<vmem>> -> memref<1x1x8x512xf32, #tpu.memory_space<vmem>>
      %dma_wait3A_130 = tpu.memref_squeeze %dma_wait3A_129 : memref<1x1x8x512xf32, #tpu.memory_space<vmem>> -> memref<8x512xf32, #tpu.memory_space<vmem>>
      %dma_wait3A_131 = arith.constant 0 : i32
      %dma_wait3A_132 = tpu.memref_slice %arg2[%dma_wait3A_131, %add3A_118] : memref<16x1000000xf32, #tpu.memory_space<hbm>> -> memref<8x512xf32, #tpu.memory_space<hbm>>
      tpu.wait_dma2 semaphore(%arg7 : memref<!tpu.dma_semaphore, #tpu.memory_space<semaphore_mem>>) src(%dma_wait3A_132 : memref<8x512xf32, #tpu.memory_space<hbm>>) dst(%dma_wait3A_130 : memref<8x512xf32, #tpu.memory_space<vmem>>)
      %dma_wait3A_133 = arith.constant 0 : i32
      %dma_wait3A_134 = arith.constant 1 : i32
      %dma_wait3A_135 = arith.constant 0 : i32
      %dma_wait3A_136 = arith.constant 0 : i32
      %dma_wait3A_137 = tpu.memref_slice %arg5[%dma_wait3A_133, %dma_wait3A_134, %dma_wait3A_135, %dma_wait3A_136] : memref<2x2x8x512xf32, #tpu.memory_space<vmem>> -> memref<1x1x8x512xf32, #tpu.memory_space<vmem>>
      %dma_wait3A_138 = tpu.memref_squeeze %dma_wait3A_137 : memref<1x1x8x512xf32, #tpu.memory_space<vmem>> -> memref<8x512xf32, #tpu.memory_space<vmem>>
      %dma_wait3A_139 = arith.constant 8 : i32
      %dma_wait3A_140 = tpu.memref_slice %arg2[%dma_wait3A_139, %add3A_118] : memref<16x1000000xf32, #tpu.memory_space<hbm>> -> memref<8x512xf32, #tpu.memory_space<hbm>>
      %dma_wait3A_141 = arith.constant 0 : i32
      %dma_wait3A_142 = arith.constant 0 : i32
      %dma_wait3A_143 = tpu.memref_slice %arg5[%dma_wait3A_133, %dma_wait3A_134, %dma_wait3A_141, %dma_wait3A_142] : memref<2x2x8x512xf32, #tpu.memory_space<vmem>> -> memref<1x1x8x512xf32, #tpu.memory_space<vmem>>
      %dma_wait3A_144 = tpu.memref_squeeze %dma_wait3A_143 : memref<1x1x8x512xf32, #tpu.memory_space<vmem>> -> memref<8x512xf32, #tpu.memory_space<vmem>>
      %dma_wait3A_145 = arith.constant 8 : i32
      %dma_wait3A_146 = tpu.memref_slice %arg2[%dma_wait3A_145, %add3A_118] : memref<16x1000000xf32, #tpu.memory_space<hbm>> -> memref<8x512xf32, #tpu.memory_space<hbm>>
      tpu.wait_dma2 semaphore(%arg7 : memref<!tpu.dma_semaphore, #tpu.memory_space<semaphore_mem>>) src(%dma_wait3A_146 : memref<8x512xf32, #tpu.memory_space<hbm>>) dst(%dma_wait3A_144 : memref<8x512xf32, #tpu.memory_space<vmem>>)
      %add3A_147 = arith.constant 1 : i32
      %add3A_148 = arith.addi %mul3A_115, %add3A_147 : i32
      %lt3A_149 = arith.constant 61 : i32
      %lt3A_150 = arith.cmpi slt, %add3A_148, %lt3A_149 : i32
      %convert_element_type3A_151 = arith.extui %lt3A_150 : i1 to i32
      %cond3A_152 = arith.constant 0 : i32
      %cond3A_153 = arith.cmpi ne, %convert_element_type3A_151, %cond3A_152 : i32
      scf.if %cond3A_153 {
        %add3A_188 = arith.constant 1 : i32
        %add3A_189 = arith.addi %mul3A_115, %add3A_188 : i32
        %mul3A_190 = arith.constant 512 : i32
        %mul3A_191 = arith.muli %add3A_189, %mul3A_190 : i32
        %add3A_192 = arith.addi %mul3A_2, %mul3A_191 : i32
        %dma_start3A_193 = arith.constant 1 : i32
        %dma_start3A_194 = arith.constant 0 : i32
        %dma_start3A_195 = arith.constant 0 : i32
        %dma_start3A_196 = arith.constant 0 : i32
        %dma_start3A_197 = tpu.memref_slice %arg5[%dma_start3A_193, %dma_start3A_194, %dma_start3A_195, %dma_start3A_196] : memref<2x2x8x512xf32, #tpu.memory_space<vmem>> -> memref<1x1x8x512xf32, #tpu.memory_space<vmem>>
        %dma_start3A_198 = tpu.memref_squeeze %dma_start3A_197 : memref<1x1x8x512xf32, #tpu.memory_space<vmem>> -> memref<8x512xf32, #tpu.memory_space<vmem>>
        %dma_start3A_199 = arith.constant 0 : i32
        %dma_start3A_200 = tpu.memref_slice %arg2[%dma_start3A_199, %add3A_192] : memref<16x1000000xf32, #tpu.memory_space<hbm>> -> memref<8x512xf32, #tpu.memory_space<hbm>>
        %dma_start3A_201 = arith.constant 0 : i32
        %dma_start3A_202 = arith.constant 0 : i32
        %dma_start3A_203 = tpu.memref_slice %arg5[%dma_start3A_193, %dma_start3A_194, %dma_start3A_201, %dma_start3A_202] : memref<2x2x8x512xf32, #tpu.memory_space<vmem>> -> memref<1x1x8x512xf32, #tpu.memory_space<vmem>>
        %dma_start3A_204 = tpu.memref_squeeze %dma_start3A_203 : memref<1x1x8x512xf32, #tpu.memory_space<vmem>> -> memref<8x512xf32, #tpu.memory_space<vmem>>
        %dma_start3A_205 = arith.constant 0 : i32
        %dma_start3A_206 = tpu.memref_slice %arg2[%dma_start3A_205, %add3A_192] : memref<16x1000000xf32, #tpu.memory_space<hbm>> -> memref<8x512xf32, #tpu.memory_space<hbm>>
        tpu.enqueue_dma source(%dma_start3A_206 : memref<8x512xf32, #tpu.memory_space<hbm>>) target(%dma_start3A_204 : memref<8x512xf32, #tpu.memory_space<vmem>>) target_semaphore(%arg8 : memref<!tpu.dma_semaphore, #tpu.memory_space<semaphore_mem>>)
        %dma_start3A_207 = arith.constant 1 : i32
        %dma_start3A_208 = arith.constant 1 : i32
        %dma_start3A_209 = arith.constant 0 : i32
        %dma_start3A_210 = arith.constant 0 : i32
        %dma_start3A_211 = tpu.memref_slice %arg5[%dma_start3A_207, %dma_start3A_208, %dma_start3A_209, %dma_start3A_210] : memref<2x2x8x512xf32, #tpu.memory_space<vmem>> -> memref<1x1x8x512xf32, #tpu.memory_space<vmem>>
        %dma_start3A_212 = tpu.memref_squeeze %dma_start3A_211 : memref<1x1x8x512xf32, #tpu.memory_space<vmem>> -> memref<8x512xf32, #tpu.memory_space<vmem>>
        %dma_start3A_213 = arith.constant 8 : i32
        %dma_start3A_214 = tpu.memref_slice %arg2[%dma_start3A_213, %add3A_192] : memref<16x1000000xf32, #tpu.memory_space<hbm>> -> memref<8x512xf32, #tpu.memory_space<hbm>>
        %dma_start3A_215 = arith.constant 0 : i32
        %dma_start3A_216 = arith.constant 0 : i32
        %dma_start3A_217 = tpu.memref_slice %arg5[%dma_start3A_207, %dma_start3A_208, %dma_start3A_215, %dma_start3A_216] : memref<2x2x8x512xf32, #tpu.memory_space<vmem>> -> memref<1x1x8x512xf32, #tpu.memory_space<vmem>>
        %dma_start3A_218 = tpu.memref_squeeze %dma_start3A_217 : memref<1x1x8x512xf32, #tpu.memory_space<vmem>> -> memref<8x512xf32, #tpu.memory_space<vmem>>
        %dma_start3A_219 = arith.constant 8 : i32
        %dma_start3A_220 = tpu.memref_slice %arg2[%dma_start3A_219, %add3A_192] : memref<16x1000000xf32, #tpu.memory_space<hbm>> -> memref<8x512xf32, #tpu.memory_space<hbm>>
        tpu.enqueue_dma source(%dma_start3A_220 : memref<8x512xf32, #tpu.memory_space<hbm>>) target(%dma_start3A_218 : memref<8x512xf32, #tpu.memory_space<vmem>>) target_semaphore(%arg8 : memref<!tpu.dma_semaphore, #tpu.memory_space<semaphore_mem>>)
      } else {
      }
      %ge3A = arith.constant 2 : i32
      %ge3A_154 = arith.cmpi sge, %mul3A_115, %ge3A : i32
      %convert_element_type3A_155 = arith.extui %ge3A_154 : i1 to i32
      %cond3A_156 = arith.constant 0 : i32
      %cond3A_157 = arith.cmpi ne, %convert_element_type3A_155, %cond3A_156 : i32
      scf.if %cond3A_157 {
        %sub3A_188 = arith.constant 2 : i32
        %sub3A_189 = arith.subi %mul3A_115, %sub3A_188 : i32
        %mul3A_190 = arith.constant 512 : i32
        %mul3A_191 = arith.muli %sub3A_189, %mul3A_190 : i32
        %add3A_192 = arith.addi %mul3A_2, %mul3A_191 : i32
        %mul3A_193 = arith.constant 16 : i32
        %mul3A_194 = arith.muli %add3A_192, %mul3A_193 : i32
        %dma_wait3A_195 = arith.constant 0 : i32
        %dma_wait3A_196 = arith.constant 0 : i32
        %dma_wait3A_197 = tpu.memref_slice %arg6[%dma_wait3A_195, %dma_wait3A_196] : memref<2x8192xf32, #tpu.memory_space<vmem>> -> memref<1x8192xf32, #tpu.memory_space<vmem>>
        %dma_wait3A_198 = tpu.memref_squeeze %dma_wait3A_197 : memref<1x8192xf32, #tpu.memory_space<vmem>> -> memref<8192xf32, #tpu.memory_space<vmem>>
        %dma_wait3A_199 = tpu.memref_slice %arg4[%mul3A_194] : memref<16000000xf32, #tpu.memory_space<hbm>> -> memref<8192xf32, #tpu.memory_space<hbm>>
        %dma_wait3A_200 = tpu.memref_slice %arg4[%mul3A_194] : memref<16000000xf32, #tpu.memory_space<hbm>> -> memref<8192xf32, #tpu.memory_space<hbm>>
        %dma_wait3A_201 = arith.constant 0 : i32
        %dma_wait3A_202 = tpu.memref_slice %arg6[%dma_wait3A_195, %dma_wait3A_201] : memref<2x8192xf32, #tpu.memory_space<vmem>> -> memref<1x8192xf32, #tpu.memory_space<vmem>>
        %dma_wait3A_203 = tpu.memref_squeeze %dma_wait3A_202 : memref<1x8192xf32, #tpu.memory_space<vmem>> -> memref<8192xf32, #tpu.memory_space<vmem>>
        tpu.wait_dma2 semaphore(%arg9 : memref<!tpu.dma_semaphore, #tpu.memory_space<semaphore_mem>>) src(%dma_wait3A_203 : memref<8192xf32, #tpu.memory_space<vmem>>) dst(%dma_wait3A_200 : memref<8192xf32, #tpu.memory_space<hbm>>)
      } else {
      }
      %broadcast_in_dim3A = arith.constant 0 : i32
      %broadcast_in_dim3A_158 = vector.broadcast %broadcast_in_dim3A : i32 to vector<16xi32>
      %scan3A_159 = arith.constant 0 : i32
      %scan3A_160 = arith.constant 512 : i32
      %scan3A_161 = arith.addi %scan3A_159, %scan3A_160 : i32
      %scan3A_162 = arith.constant 8 : i32
      %scan3A_163 = scf.for %scan3A_188 = %scan3A_159 to %scan3A_161 step %scan3A_162 iter_args(%scan3A_189 = %broadcast_in_dim3A_158) -> (vector<16xi32>)  : i32 {
        %gather3A = arith.constant 0 : i32
        %gather3A_190 = arith.constant 0 : i32
        %gather3A_191 = arith.constant 0 : i32
        %gather3A_192 = arith.constant 0 : i32
        %gather3A_193 = tpu.memref_slice %arg5[%gather3A, %gather3A_190, %gather3A_191, %gather3A_192] : memref<2x2x8x512xf32, #tpu.memory_space<vmem>> -> memref<1x2x8x512xf32, #tpu.memory_space<vmem>>
        %gather3A_194 = tpu.memref_squeeze %gather3A_193 : memref<1x2x8x512xf32, #tpu.memory_space<vmem>> -> memref<2x8x512xf32, #tpu.memory_space<vmem>>
        %gather3A_195 = tpu.vector_load_idx %gather3A_194[%select_n3A, %select_n3A_45, %scan3A_189] : memref<2x8x512xf32, #tpu.memory_space<vmem>>[vector<16xi32>, vector<16xi32>, vector<16xi32>], vector<16xf32>,
        %mul3A_196 = arith.constant 16 : i32
        %mul3A_197 = arith.muli %scan3A_188, %mul3A_196 : i32
        %swap3A = arith.constant 0 : i32
        %swap3A_198 = arith.index_cast %swap3A : i32 to index
        %swap3A_199 = arith.index_cast %mul3A_197 : i32 to index
        %swap3A_200 = tpu.vector_load %arg6[%swap3A_198, %swap3A_199] {strides = array<i32>} : memref<2x8192xf32, #tpu.memory_space<vmem>>, vector<16xf32>,
        tpu.vector_store %arg6[%swap3A_198, %swap3A_199], %gather3A_195 {strides = array<i32>} : memref<2x8192xf32, #tpu.memory_space<vmem>>, vector<16xf32>,
        %add3A_201 = arith.constant 1 : i32
        %add3A_202 = vector.broadcast %add3A_201 : i32 to vector<16xi32>
        %add3A_203 = arith.addi %scan3A_189, %add3A_202 : vector<16xi32>
        %scan3A_204 = arith.constant 1 : i32
        %scan3A_205 = arith.addi %scan3A_188, %scan3A_204 : i32
        %gather3A_206 = arith.constant 0 : i32
        %gather3A_207 = arith.constant 0 : i32
        %gather3A_208 = arith.constant 0 : i32
        %gather3A_209 = arith.constant 0 : i32
        %gather3A_210 = tpu.memref_slice %arg5[%gather3A_206, %gather3A_207, %gather3A_208, %gather3A_209] : memref<2x2x8x512xf32, #tpu.memory_space<vmem>> -> memref<1x2x8x512xf32, #tpu.memory_space<vmem>>
        %gather3A_211 = tpu.memref_squeeze %gather3A_210 : memref<1x2x8x512xf32, #tpu.memory_space<vmem>> -> memref<2x8x512xf32, #tpu.memory_space<vmem>>
        %gather3A_212 = tpu.vector_load_idx %gather3A_211[%select_n3A, %select_n3A_45, %add3A_203] : memref<2x8x512xf32, #tpu.memory_space<vmem>>[vector<16xi32>, vector<16xi32>, vector<16xi32>], vector<16xf32>,
        %mul3A_213 = arith.constant 16 : i32
        %mul3A_214 = arith.muli %scan3A_205, %mul3A_213 : i32
        %swap3A_215 = arith.constant 0 : i32
        %swap3A_216 = arith.index_cast %swap3A_215 : i32 to index
        %swap3A_217 = arith.index_cast %mul3A_214 : i32 to index
        %swap3A_218 = tpu.vector_load %arg6[%swap3A_216, %swap3A_217] {strides = array<i32>} : memref<2x8192xf32, #tpu.memory_space<vmem>>, vector<16xf32>,
        tpu.vector_store %arg6[%swap3A_216, %swap3A_217], %gather3A_212 {strides = array<i32>} : memref<2x8192xf32, #tpu.memory_space<vmem>>, vector<16xf32>,
        %add3A_219 = arith.constant 1 : i32
        %add3A_220 = vector.broadcast %add3A_219 : i32 to vector<16xi32>
        %add3A_221 = arith.addi %add3A_203, %add3A_220 : vector<16xi32>
        %scan3A_222 = arith.constant 2 : i32
        %scan3A_223 = arith.addi %scan3A_188, %scan3A_222 : i32
        %gather3A_224 = arith.constant 0 : i32
        %gather3A_225 = arith.constant 0 : i32
        %gather3A_226 = arith.constant 0 : i32
        %gather3A_227 = arith.constant 0 : i32
        %gather3A_228 = tpu.memref_slice %arg5[%gather3A_224, %gather3A_225, %gather3A_226, %gather3A_227] : memref<2x2x8x512xf32, #tpu.memory_space<vmem>> -> memref<1x2x8x512xf32, #tpu.memory_space<vmem>>
        %gather3A_229 = tpu.memref_squeeze %gather3A_228 : memref<1x2x8x512xf32, #tpu.memory_space<vmem>> -> memref<2x8x512xf32, #tpu.memory_space<vmem>>
        %gather3A_230 = tpu.vector_load_idx %gather3A_229[%select_n3A, %select_n3A_45, %add3A_221] : memref<2x8x512xf32, #tpu.memory_space<vmem>>[vector<16xi32>, vector<16xi32>, vector<16xi32>], vector<16xf32>,
        %mul3A_231 = arith.constant 16 : i32
        %mul3A_232 = arith.muli %scan3A_223, %mul3A_231 : i32
        %swap3A_233 = arith.constant 0 : i32
        %swap3A_234 = arith.index_cast %swap3A_233 : i32 to index
        %swap3A_235 = arith.index_cast %mul3A_232 : i32 to index
        %swap3A_236 = tpu.vector_load %arg6[%swap3A_234, %swap3A_235] {strides = array<i32>} : memref<2x8192xf32, #tpu.memory_space<vmem>>, vector<16xf32>,
        tpu.vector_store %arg6[%swap3A_234, %swap3A_235], %gather3A_230 {strides = array<i32>} : memref<2x8192xf32, #tpu.memory_space<vmem>>, vector<16xf32>,
        %add3A_237 = arith.constant 1 : i32
        %add3A_238 = vector.broadcast %add3A_237 : i32 to vector<16xi32>
        %add3A_239 = arith.addi %add3A_221, %add3A_238 : vector<16xi32>
        %scan3A_240 = arith.constant 3 : i32
        %scan3A_241 = arith.addi %scan3A_188, %scan3A_240 : i32
        %gather3A_242 = arith.constant 0 : i32
        %gather3A_243 = arith.constant 0 : i32
        %gather3A_244 = arith.constant 0 : i32
        %gather3A_245 = arith.constant 0 : i32
        %gather3A_246 = tpu.memref_slice %arg5[%gather3A_242, %gather3A_243, %gather3A_244, %gather3A_245] : memref<2x2x8x512xf32, #tpu.memory_space<vmem>> -> memref<1x2x8x512xf32, #tpu.memory_space<vmem>>
        %gather3A_247 = tpu.memref_squeeze %gather3A_246 : memref<1x2x8x512xf32, #tpu.memory_space<vmem>> -> memref<2x8x512xf32, #tpu.memory_space<vmem>>
        %gather3A_248 = tpu.vector_load_idx %gather3A_247[%select_n3A, %select_n3A_45, %add3A_239] : memref<2x8x512xf32, #tpu.memory_space<vmem>>[vector<16xi32>, vector<16xi32>, vector<16xi32>], vector<16xf32>,
        %mul3A_249 = arith.constant 16 : i32
        %mul3A_250 = arith.muli %scan3A_241, %mul3A_249 : i32
        %swap3A_251 = arith.constant 0 : i32
        %swap3A_252 = arith.index_cast %swap3A_251 : i32 to index
        %swap3A_253 = arith.index_cast %mul3A_250 : i32 to index
        %swap3A_254 = tpu.vector_load %arg6[%swap3A_252, %swap3A_253] {strides = array<i32>} : memref<2x8192xf32, #tpu.memory_space<vmem>>, vector<16xf32>,
        tpu.vector_store %arg6[%swap3A_252, %swap3A_253], %gather3A_248 {strides = array<i32>} : memref<2x8192xf32, #tpu.memory_space<vmem>>, vector<16xf32>,
        %add3A_255 = arith.constant 1 : i32
        %add3A_256 = vector.broadcast %add3A_255 : i32 to vector<16xi32>
        %add3A_257 = arith.addi %add3A_239, %add3A_256 : vector<16xi32>
        %scan3A_258 = arith.constant 4 : i32
        %scan3A_259 = arith.addi %scan3A_188, %scan3A_258 : i32
        %gather3A_260 = arith.constant 0 : i32
        %gather3A_261 = arith.constant 0 : i32
        %gather3A_262 = arith.constant 0 : i32
        %gather3A_263 = arith.constant 0 : i32
        %gather3A_264 = tpu.memref_slice %arg5[%gather3A_260, %gather3A_261, %gather3A_262, %gather3A_263] : memref<2x2x8x512xf32, #tpu.memory_space<vmem>> -> memref<1x2x8x512xf32, #tpu.memory_space<vmem>>
        %gather3A_265 = tpu.memref_squeeze %gather3A_264 : memref<1x2x8x512xf32, #tpu.memory_space<vmem>> -> memref<2x8x512xf32, #tpu.memory_space<vmem>>
        %gather3A_266 = tpu.vector_load_idx %gather3A_265[%select_n3A, %select_n3A_45, %add3A_257] : memref<2x8x512xf32, #tpu.memory_space<vmem>>[vector<16xi32>, vector<16xi32>, vector<16xi32>], vector<16xf32>,
        %mul3A_267 = arith.constant 16 : i32
        %mul3A_268 = arith.muli %scan3A_259, %mul3A_267 : i32
        %swap3A_269 = arith.constant 0 : i32
        %swap3A_270 = arith.index_cast %swap3A_269 : i32 to index
        %swap3A_271 = arith.index_cast %mul3A_268 : i32 to index
        %swap3A_272 = tpu.vector_load %arg6[%swap3A_270, %swap3A_271] {strides = array<i32>} : memref<2x8192xf32, #tpu.memory_space<vmem>>, vector<16xf32>,
        tpu.vector_store %arg6[%swap3A_270, %swap3A_271], %gather3A_266 {strides = array<i32>} : memref<2x8192xf32, #tpu.memory_space<vmem>>, vector<16xf32>,
        %add3A_273 = arith.constant 1 : i32
        %add3A_274 = vector.broadcast %add3A_273 : i32 to vector<16xi32>
        %add3A_275 = arith.addi %add3A_257, %add3A_274 : vector<16xi32>
        %scan3A_276 = arith.constant 5 : i32
        %scan3A_277 = arith.addi %scan3A_188, %scan3A_276 : i32
        %gather3A_278 = arith.constant 0 : i32
        %gather3A_279 = arith.constant 0 : i32
        %gather3A_280 = arith.constant 0 : i32
        %gather3A_281 = arith.constant 0 : i32
        %gather3A_282 = tpu.memref_slice %arg5[%gather3A_278, %gather3A_279, %gather3A_280, %gather3A_281] : memref<2x2x8x512xf32, #tpu.memory_space<vmem>> -> memref<1x2x8x512xf32, #tpu.memory_space<vmem>>
        %gather3A_283 = tpu.memref_squeeze %gather3A_282 : memref<1x2x8x512xf32, #tpu.memory_space<vmem>> -> memref<2x8x512xf32, #tpu.memory_space<vmem>>
        %gather3A_284 = tpu.vector_load_idx %gather3A_283[%select_n3A, %select_n3A_45, %add3A_275] : memref<2x8x512xf32, #tpu.memory_space<vmem>>[vector<16xi32>, vector<16xi32>, vector<16xi32>], vector<16xf32>,
        %mul3A_285 = arith.constant 16 : i32
        %mul3A_286 = arith.muli %scan3A_277, %mul3A_285 : i32
        %swap3A_287 = arith.constant 0 : i32
        %swap3A_288 = arith.index_cast %swap3A_287 : i32 to index
        %swap3A_289 = arith.index_cast %mul3A_286 : i32 to index
        %swap3A_290 = tpu.vector_load %arg6[%swap3A_288, %swap3A_289] {strides = array<i32>} : memref<2x8192xf32, #tpu.memory_space<vmem>>, vector<16xf32>,
        tpu.vector_store %arg6[%swap3A_288, %swap3A_289], %gather3A_284 {strides = array<i32>} : memref<2x8192xf32, #tpu.memory_space<vmem>>, vector<16xf32>,
        %add3A_291 = arith.constant 1 : i32
        %add3A_292 = vector.broadcast %add3A_291 : i32 to vector<16xi32>
        %add3A_293 = arith.addi %add3A_275, %add3A_292 : vector<16xi32>
        %scan3A_294 = arith.constant 6 : i32
        %scan3A_295 = arith.addi %scan3A_188, %scan3A_294 : i32
        %gather3A_296 = arith.constant 0 : i32
        %gather3A_297 = arith.constant 0 : i32
        %gather3A_298 = arith.constant 0 : i32
        %gather3A_299 = arith.constant 0 : i32
        %gather3A_300 = tpu.memref_slice %arg5[%gather3A_296, %gather3A_297, %gather3A_298, %gather3A_299] : memref<2x2x8x512xf32, #tpu.memory_space<vmem>> -> memref<1x2x8x512xf32, #tpu.memory_space<vmem>>
        %gather3A_301 = tpu.memref_squeeze %gather3A_300 : memref<1x2x8x512xf32, #tpu.memory_space<vmem>> -> memref<2x8x512xf32, #tpu.memory_space<vmem>>
        %gather3A_302 = tpu.vector_load_idx %gather3A_301[%select_n3A, %select_n3A_45, %add3A_293] : memref<2x8x512xf32, #tpu.memory_space<vmem>>[vector<16xi32>, vector<16xi32>, vector<16xi32>], vector<16xf32>,
        %mul3A_303 = arith.constant 16 : i32
        %mul3A_304 = arith.muli %scan3A_295, %mul3A_303 : i32
        %swap3A_305 = arith.constant 0 : i32
        %swap3A_306 = arith.index_cast %swap3A_305 : i32 to index
        %swap3A_307 = arith.index_cast %mul3A_304 : i32 to index
        %swap3A_308 = tpu.vector_load %arg6[%swap3A_306, %swap3A_307] {strides = array<i32>} : memref<2x8192xf32, #tpu.memory_space<vmem>>, vector<16xf32>,
        tpu.vector_store %arg6[%swap3A_306, %swap3A_307], %gather3A_302 {strides = array<i32>} : memref<2x8192xf32, #tpu.memory_space<vmem>>, vector<16xf32>,
        %add3A_309 = arith.constant 1 : i32
        %add3A_310 = vector.broadcast %add3A_309 : i32 to vector<16xi32>
        %add3A_311 = arith.addi %add3A_293, %add3A_310 : vector<16xi32>
        %scan3A_312 = arith.constant 7 : i32
        %scan3A_313 = arith.addi %scan3A_188, %scan3A_312 : i32
        %gather3A_314 = arith.constant 0 : i32
        %gather3A_315 = arith.constant 0 : i32
        %gather3A_316 = arith.constant 0 : i32
        %gather3A_317 = arith.constant 0 : i32
        %gather3A_318 = tpu.memref_slice %arg5[%gather3A_314, %gather3A_315, %gather3A_316, %gather3A_317] : memref<2x2x8x512xf32, #tpu.memory_space<vmem>> -> memref<1x2x8x512xf32, #tpu.memory_space<vmem>>
        %gather3A_319 = tpu.memref_squeeze %gather3A_318 : memref<1x2x8x512xf32, #tpu.memory_space<vmem>> -> memref<2x8x512xf32, #tpu.memory_space<vmem>>
        %gather3A_320 = tpu.vector_load_idx %gather3A_319[%select_n3A, %select_n3A_45, %add3A_311] : memref<2x8x512xf32, #tpu.memory_space<vmem>>[vector<16xi32>, vector<16xi32>, vector<16xi32>], vector<16xf32>,
        %mul3A_321 = arith.constant 16 : i32
        %mul3A_322 = arith.muli %scan3A_313, %mul3A_321 : i32
        %swap3A_323 = arith.constant 0 : i32
        %swap3A_324 = arith.index_cast %swap3A_323 : i32 to index
        %swap3A_325 = arith.index_cast %mul3A_322 : i32 to index
        %swap3A_326 = tpu.vector_load %arg6[%swap3A_324, %swap3A_325] {strides = array<i32>} : memref<2x8192xf32, #tpu.memory_space<vmem>>, vector<16xf32>,
        tpu.vector_store %arg6[%swap3A_324, %swap3A_325], %gather3A_320 {strides = array<i32>} : memref<2x8192xf32, #tpu.memory_space<vmem>>, vector<16xf32>,
        %add3A_327 = arith.constant 1 : i32
        %add3A_328 = vector.broadcast %add3A_327 : i32 to vector<16xi32>
        %add3A_329 = arith.addi %add3A_311, %add3A_328 : vector<16xi32>
        scf.yield %add3A_329 : vector<16xi32>
      }
      %scan3A_164 = arith.constant 512 : i32
      %mul3A_165 = arith.constant 512 : i32
      %mul3A_166 = arith.muli %mul3A_115, %mul3A_165 : i32
      %add3A_167 = arith.addi %mul3A_2, %mul3A_166 : i32
      %mul3A_168 = arith.constant 16 : i32
      %mul3A_169 = arith.muli %add3A_167, %mul3A_168 : i32
      %dma_start3A_170 = arith.constant 0 : i32
      %dma_start3A_171 = arith.constant 0 : i32
      %dma_start3A_172 = tpu.memref_slice %arg6[%dma_start3A_170, %dma_start3A_171] : memref<2x8192xf32, #tpu.memory_space<vmem>> -> memref<1x8192xf32, #tpu.memory_space<vmem>>
      %dma_start3A_173 = tpu.memref_squeeze %dma_start3A_172 : memref<1x8192xf32, #tpu.memory_space<vmem>> -> memref<8192xf32, #tpu.memory_space<vmem>>
      %dma_start3A_174 = tpu.memref_slice %arg4[%mul3A_169] : memref<16000000xf32, #tpu.memory_space<hbm>> -> memref<8192xf32, #tpu.memory_space<hbm>>
      %dma_start3A_175 = tpu.memref_slice %arg4[%mul3A_169] : memref<16000000xf32, #tpu.memory_space<hbm>> -> memref<8192xf32, #tpu.memory_space<hbm>>
      %dma_start3A_176 = arith.constant 0 : i32
      %dma_start3A_177 = tpu.memref_slice %arg6[%dma_start3A_170, %dma_start3A_176] : memref<2x8192xf32, #tpu.memory_space<vmem>> -> memref<1x8192xf32, #tpu.memory_space<vmem>>
      %dma_start3A_178 = tpu.memref_squeeze %dma_start3A_177 : memref<1x8192xf32, #tpu.memory_space<vmem>> -> memref<8192xf32, #tpu.memory_space<vmem>>
      tpu.enqueue_dma source(%dma_start3A_178 : memref<8192xf32, #tpu.memory_space<vmem>>) target(%dma_start3A_175 : memref<8192xf32, #tpu.memory_space<hbm>>) target_semaphore(%arg9 : memref<!tpu.dma_semaphore, #tpu.memory_space<semaphore_mem>>)
      %mul3A_179 = arith.constant 2 : i32
      %mul3A_180 = arith.muli %scan3A_113, %mul3A_179 : i32
      %add3A_181 = arith.constant 1 : i32
      %add3A_182 = arith.addi %mul3A_180, %add3A_181 : i32
      %lt3A_183 = arith.constant 61 : i32
      %lt3A_184 = arith.cmpi slt, %add3A_182, %lt3A_183 : i32
      %convert_element_type3A_185 = arith.extui %lt3A_184 : i1 to i32
      %cond3A_186 = arith.constant 0 : i32
      %cond3A_187 = arith.cmpi ne, %convert_element_type3A_185, %cond3A_186 : i32
      scf.if %cond3A_187 {
        %mul3A_188 = arith.constant 2 : i32
        %mul3A_189 = arith.muli %scan3A_113, %mul3A_188 : i32
        %add3A_190 = arith.constant 1 : i32
        %add3A_191 = arith.addi %mul3A_189, %add3A_190 : i32
        %mul3A_192 = arith.constant 512 : i32
        %mul3A_193 = arith.muli %add3A_191, %mul3A_192 : i32
        %add3A_194 = arith.addi %mul3A_2, %mul3A_193 : i32
        %dma_wait3A_195 = arith.constant 1 : i32
        %dma_wait3A_196 = arith.constant 0 : i32
        %dma_wait3A_197 = arith.constant 0 : i32
        %dma_wait3A_198 = arith.constant 0 : i32
        %dma_wait3A_199 = tpu.memref_slice %arg5[%dma_wait3A_195, %dma_wait3A_196, %dma_wait3A_197, %dma_wait3A_198] : memref<2x2x8x512xf32, #tpu.memory_space<vmem>> -> memref<1x1x8x512xf32, #tpu.memory_space<vmem>>
        %dma_wait3A_200 = tpu.memref_squeeze %dma_wait3A_199 : memref<1x1x8x512xf32, #tpu.memory_space<vmem>> -> memref<8x512xf32, #tpu.memory_space<vmem>>
        %dma_wait3A_201 = arith.constant 0 : i32
        %dma_wait3A_202 = tpu.memref_slice %arg2[%dma_wait3A_201, %add3A_194] : memref<16x1000000xf32, #tpu.memory_space<hbm>> -> memref<8x512xf32, #tpu.memory_space<hbm>>
        %dma_wait3A_203 = arith.constant 0 : i32
        %dma_wait3A_204 = arith.constant 0 : i32
        %dma_wait3A_205 = tpu.memref_slice %arg5[%dma_wait3A_195, %dma_wait3A_196, %dma_wait3A_203, %dma_wait3A_204] : memref<2x2x8x512xf32, #tpu.memory_space<vmem>> -> memref<1x1x8x512xf32, #tpu.memory_space<vmem>>
        %dma_wait3A_206 = tpu.memref_squeeze %dma_wait3A_205 : memref<1x1x8x512xf32, #tpu.memory_space<vmem>> -> memref<8x512xf32, #tpu.memory_space<vmem>>
        %dma_wait3A_207 = arith.constant 0 : i32
        %dma_wait3A_208 = tpu.memref_slice %arg2[%dma_wait3A_207, %add3A_194] : memref<16x1000000xf32, #tpu.memory_space<hbm>> -> memref<8x512xf32, #tpu.memory_space<hbm>>
        tpu.wait_dma2 semaphore(%arg8 : memref<!tpu.dma_semaphore, #tpu.memory_space<semaphore_mem>>) src(%dma_wait3A_208 : memref<8x512xf32, #tpu.memory_space<hbm>>) dst(%dma_wait3A_206 : memref<8x512xf32, #tpu.memory_space<vmem>>)
        %dma_wait3A_209 = arith.constant 1 : i32
        %dma_wait3A_210 = arith.constant 1 : i32
        %dma_wait3A_211 = arith.constant 0 : i32
        %dma_wait3A_212 = arith.constant 0 : i32
        %dma_wait3A_213 = tpu.memref_slice %arg5[%dma_wait3A_209, %dma_wait3A_210, %dma_wait3A_211, %dma_wait3A_212] : memref<2x2x8x512xf32, #tpu.memory_space<vmem>> -> memref<1x1x8x512xf32, #tpu.memory_space<vmem>>
        %dma_wait3A_214 = tpu.memref_squeeze %dma_wait3A_213 : memref<1x1x8x512xf32, #tpu.memory_space<vmem>> -> memref<8x512xf32, #tpu.memory_space<vmem>>
        %dma_wait3A_215 = arith.constant 8 : i32
        %dma_wait3A_216 = tpu.memref_slice %arg2[%dma_wait3A_215, %add3A_194] : memref<16x1000000xf32, #tpu.memory_space<hbm>> -> memref<8x512xf32, #tpu.memory_space<hbm>>
        %dma_wait3A_217 = arith.constant 0 : i32
        %dma_wait3A_218 = arith.constant 0 : i32
        %dma_wait3A_219 = tpu.memref_slice %arg5[%dma_wait3A_209, %dma_wait3A_210, %dma_wait3A_217, %dma_wait3A_218] : memref<2x2x8x512xf32, #tpu.memory_space<vmem>> -> memref<1x1x8x512xf32, #tpu.memory_space<vmem>>
        %dma_wait3A_220 = tpu.memref_squeeze %dma_wait3A_219 : memref<1x1x8x512xf32, #tpu.memory_space<vmem>> -> memref<8x512xf32, #tpu.memory_space<vmem>>
        %dma_wait3A_221 = arith.constant 8 : i32
        %dma_wait3A_222 = tpu.memref_slice %arg2[%dma_wait3A_221, %add3A_194] : memref<16x1000000xf32, #tpu.memory_space<hbm>> -> memref<8x512xf32, #tpu.memory_space<hbm>>
        tpu.wait_dma2 semaphore(%arg8 : memref<!tpu.dma_semaphore, #tpu.memory_space<semaphore_mem>>) src(%dma_wait3A_222 : memref<8x512xf32, #tpu.memory_space<hbm>>) dst(%dma_wait3A_220 : memref<8x512xf32, #tpu.memory_space<vmem>>)
        %add3A_223 = arith.constant 1 : i32
        %add3A_224 = arith.addi %add3A_191, %add3A_223 : i32
        %lt3A_225 = arith.constant 61 : i32
        %lt3A_226 = arith.cmpi slt, %add3A_224, %lt3A_225 : i32
        %convert_element_type3A_227 = arith.extui %lt3A_226 : i1 to i32
        %cond3A_228 = arith.constant 0 : i32
        %cond3A_229 = arith.cmpi ne, %convert_element_type3A_227, %cond3A_228 : i32
        scf.if %cond3A_229 {
          %add3A_257 = arith.constant 1 : i32
          %add3A_258 = arith.addi %add3A_191, %add3A_257 : i32
          %mul3A_259 = arith.constant 512 : i32
          %mul3A_260 = arith.muli %add3A_258, %mul3A_259 : i32
          %add3A_261 = arith.addi %mul3A_2, %mul3A_260 : i32
          %dma_start3A_262 = arith.constant 0 : i32
          %dma_start3A_263 = arith.constant 0 : i32
          %dma_start3A_264 = arith.constant 0 : i32
          %dma_start3A_265 = arith.constant 0 : i32
          %dma_start3A_266 = tpu.memref_slice %arg5[%dma_start3A_262, %dma_start3A_263, %dma_start3A_264, %dma_start3A_265] : memref<2x2x8x512xf32, #tpu.memory_space<vmem>> -> memref<1x1x8x512xf32, #tpu.memory_space<vmem>>
          %dma_start3A_267 = tpu.memref_squeeze %dma_start3A_266 : memref<1x1x8x512xf32, #tpu.memory_space<vmem>> -> memref<8x512xf32, #tpu.memory_space<vmem>>
          %dma_start3A_268 = arith.constant 0 : i32
          %dma_start3A_269 = tpu.memref_slice %arg2[%dma_start3A_268, %add3A_261] : memref<16x1000000xf32, #tpu.memory_space<hbm>> -> memref<8x512xf32, #tpu.memory_space<hbm>>
          %dma_start3A_270 = arith.constant 0 : i32
          %dma_start3A_271 = arith.constant 0 : i32
          %dma_start3A_272 = tpu.memref_slice %arg5[%dma_start3A_262, %dma_start3A_263, %dma_start3A_270, %dma_start3A_271] : memref<2x2x8x512xf32, #tpu.memory_space<vmem>> -> memref<1x1x8x512xf32, #tpu.memory_space<vmem>>
          %dma_start3A_273 = tpu.memref_squeeze %dma_start3A_272 : memref<1x1x8x512xf32, #tpu.memory_space<vmem>> -> memref<8x512xf32, #tpu.memory_space<vmem>>
          %dma_start3A_274 = arith.constant 0 : i32
          %dma_start3A_275 = tpu.memref_slice %arg2[%dma_start3A_274, %add3A_261] : memref<16x1000000xf32, #tpu.memory_space<hbm>> -> memref<8x512xf32, #tpu.memory_space<hbm>>
          tpu.enqueue_dma source(%dma_start3A_275 : memref<8x512xf32, #tpu.memory_space<hbm>>) target(%dma_start3A_273 : memref<8x512xf32, #tpu.memory_space<vmem>>) target_semaphore(%arg7 : memref<!tpu.dma_semaphore, #tpu.memory_space<semaphore_mem>>)
          %dma_start3A_276 = arith.constant 0 : i32
          %dma_start3A_277 = arith.constant 1 : i32
          %dma_start3A_278 = arith.constant 0 : i32
          %dma_start3A_279 = arith.constant 0 : i32
          %dma_start3A_280 = tpu.memref_slice %arg5[%dma_start3A_276, %dma_start3A_277, %dma_start3A_278, %dma_start3A_279] : memref<2x2x8x512xf32, #tpu.memory_space<vmem>> -> memref<1x1x8x512xf32, #tpu.memory_space<vmem>>
          %dma_start3A_281 = tpu.memref_squeeze %dma_start3A_280 : memref<1x1x8x512xf32, #tpu.memory_space<vmem>> -> memref<8x512xf32, #tpu.memory_space<vmem>>
          %dma_start3A_282 = arith.constant 8 : i32
          %dma_start3A_283 = tpu.memref_slice %arg2[%dma_start3A_282, %add3A_261] : memref<16x1000000xf32, #tpu.memory_space<hbm>> -> memref<8x512xf32, #tpu.memory_space<hbm>>
          %dma_start3A_284 = arith.constant 0 : i32
          %dma_start3A_285 = arith.constant 0 : i32
          %dma_start3A_286 = tpu.memref_slice %arg5[%dma_start3A_276, %dma_start3A_277, %dma_start3A_284, %dma_start3A_285] : memref<2x2x8x512xf32, #tpu.memory_space<vmem>> -> memref<1x1x8x512xf32, #tpu.memory_space<vmem>>
          %dma_start3A_287 = tpu.memref_squeeze %dma_start3A_286 : memref<1x1x8x512xf32, #tpu.memory_space<vmem>> -> memref<8x512xf32, #tpu.memory_space<vmem>>
          %dma_start3A_288 = arith.constant 8 : i32
          %dma_start3A_289 = tpu.memref_slice %arg2[%dma_start3A_288, %add3A_261] : memref<16x1000000xf32, #tpu.memory_space<hbm>> -> memref<8x512xf32, #tpu.memory_space<hbm>>
          tpu.enqueue_dma source(%dma_start3A_289 : memref<8x512xf32, #tpu.memory_space<hbm>>) target(%dma_start3A_287 : memref<8x512xf32, #tpu.memory_space<vmem>>) target_semaphore(%arg7 : memref<!tpu.dma_semaphore, #tpu.memory_space<semaphore_mem>>)
        } else {
        }
        %ge3A_230 = arith.constant 2 : i32
        %ge3A_231 = arith.cmpi sge, %add3A_191, %ge3A_230 : i32
        %convert_element_type3A_232 = arith.extui %ge3A_231 : i1 to i32
        %cond3A_233 = arith.constant 0 : i32
        %cond3A_234 = arith.cmpi ne, %convert_element_type3A_232, %cond3A_233 : i32
        scf.if %cond3A_234 {
          %sub3A_257 = arith.constant 2 : i32
          %sub3A_258 = arith.subi %add3A_191, %sub3A_257 : i32
          %mul3A_259 = arith.constant 512 : i32
          %mul3A_260 = arith.muli %sub3A_258, %mul3A_259 : i32
          %add3A_261 = arith.addi %mul3A_2, %mul3A_260 : i32
          %mul3A_262 = arith.constant 16 : i32
          %mul3A_263 = arith.muli %add3A_261, %mul3A_262 : i32
          %dma_wait3A_264 = arith.constant 1 : i32
          %dma_wait3A_265 = arith.constant 0 : i32
          %dma_wait3A_266 = tpu.memref_slice %arg6[%dma_wait3A_264, %dma_wait3A_265] : memref<2x8192xf32, #tpu.memory_space<vmem>> -> memref<1x8192xf32, #tpu.memory_space<vmem>>
          %dma_wait3A_267 = tpu.memref_squeeze %dma_wait3A_266 : memref<1x8192xf32, #tpu.memory_space<vmem>> -> memref<8192xf32, #tpu.memory_space<vmem>>
          %dma_wait3A_268 = tpu.memref_slice %arg4[%mul3A_263] : memref<16000000xf32, #tpu.memory_space<hbm>> -> memref<8192xf32, #tpu.memory_space<hbm>>
          %dma_wait3A_269 = tpu.memref_slice %arg4[%mul3A_263] : memref<16000000xf32, #tpu.memory_space<hbm>> -> memref<8192xf32, #tpu.memory_space<hbm>>
          %dma_wait3A_270 = arith.constant 0 : i32
          %dma_wait3A_271 = tpu.memref_slice %arg6[%dma_wait3A_264, %dma_wait3A_270] : memref<2x8192xf32, #tpu.memory_space<vmem>> -> memref<1x8192xf32, #tpu.memory_space<vmem>>
          %dma_wait3A_272 = tpu.memref_squeeze %dma_wait3A_271 : memref<1x8192xf32, #tpu.memory_space<vmem>> -> memref<8192xf32, #tpu.memory_space<vmem>>
          tpu.wait_dma2 semaphore(%arg10 : memref<!tpu.dma_semaphore, #tpu.memory_space<semaphore_mem>>) src(%dma_wait3A_272 : memref<8192xf32, #tpu.memory_space<vmem>>) dst(%dma_wait3A_269 : memref<8192xf32, #tpu.memory_space<hbm>>)
        } else {
        }
        %broadcast_in_dim3A_235 = arith.constant 0 : i32
        %broadcast_in_dim3A_236 = vector.broadcast %broadcast_in_dim3A_235 : i32 to vector<16xi32>
        %scan3A_237 = arith.constant 0 : i32
        %scan3A_238 = arith.constant 512 : i32
        %scan3A_239 = arith.addi %scan3A_237, %scan3A_238 : i32
        %scan3A_240 = arith.constant 8 : i32
        %scan3A_241 = scf.for %scan3A_257 = %scan3A_237 to %scan3A_239 step %scan3A_240 iter_args(%scan3A_258 = %broadcast_in_dim3A_236) -> (vector<16xi32>)  : i32 {
          %gather3A = arith.constant 1 : i32
          %gather3A_259 = arith.constant 0 : i32
          %gather3A_260 = arith.constant 0 : i32
          %gather3A_261 = arith.constant 0 : i32
          %gather3A_262 = tpu.memref_slice %arg5[%gather3A, %gather3A_259, %gather3A_260, %gather3A_261] : memref<2x2x8x512xf32, #tpu.memory_space<vmem>> -> memref<1x2x8x512xf32, #tpu.memory_space<vmem>>
          %gather3A_263 = tpu.memref_squeeze %gather3A_262 : memref<1x2x8x512xf32, #tpu.memory_space<vmem>> -> memref<2x8x512xf32, #tpu.memory_space<vmem>>
          %gather3A_264 = tpu.vector_load_idx %gather3A_263[%select_n3A, %select_n3A_45, %scan3A_258] : memref<2x8x512xf32, #tpu.memory_space<vmem>>[vector<16xi32>, vector<16xi32>, vector<16xi32>], vector<16xf32>,
          %mul3A_265 = arith.constant 16 : i32
          %mul3A_266 = arith.muli %scan3A_257, %mul3A_265 : i32
          %swap3A = arith.constant 1 : i32
          %swap3A_267 = arith.index_cast %swap3A : i32 to index
          %swap3A_268 = arith.index_cast %mul3A_266 : i32 to index
          %swap3A_269 = tpu.vector_load %arg6[%swap3A_267, %swap3A_268] {strides = array<i32>} : memref<2x8192xf32, #tpu.memory_space<vmem>>, vector<16xf32>,
          tpu.vector_store %arg6[%swap3A_267, %swap3A_268], %gather3A_264 {strides = array<i32>} : memref<2x8192xf32, #tpu.memory_space<vmem>>, vector<16xf32>,
          %add3A_270 = arith.constant 1 : i32
          %add3A_271 = vector.broadcast %add3A_270 : i32 to vector<16xi32>
          %add3A_272 = arith.addi %scan3A_258, %add3A_271 : vector<16xi32>
          %scan3A_273 = arith.constant 1 : i32
          %scan3A_274 = arith.addi %scan3A_257, %scan3A_273 : i32
          %gather3A_275 = arith.constant 1 : i32
          %gather3A_276 = arith.constant 0 : i32
          %gather3A_277 = arith.constant 0 : i32
          %gather3A_278 = arith.constant 0 : i32
          %gather3A_279 = tpu.memref_slice %arg5[%gather3A_275, %gather3A_276, %gather3A_277, %gather3A_278] : memref<2x2x8x512xf32, #tpu.memory_space<vmem>> -> memref<1x2x8x512xf32, #tpu.memory_space<vmem>>
          %gather3A_280 = tpu.memref_squeeze %gather3A_279 : memref<1x2x8x512xf32, #tpu.memory_space<vmem>> -> memref<2x8x512xf32, #tpu.memory_space<vmem>>
          %gather3A_281 = tpu.vector_load_idx %gather3A_280[%select_n3A, %select_n3A_45, %add3A_272] : memref<2x8x512xf32, #tpu.memory_space<vmem>>[vector<16xi32>, vector<16xi32>, vector<16xi32>], vector<16xf32>,
          %mul3A_282 = arith.constant 16 : i32
          %mul3A_283 = arith.muli %scan3A_274, %mul3A_282 : i32
          %swap3A_284 = arith.constant 1 : i32
          %swap3A_285 = arith.index_cast %swap3A_284 : i32 to index
          %swap3A_286 = arith.index_cast %mul3A_283 : i32 to index
          %swap3A_287 = tpu.vector_load %arg6[%swap3A_285, %swap3A_286] {strides = array<i32>} : memref<2x8192xf32, #tpu.memory_space<vmem>>, vector<16xf32>,
          tpu.vector_store %arg6[%swap3A_285, %swap3A_286], %gather3A_281 {strides = array<i32>} : memref<2x8192xf32, #tpu.memory_space<vmem>>, vector<16xf32>,
          %add3A_288 = arith.constant 1 : i32
          %add3A_289 = vector.broadcast %add3A_288 : i32 to vector<16xi32>
          %add3A_290 = arith.addi %add3A_272, %add3A_289 : vector<16xi32>
          %scan3A_291 = arith.constant 2 : i32
          %scan3A_292 = arith.addi %scan3A_257, %scan3A_291 : i32
          %gather3A_293 = arith.constant 1 : i32
          %gather3A_294 = arith.constant 0 : i32
          %gather3A_295 = arith.constant 0 : i32
          %gather3A_296 = arith.constant 0 : i32
          %gather3A_297 = tpu.memref_slice %arg5[%gather3A_293, %gather3A_294, %gather3A_295, %gather3A_296] : memref<2x2x8x512xf32, #tpu.memory_space<vmem>> -> memref<1x2x8x512xf32, #tpu.memory_space<vmem>>
          %gather3A_298 = tpu.memref_squeeze %gather3A_297 : memref<1x2x8x512xf32, #tpu.memory_space<vmem>> -> memref<2x8x512xf32, #tpu.memory_space<vmem>>
          %gather3A_299 = tpu.vector_load_idx %gather3A_298[%select_n3A, %select_n3A_45, %add3A_290] : memref<2x8x512xf32, #tpu.memory_space<vmem>>[vector<16xi32>, vector<16xi32>, vector<16xi32>], vector<16xf32>,
          %mul3A_300 = arith.constant 16 : i32
          %mul3A_301 = arith.muli %scan3A_292, %mul3A_300 : i32
          %swap3A_302 = arith.constant 1 : i32
          %swap3A_303 = arith.index_cast %swap3A_302 : i32 to index
          %swap3A_304 = arith.index_cast %mul3A_301 : i32 to index
          %swap3A_305 = tpu.vector_load %arg6[%swap3A_303, %swap3A_304] {strides = array<i32>} : memref<2x8192xf32, #tpu.memory_space<vmem>>, vector<16xf32>,
          tpu.vector_store %arg6[%swap3A_303, %swap3A_304], %gather3A_299 {strides = array<i32>} : memref<2x8192xf32, #tpu.memory_space<vmem>>, vector<16xf32>,
          %add3A_306 = arith.constant 1 : i32
          %add3A_307 = vector.broadcast %add3A_306 : i32 to vector<16xi32>
          %add3A_308 = arith.addi %add3A_290, %add3A_307 : vector<16xi32>
          %scan3A_309 = arith.constant 3 : i32
          %scan3A_310 = arith.addi %scan3A_257, %scan3A_309 : i32
          %gather3A_311 = arith.constant 1 : i32
          %gather3A_312 = arith.constant 0 : i32
          %gather3A_313 = arith.constant 0 : i32
          %gather3A_314 = arith.constant 0 : i32
          %gather3A_315 = tpu.memref_slice %arg5[%gather3A_311, %gather3A_312, %gather3A_313, %gather3A_314] : memref<2x2x8x512xf32, #tpu.memory_space<vmem>> -> memref<1x2x8x512xf32, #tpu.memory_space<vmem>>
          %gather3A_316 = tpu.memref_squeeze %gather3A_315 : memref<1x2x8x512xf32, #tpu.memory_space<vmem>> -> memref<2x8x512xf32, #tpu.memory_space<vmem>>
          %gather3A_317 = tpu.vector_load_idx %gather3A_316[%select_n3A, %select_n3A_45, %add3A_308] : memref<2x8x512xf32, #tpu.memory_space<vmem>>[vector<16xi32>, vector<16xi32>, vector<16xi32>], vector<16xf32>,
          %mul3A_318 = arith.constant 16 : i32
          %mul3A_319 = arith.muli %scan3A_310, %mul3A_318 : i32
          %swap3A_320 = arith.constant 1 : i32
          %swap3A_321 = arith.index_cast %swap3A_320 : i32 to index
          %swap3A_322 = arith.index_cast %mul3A_319 : i32 to index
          %swap3A_323 = tpu.vector_load %arg6[%swap3A_321, %swap3A_322] {strides = array<i32>} : memref<2x8192xf32, #tpu.memory_space<vmem>>, vector<16xf32>,
          tpu.vector_store %arg6[%swap3A_321, %swap3A_322], %gather3A_317 {strides = array<i32>} : memref<2x8192xf32, #tpu.memory_space<vmem>>, vector<16xf32>,
          %add3A_324 = arith.constant 1 : i32
          %add3A_325 = vector.broadcast %add3A_324 : i32 to vector<16xi32>
          %add3A_326 = arith.addi %add3A_308, %add3A_325 : vector<16xi32>
          %scan3A_327 = arith.constant 4 : i32
          %scan3A_328 = arith.addi %scan3A_257, %scan3A_327 : i32
          %gather3A_329 = arith.constant 1 : i32
          %gather3A_330 = arith.constant 0 : i32
          %gather3A_331 = arith.constant 0 : i32
          %gather3A_332 = arith.constant 0 : i32
          %gather3A_333 = tpu.memref_slice %arg5[%gather3A_329, %gather3A_330, %gather3A_331, %gather3A_332] : memref<2x2x8x512xf32, #tpu.memory_space<vmem>> -> memref<1x2x8x512xf32, #tpu.memory_space<vmem>>
          %gather3A_334 = tpu.memref_squeeze %gather3A_333 : memref<1x2x8x512xf32, #tpu.memory_space<vmem>> -> memref<2x8x512xf32, #tpu.memory_space<vmem>>
          %gather3A_335 = tpu.vector_load_idx %gather3A_334[%select_n3A, %select_n3A_45, %add3A_326] : memref<2x8x512xf32, #tpu.memory_space<vmem>>[vector<16xi32>, vector<16xi32>, vector<16xi32>], vector<16xf32>,
          %mul3A_336 = arith.constant 16 : i32
          %mul3A_337 = arith.muli %scan3A_328, %mul3A_336 : i32
          %swap3A_338 = arith.constant 1 : i32
          %swap3A_339 = arith.index_cast %swap3A_338 : i32 to index
          %swap3A_340 = arith.index_cast %mul3A_337 : i32 to index
          %swap3A_341 = tpu.vector_load %arg6[%swap3A_339, %swap3A_340] {strides = array<i32>} : memref<2x8192xf32, #tpu.memory_space<vmem>>, vector<16xf32>,
          tpu.vector_store %arg6[%swap3A_339, %swap3A_340], %gather3A_335 {strides = array<i32>} : memref<2x8192xf32, #tpu.memory_space<vmem>>, vector<16xf32>,
          %add3A_342 = arith.constant 1 : i32
          %add3A_343 = vector.broadcast %add3A_342 : i32 to vector<16xi32>
          %add3A_344 = arith.addi %add3A_326, %add3A_343 : vector<16xi32>
          %scan3A_345 = arith.constant 5 : i32
          %scan3A_346 = arith.addi %scan3A_257, %scan3A_345 : i32
          %gather3A_347 = arith.constant 1 : i32
          %gather3A_348 = arith.constant 0 : i32
          %gather3A_349 = arith.constant 0 : i32
          %gather3A_350 = arith.constant 0 : i32
          %gather3A_351 = tpu.memref_slice %arg5[%gather3A_347, %gather3A_348, %gather3A_349, %gather3A_350] : memref<2x2x8x512xf32, #tpu.memory_space<vmem>> -> memref<1x2x8x512xf32, #tpu.memory_space<vmem>>
          %gather3A_352 = tpu.memref_squeeze %gather3A_351 : memref<1x2x8x512xf32, #tpu.memory_space<vmem>> -> memref<2x8x512xf32, #tpu.memory_space<vmem>>
          %gather3A_353 = tpu.vector_load_idx %gather3A_352[%select_n3A, %select_n3A_45, %add3A_344] : memref<2x8x512xf32, #tpu.memory_space<vmem>>[vector<16xi32>, vector<16xi32>, vector<16xi32>], vector<16xf32>,
          %mul3A_354 = arith.constant 16 : i32
          %mul3A_355 = arith.muli %scan3A_346, %mul3A_354 : i32
          %swap3A_356 = arith.constant 1 : i32
          %swap3A_357 = arith.index_cast %swap3A_356 : i32 to index
          %swap3A_358 = arith.index_cast %mul3A_355 : i32 to index
          %swap3A_359 = tpu.vector_load %arg6[%swap3A_357, %swap3A_358] {strides = array<i32>} : memref<2x8192xf32, #tpu.memory_space<vmem>>, vector<16xf32>,
          tpu.vector_store %arg6[%swap3A_357, %swap3A_358], %gather3A_353 {strides = array<i32>} : memref<2x8192xf32, #tpu.memory_space<vmem>>, vector<16xf32>,
          %add3A_360 = arith.constant 1 : i32
          %add3A_361 = vector.broadcast %add3A_360 : i32 to vector<16xi32>
          %add3A_362 = arith.addi %add3A_344, %add3A_361 : vector<16xi32>
          %scan3A_363 = arith.constant 6 : i32
          %scan3A_364 = arith.addi %scan3A_257, %scan3A_363 : i32
          %gather3A_365 = arith.constant 1 : i32
          %gather3A_366 = arith.constant 0 : i32
          %gather3A_367 = arith.constant 0 : i32
          %gather3A_368 = arith.constant 0 : i32
          %gather3A_369 = tpu.memref_slice %arg5[%gather3A_365, %gather3A_366, %gather3A_367, %gather3A_368] : memref<2x2x8x512xf32, #tpu.memory_space<vmem>> -> memref<1x2x8x512xf32, #tpu.memory_space<vmem>>
          %gather3A_370 = tpu.memref_squeeze %gather3A_369 : memref<1x2x8x512xf32, #tpu.memory_space<vmem>> -> memref<2x8x512xf32, #tpu.memory_space<vmem>>
          %gather3A_371 = tpu.vector_load_idx %gather3A_370[%select_n3A, %select_n3A_45, %add3A_362] : memref<2x8x512xf32, #tpu.memory_space<vmem>>[vector<16xi32>, vector<16xi32>, vector<16xi32>], vector<16xf32>,
          %mul3A_372 = arith.constant 16 : i32
          %mul3A_373 = arith.muli %scan3A_364, %mul3A_372 : i32
          %swap3A_374 = arith.constant 1 : i32
          %swap3A_375 = arith.index_cast %swap3A_374 : i32 to index
          %swap3A_376 = arith.index_cast %mul3A_373 : i32 to index
          %swap3A_377 = tpu.vector_load %arg6[%swap3A_375, %swap3A_376] {strides = array<i32>} : memref<2x8192xf32, #tpu.memory_space<vmem>>, vector<16xf32>,
          tpu.vector_store %arg6[%swap3A_375, %swap3A_376], %gather3A_371 {strides = array<i32>} : memref<2x8192xf32, #tpu.memory_space<vmem>>, vector<16xf32>,
          %add3A_378 = arith.constant 1 : i32
          %add3A_379 = vector.broadcast %add3A_378 : i32 to vector<16xi32>
          %add3A_380 = arith.addi %add3A_362, %add3A_379 : vector<16xi32>
          %scan3A_381 = arith.constant 7 : i32
          %scan3A_382 = arith.addi %scan3A_257, %scan3A_381 : i32
          %gather3A_383 = arith.constant 1 : i32
          %gather3A_384 = arith.constant 0 : i32
          %gather3A_385 = arith.constant 0 : i32
          %gather3A_386 = arith.constant 0 : i32
          %gather3A_387 = tpu.memref_slice %arg5[%gather3A_383, %gather3A_384, %gather3A_385, %gather3A_386] : memref<2x2x8x512xf32, #tpu.memory_space<vmem>> -> memref<1x2x8x512xf32, #tpu.memory_space<vmem>>
          %gather3A_388 = tpu.memref_squeeze %gather3A_387 : memref<1x2x8x512xf32, #tpu.memory_space<vmem>> -> memref<2x8x512xf32, #tpu.memory_space<vmem>>
          %gather3A_389 = tpu.vector_load_idx %gather3A_388[%select_n3A, %select_n3A_45, %add3A_380] : memref<2x8x512xf32, #tpu.memory_space<vmem>>[vector<16xi32>, vector<16xi32>, vector<16xi32>], vector<16xf32>,
          %mul3A_390 = arith.constant 16 : i32
          %mul3A_391 = arith.muli %scan3A_382, %mul3A_390 : i32
          %swap3A_392 = arith.constant 1 : i32
          %swap3A_393 = arith.index_cast %swap3A_392 : i32 to index
          %swap3A_394 = arith.index_cast %mul3A_391 : i32 to index
          %swap3A_395 = tpu.vector_load %arg6[%swap3A_393, %swap3A_394] {strides = array<i32>} : memref<2x8192xf32, #tpu.memory_space<vmem>>, vector<16xf32>,
          tpu.vector_store %arg6[%swap3A_393, %swap3A_394], %gather3A_389 {strides = array<i32>} : memref<2x8192xf32, #tpu.memory_space<vmem>>, vector<16xf32>,
          %add3A_396 = arith.constant 1 : i32
          %add3A_397 = vector.broadcast %add3A_396 : i32 to vector<16xi32>
          %add3A_398 = arith.addi %add3A_380, %add3A_397 : vector<16xi32>
          scf.yield %add3A_398 : vector<16xi32>
        }
        %scan3A_242 = arith.constant 512 : i32
        %mul3A_243 = arith.constant 512 : i32
        %mul3A_244 = arith.muli %add3A_191, %mul3A_243 : i32
        %add3A_245 = arith.addi %mul3A_2, %mul3A_244 : i32
        %mul3A_246 = arith.constant 16 : i32
        %mul3A_247 = arith.muli %add3A_245, %mul3A_246 : i32
        %dma_start3A_248 = arith.constant 1 : i32
        %dma_start3A_249 = arith.constant 0 : i32
        %dma_start3A_250 = tpu.memref_slice %arg6[%dma_start3A_248, %dma_start3A_249] : memref<2x8192xf32, #tpu.memory_space<vmem>> -> memref<1x8192xf32, #tpu.memory_space<vmem>>
        %dma_start3A_251 = tpu.memref_squeeze %dma_start3A_250 : memref<1x8192xf32, #tpu.memory_space<vmem>> -> memref<8192xf32, #tpu.memory_space<vmem>>
        %dma_start3A_252 = tpu.memref_slice %arg4[%mul3A_247] : memref<16000000xf32, #tpu.memory_space<hbm>> -> memref<8192xf32, #tpu.memory_space<hbm>>
        %dma_start3A_253 = tpu.memref_slice %arg4[%mul3A_247] : memref<16000000xf32, #tpu.memory_space<hbm>> -> memref<8192xf32, #tpu.memory_space<hbm>>
        %dma_start3A_254 = arith.constant 0 : i32
        %dma_start3A_255 = tpu.memref_slice %arg6[%dma_start3A_248, %dma_start3A_254] : memref<2x8192xf32, #tpu.memory_space<vmem>> -> memref<1x8192xf32, #tpu.memory_space<vmem>>
        %dma_start3A_256 = tpu.memref_squeeze %dma_start3A_255 : memref<1x8192xf32, #tpu.memory_space<vmem>> -> memref<8192xf32, #tpu.memory_space<vmem>>
        tpu.enqueue_dma source(%dma_start3A_256 : memref<8192xf32, #tpu.memory_space<vmem>>) target(%dma_start3A_253 : memref<8192xf32, #tpu.memory_space<hbm>>) target_semaphore(%arg10 : memref<!tpu.dma_semaphore, #tpu.memory_space<semaphore_mem>>)
      } else {
      }
    }
    %scan3A_79 = arith.constant 31 : i32
    %add3A_80 = arith.constant 30208 : i32
    %add3A_81 = arith.addi %mul3A_2, %add3A_80 : i32
    %mul3A_82 = arith.constant 16 : i32
    %mul3A_83 = arith.muli %add3A_81, %mul3A_82 : i32
    %dma_wait3A = arith.constant 1 : i32
    %dma_wait3A_84 = arith.constant 0 : i32
    %dma_wait3A_85 = tpu.memref_slice %arg6[%dma_wait3A, %dma_wait3A_84] : memref<2x8192xf32, #tpu.memory_space<vmem>> -> memref<1x8192xf32, #tpu.memory_space<vmem>>
    %dma_wait3A_86 = tpu.memref_squeeze %dma_wait3A_85 : memref<1x8192xf32, #tpu.memory_space<vmem>> -> memref<8192xf32, #tpu.memory_space<vmem>>
    %dma_wait3A_87 = tpu.memref_slice %arg4[%mul3A_83] : memref<16000000xf32, #tpu.memory_space<hbm>> -> memref<8192xf32, #tpu.memory_space<hbm>>
    %dma_wait3A_88 = tpu.memref_slice %arg4[%mul3A_83] : memref<16000000xf32, #tpu.memory_space<hbm>> -> memref<8192xf32, #tpu.memory_space<hbm>>
    %dma_wait3A_89 = arith.constant 0 : i32
    %dma_wait3A_90 = tpu.memref_slice %arg6[%dma_wait3A, %dma_wait3A_89] : memref<2x8192xf32, #tpu.memory_space<vmem>> -> memref<1x8192xf32, #tpu.memory_space<vmem>>
    %dma_wait3A_91 = tpu.memref_squeeze %dma_wait3A_90 : memref<1x8192xf32, #tpu.memory_space<vmem>> -> memref<8192xf32, #tpu.memory_space<vmem>>
    tpu.wait_dma2 semaphore(%arg10 : memref<!tpu.dma_semaphore, #tpu.memory_space<semaphore_mem>>) src(%dma_wait3A_91 : memref<8192xf32, #tpu.memory_space<vmem>>) dst(%dma_wait3A_88 : memref<8192xf32, #tpu.memory_space<hbm>>)
    %add3A_92 = arith.constant 30720 : i32
    %add3A_93 = arith.addi %mul3A_2, %add3A_92 : i32
    %mul3A_94 = arith.constant 16 : i32
    %mul3A_95 = arith.muli %add3A_93, %mul3A_94 : i32
    %dma_wait3A_96 = arith.constant 0 : i32
    %dma_wait3A_97 = arith.constant 0 : i32
    %dma_wait3A_98 = tpu.memref_slice %arg6[%dma_wait3A_96, %dma_wait3A_97] : memref<2x8192xf32, #tpu.memory_space<vmem>> -> memref<1x8192xf32, #tpu.memory_space<vmem>>
    %dma_wait3A_99 = tpu.memref_squeeze %dma_wait3A_98 : memref<1x8192xf32, #tpu.memory_space<vmem>> -> memref<8192xf32, #tpu.memory_space<vmem>>
    %dma_wait3A_100 = tpu.memref_slice %arg4[%mul3A_95] : memref<16000000xf32, #tpu.memory_space<hbm>> -> memref<8192xf32, #tpu.memory_space<hbm>>
    %dma_wait3A_101 = tpu.memref_slice %arg4[%mul3A_95] : memref<16000000xf32, #tpu.memory_space<hbm>> -> memref<8192xf32, #tpu.memory_space<hbm>>
    %dma_wait3A_102 = arith.constant 0 : i32
    %dma_wait3A_103 = tpu.memref_slice %arg6[%dma_wait3A_96, %dma_wait3A_102] : memref<2x8192xf32, #tpu.memory_space<vmem>> -> memref<1x8192xf32, #tpu.memory_space<vmem>>
    %dma_wait3A_104 = tpu.memref_squeeze %dma_wait3A_103 : memref<1x8192xf32, #tpu.memory_space<vmem>> -> memref<8192xf32, #tpu.memory_space<vmem>>
    tpu.wait_dma2 semaphore(%arg9 : memref<!tpu.dma_semaphore, #tpu.memory_space<semaphore_mem>>) src(%dma_wait3A_104 : memref<8192xf32, #tpu.memory_space<vmem>>) dst(%dma_wait3A_101 : memref<8192xf32, #tpu.memory_space<hbm>>)
    %lt3A_105 = arith.constant 4 : i32
    %lt3A_106 = arith.cmpi slt, %add3A, %lt3A_105 : i32
    %convert_element_type3A = arith.extui %lt3A_106 : i1 to i32
    %cond3A = arith.constant 0 : i32
    %cond3A_107 = arith.cmpi ne, %convert_element_type3A, %cond3A : i32
    scf.if %cond3A_107 {
      %add3A_113 = arith.constant 7808 : i32
      %add3A_114 = arith.addi %add3A_113, %add3A : i32
      %mul3A_115 = arith.constant 128 : i32
      %mul3A_116 = arith.muli %add3A_114, %mul3A_115 : i32
      %dma_start3A_117 = arith.constant 0 : i32
      %dma_start3A_118 = arith.constant 0 : i32
      %dma_start3A_119 = arith.constant 0 : i32
      %dma_start3A_120 = arith.constant 0 : i32
      %dma_start3A_121 = tpu.memref_slice %arg5[%dma_start3A_117, %dma_start3A_118, %dma_start3A_119, %dma_start3A_120] : memref<2x2x8x512xf32, #tpu.memory_space<vmem>> -> memref<1x1x8x128xf32, #tpu.memory_space<vmem>>
      %dma_start3A_122 = tpu.memref_squeeze %dma_start3A_121 : memref<1x1x8x128xf32, #tpu.memory_space<vmem>> -> memref<8x128xf32, #tpu.memory_space<vmem>>
      %dma_start3A_123 = arith.constant 0 : i32
      %dma_start3A_124 = tpu.memref_slice %arg2[%dma_start3A_123, %mul3A_116] : memref<16x1000000xf32, #tpu.memory_space<hbm>> -> memref<8x128xf32, #tpu.memory_space<hbm>>
      %dma_start3A_125 = arith.constant 0 : i32
      %dma_start3A_126 = arith.constant 0 : i32
      %dma_start3A_127 = tpu.memref_slice %arg5[%dma_start3A_117, %dma_start3A_118, %dma_start3A_125, %dma_start3A_126] : memref<2x2x8x512xf32, #tpu.memory_space<vmem>> -> memref<1x1x8x128xf32, #tpu.memory_space<vmem>>
      %dma_start3A_128 = tpu.memref_squeeze %dma_start3A_127 : memref<1x1x8x128xf32, #tpu.memory_space<vmem>> -> memref<8x128xf32, #tpu.memory_space<vmem>>
      %dma_start3A_129 = arith.constant 0 : i32
      %dma_start3A_130 = tpu.memref_slice %arg2[%dma_start3A_129, %mul3A_116] : memref<16x1000000xf32, #tpu.memory_space<hbm>> -> memref<8x128xf32, #tpu.memory_space<hbm>>
      tpu.enqueue_dma source(%dma_start3A_130 : memref<8x128xf32, #tpu.memory_space<hbm>>) target(%dma_start3A_128 : memref<8x128xf32, #tpu.memory_space<vmem>>) target_semaphore(%arg7 : memref<!tpu.dma_semaphore, #tpu.memory_space<semaphore_mem>>)
      %dma_start3A_131 = arith.constant 0 : i32
      %dma_start3A_132 = arith.constant 1 : i32
      %dma_start3A_133 = arith.constant 0 : i32
      %dma_start3A_134 = arith.constant 0 : i32
      %dma_start3A_135 = tpu.memref_slice %arg5[%dma_start3A_131, %dma_start3A_132, %dma_start3A_133, %dma_start3A_134] : memref<2x2x8x512xf32, #tpu.memory_space<vmem>> -> memref<1x1x8x128xf32, #tpu.memory_space<vmem>>
      %dma_start3A_136 = tpu.memref_squeeze %dma_start3A_135 : memref<1x1x8x128xf32, #tpu.memory_space<vmem>> -> memref<8x128xf32, #tpu.memory_space<vmem>>
      %dma_start3A_137 = arith.constant 8 : i32
      %dma_start3A_138 = tpu.memref_slice %arg2[%dma_start3A_137, %mul3A_116] : memref<16x1000000xf32, #tpu.memory_space<hbm>> -> memref<8x128xf32, #tpu.memory_space<hbm>>
      %dma_start3A_139 = arith.constant 0 : i32
      %dma_start3A_140 = arith.constant 0 : i32
      %dma_start3A_141 = tpu.memref_slice %arg5[%dma_start3A_131, %dma_start3A_132, %dma_start3A_139, %dma_start3A_140] : memref<2x2x8x512xf32, #tpu.memory_space<vmem>> -> memref<1x1x8x128xf32, #tpu.memory_space<vmem>>
      %dma_start3A_142 = tpu.memref_squeeze %dma_start3A_141 : memref<1x1x8x128xf32, #tpu.memory_space<vmem>> -> memref<8x128xf32, #tpu.memory_space<vmem>>
      %dma_start3A_143 = arith.constant 8 : i32
      %dma_start3A_144 = tpu.memref_slice %arg2[%dma_start3A_143, %mul3A_116] : memref<16x1000000xf32, #tpu.memory_space<hbm>> -> memref<8x128xf32, #tpu.memory_space<hbm>>
      tpu.enqueue_dma source(%dma_start3A_144 : memref<8x128xf32, #tpu.memory_space<hbm>>) target(%dma_start3A_142 : memref<8x128xf32, #tpu.memory_space<vmem>>) target_semaphore(%arg7 : memref<!tpu.dma_semaphore, #tpu.memory_space<semaphore_mem>>)
      %dma_wait3A_145 = arith.constant 0 : i32
      %dma_wait3A_146 = arith.constant 0 : i32
      %dma_wait3A_147 = arith.constant 0 : i32
      %dma_wait3A_148 = arith.constant 0 : i32
      %dma_wait3A_149 = tpu.memref_slice %arg5[%dma_wait3A_145, %dma_wait3A_146, %dma_wait3A_147, %dma_wait3A_148] : memref<2x2x8x512xf32, #tpu.memory_space<vmem>> -> memref<1x1x8x128xf32, #tpu.memory_space<vmem>>
      %dma_wait3A_150 = tpu.memref_squeeze %dma_wait3A_149 : memref<1x1x8x128xf32, #tpu.memory_space<vmem>> -> memref<8x128xf32, #tpu.memory_space<vmem>>
      %dma_wait3A_151 = arith.constant 0 : i32
      %dma_wait3A_152 = tpu.memref_slice %arg2[%dma_wait3A_151, %mul3A_116] : memref<16x1000000xf32, #tpu.memory_space<hbm>> -> memref<8x128xf32, #tpu.memory_space<hbm>>
      %dma_wait3A_153 = arith.constant 0 : i32
      %dma_wait3A_154 = arith.constant 0 : i32
      %dma_wait3A_155 = tpu.memref_slice %arg5[%dma_wait3A_145, %dma_wait3A_146, %dma_wait3A_153, %dma_wait3A_154] : memref<2x2x8x512xf32, #tpu.memory_space<vmem>> -> memref<1x1x8x128xf32, #tpu.memory_space<vmem>>
      %dma_wait3A_156 = tpu.memref_squeeze %dma_wait3A_155 : memref<1x1x8x128xf32, #tpu.memory_space<vmem>> -> memref<8x128xf32, #tpu.memory_space<vmem>>
      %dma_wait3A_157 = arith.constant 0 : i32
      %dma_wait3A_158 = tpu.memref_slice %arg2[%dma_wait3A_157, %mul3A_116] : memref<16x1000000xf32, #tpu.memory_space<hbm>> -> memref<8x128xf32, #tpu.memory_space<hbm>>
      tpu.wait_dma2 semaphore(%arg7 : memref<!tpu.dma_semaphore, #tpu.memory_space<semaphore_mem>>) src(%dma_wait3A_158 : memref<8x128xf32, #tpu.memory_space<hbm>>) dst(%dma_wait3A_156 : memref<8x128xf32, #tpu.memory_space<vmem>>)
      %dma_wait3A_159 = arith.constant 0 : i32
      %dma_wait3A_160 = arith.constant 1 : i32
      %dma_wait3A_161 = arith.constant 0 : i32
      %dma_wait3A_162 = arith.constant 0 : i32
      %dma_wait3A_163 = tpu.memref_slice %arg5[%dma_wait3A_159, %dma_wait3A_160, %dma_wait3A_161, %dma_wait3A_162] : memref<2x2x8x512xf32, #tpu.memory_space<vmem>> -> memref<1x1x8x128xf32, #tpu.memory_space<vmem>>
      %dma_wait3A_164 = tpu.memref_squeeze %dma_wait3A_163 : memref<1x1x8x128xf32, #tpu.memory_space<vmem>> -> memref<8x128xf32, #tpu.memory_space<vmem>>
      %dma_wait3A_165 = arith.constant 8 : i32
      %dma_wait3A_166 = tpu.memref_slice %arg2[%dma_wait3A_165, %mul3A_116] : memref<16x1000000xf32, #tpu.memory_space<hbm>> -> memref<8x128xf32, #tpu.memory_space<hbm>>
      %dma_wait3A_167 = arith.constant 0 : i32
      %dma_wait3A_168 = arith.constant 0 : i32
      %dma_wait3A_169 = tpu.memref_slice %arg5[%dma_wait3A_159, %dma_wait3A_160, %dma_wait3A_167, %dma_wait3A_168] : memref<2x2x8x512xf32, #tpu.memory_space<vmem>> -> memref<1x1x8x128xf32, #tpu.memory_space<vmem>>
      %dma_wait3A_170 = tpu.memref_squeeze %dma_wait3A_169 : memref<1x1x8x128xf32, #tpu.memory_space<vmem>> -> memref<8x128xf32, #tpu.memory_space<vmem>>
      %dma_wait3A_171 = arith.constant 8 : i32
      %dma_wait3A_172 = tpu.memref_slice %arg2[%dma_wait3A_171, %mul3A_116] : memref<16x1000000xf32, #tpu.memory_space<hbm>> -> memref<8x128xf32, #tpu.memory_space<hbm>>
      tpu.wait_dma2 semaphore(%arg7 : memref<!tpu.dma_semaphore, #tpu.memory_space<semaphore_mem>>) src(%dma_wait3A_172 : memref<8x128xf32, #tpu.memory_space<hbm>>) dst(%dma_wait3A_170 : memref<8x128xf32, #tpu.memory_space<vmem>>)
      %broadcast_in_dim3A = arith.constant 0 : i32
      %broadcast_in_dim3A_173 = vector.broadcast %broadcast_in_dim3A : i32 to vector<16xi32>
      %scan3A_174 = arith.constant 0 : i32
      %scan3A_175 = arith.constant 128 : i32
      %scan3A_176 = arith.addi %scan3A_174, %scan3A_175 : i32
      %scan3A_177 = arith.constant 8 : i32
      %scan3A_178 = scf.for %scan3A_182 = %scan3A_174 to %scan3A_176 step %scan3A_177 iter_args(%scan3A_183 = %broadcast_in_dim3A_173) -> (vector<16xi32>)  : i32 {
        %gather3A = arith.constant 0 : i32
        %gather3A_184 = arith.constant 0 : i32
        %gather3A_185 = arith.constant 0 : i32
        %gather3A_186 = arith.constant 0 : i32
        %gather3A_187 = tpu.memref_slice %arg5[%gather3A, %gather3A_184, %gather3A_185, %gather3A_186] : memref<2x2x8x512xf32, #tpu.memory_space<vmem>> -> memref<1x2x8x512xf32, #tpu.memory_space<vmem>>
        %gather3A_188 = tpu.memref_squeeze %gather3A_187 : memref<1x2x8x512xf32, #tpu.memory_space<vmem>> -> memref<2x8x512xf32, #tpu.memory_space<vmem>>
        %gather3A_189 = tpu.vector_load_idx %gather3A_188[%select_n3A, %select_n3A_45, %scan3A_183] : memref<2x8x512xf32, #tpu.memory_space<vmem>>[vector<16xi32>, vector<16xi32>, vector<16xi32>], vector<16xf32>,
        %mul3A_190 = arith.constant 16 : i32
        %mul3A_191 = arith.muli %scan3A_182, %mul3A_190 : i32
        %swap3A = arith.constant 0 : i32
        %swap3A_192 = arith.index_cast %swap3A : i32 to index
        %swap3A_193 = arith.index_cast %mul3A_191 : i32 to index
        %swap3A_194 = tpu.vector_load %arg6[%swap3A_192, %swap3A_193] {strides = array<i32>} : memref<2x8192xf32, #tpu.memory_space<vmem>>, vector<16xf32>,
        tpu.vector_store %arg6[%swap3A_192, %swap3A_193], %gather3A_189 {strides = array<i32>} : memref<2x8192xf32, #tpu.memory_space<vmem>>, vector<16xf32>,
        %add3A_195 = arith.constant 1 : i32
        %add3A_196 = vector.broadcast %add3A_195 : i32 to vector<16xi32>
        %add3A_197 = arith.addi %scan3A_183, %add3A_196 : vector<16xi32>
        %scan3A_198 = arith.constant 1 : i32
        %scan3A_199 = arith.addi %scan3A_182, %scan3A_198 : i32
        %gather3A_200 = arith.constant 0 : i32
        %gather3A_201 = arith.constant 0 : i32
        %gather3A_202 = arith.constant 0 : i32
        %gather3A_203 = arith.constant 0 : i32
        %gather3A_204 = tpu.memref_slice %arg5[%gather3A_200, %gather3A_201, %gather3A_202, %gather3A_203] : memref<2x2x8x512xf32, #tpu.memory_space<vmem>> -> memref<1x2x8x512xf32, #tpu.memory_space<vmem>>
        %gather3A_205 = tpu.memref_squeeze %gather3A_204 : memref<1x2x8x512xf32, #tpu.memory_space<vmem>> -> memref<2x8x512xf32, #tpu.memory_space<vmem>>
        %gather3A_206 = tpu.vector_load_idx %gather3A_205[%select_n3A, %select_n3A_45, %add3A_197] : memref<2x8x512xf32, #tpu.memory_space<vmem>>[vector<16xi32>, vector<16xi32>, vector<16xi32>], vector<16xf32>,
        %mul3A_207 = arith.constant 16 : i32
        %mul3A_208 = arith.muli %scan3A_199, %mul3A_207 : i32
        %swap3A_209 = arith.constant 0 : i32
        %swap3A_210 = arith.index_cast %swap3A_209 : i32 to index
        %swap3A_211 = arith.index_cast %mul3A_208 : i32 to index
        %swap3A_212 = tpu.vector_load %arg6[%swap3A_210, %swap3A_211] {strides = array<i32>} : memref<2x8192xf32, #tpu.memory_space<vmem>>, vector<16xf32>,
        tpu.vector_store %arg6[%swap3A_210, %swap3A_211], %gather3A_206 {strides = array<i32>} : memref<2x8192xf32, #tpu.memory_space<vmem>>, vector<16xf32>,
        %add3A_213 = arith.constant 1 : i32
        %add3A_214 = vector.broadcast %add3A_213 : i32 to vector<16xi32>
        %add3A_215 = arith.addi %add3A_197, %add3A_214 : vector<16xi32>
        %scan3A_216 = arith.constant 2 : i32
        %scan3A_217 = arith.addi %scan3A_182, %scan3A_216 : i32
        %gather3A_218 = arith.constant 0 : i32
        %gather3A_219 = arith.constant 0 : i32
        %gather3A_220 = arith.constant 0 : i32
        %gather3A_221 = arith.constant 0 : i32
        %gather3A_222 = tpu.memref_slice %arg5[%gather3A_218, %gather3A_219, %gather3A_220, %gather3A_221] : memref<2x2x8x512xf32, #tpu.memory_space<vmem>> -> memref<1x2x8x512xf32, #tpu.memory_space<vmem>>
        %gather3A_223 = tpu.memref_squeeze %gather3A_222 : memref<1x2x8x512xf32, #tpu.memory_space<vmem>> -> memref<2x8x512xf32, #tpu.memory_space<vmem>>
        %gather3A_224 = tpu.vector_load_idx %gather3A_223[%select_n3A, %select_n3A_45, %add3A_215] : memref<2x8x512xf32, #tpu.memory_space<vmem>>[vector<16xi32>, vector<16xi32>, vector<16xi32>], vector<16xf32>,
        %mul3A_225 = arith.constant 16 : i32
        %mul3A_226 = arith.muli %scan3A_217, %mul3A_225 : i32
        %swap3A_227 = arith.constant 0 : i32
        %swap3A_228 = arith.index_cast %swap3A_227 : i32 to index
        %swap3A_229 = arith.index_cast %mul3A_226 : i32 to index
        %swap3A_230 = tpu.vector_load %arg6[%swap3A_228, %swap3A_229] {strides = array<i32>} : memref<2x8192xf32, #tpu.memory_space<vmem>>, vector<16xf32>,
        tpu.vector_store %arg6[%swap3A_228, %swap3A_229], %gather3A_224 {strides = array<i32>} : memref<2x8192xf32, #tpu.memory_space<vmem>>, vector<16xf32>,
        %add3A_231 = arith.constant 1 : i32
        %add3A_232 = vector.broadcast %add3A_231 : i32 to vector<16xi32>
        %add3A_233 = arith.addi %add3A_215, %add3A_232 : vector<16xi32>
        %scan3A_234 = arith.constant 3 : i32
        %scan3A_235 = arith.addi %scan3A_182, %scan3A_234 : i32
        %gather3A_236 = arith.constant 0 : i32
        %gather3A_237 = arith.constant 0 : i32
        %gather3A_238 = arith.constant 0 : i32
        %gather3A_239 = arith.constant 0 : i32
        %gather3A_240 = tpu.memref_slice %arg5[%gather3A_236, %gather3A_237, %gather3A_238, %gather3A_239] : memref<2x2x8x512xf32, #tpu.memory_space<vmem>> -> memref<1x2x8x512xf32, #tpu.memory_space<vmem>>
        %gather3A_241 = tpu.memref_squeeze %gather3A_240 : memref<1x2x8x512xf32, #tpu.memory_space<vmem>> -> memref<2x8x512xf32, #tpu.memory_space<vmem>>
        %gather3A_242 = tpu.vector_load_idx %gather3A_241[%select_n3A, %select_n3A_45, %add3A_233] : memref<2x8x512xf32, #tpu.memory_space<vmem>>[vector<16xi32>, vector<16xi32>, vector<16xi32>], vector<16xf32>,
        %mul3A_243 = arith.constant 16 : i32
        %mul3A_244 = arith.muli %scan3A_235, %mul3A_243 : i32
        %swap3A_245 = arith.constant 0 : i32
        %swap3A_246 = arith.index_cast %swap3A_245 : i32 to index
        %swap3A_247 = arith.index_cast %mul3A_244 : i32 to index
        %swap3A_248 = tpu.vector_load %arg6[%swap3A_246, %swap3A_247] {strides = array<i32>} : memref<2x8192xf32, #tpu.memory_space<vmem>>, vector<16xf32>,
        tpu.vector_store %arg6[%swap3A_246, %swap3A_247], %gather3A_242 {strides = array<i32>} : memref<2x8192xf32, #tpu.memory_space<vmem>>, vector<16xf32>,
        %add3A_249 = arith.constant 1 : i32
        %add3A_250 = vector.broadcast %add3A_249 : i32 to vector<16xi32>
        %add3A_251 = arith.addi %add3A_233, %add3A_250 : vector<16xi32>
        %scan3A_252 = arith.constant 4 : i32
        %scan3A_253 = arith.addi %scan3A_182, %scan3A_252 : i32
        %gather3A_254 = arith.constant 0 : i32
        %gather3A_255 = arith.constant 0 : i32
        %gather3A_256 = arith.constant 0 : i32
        %gather3A_257 = arith.constant 0 : i32
        %gather3A_258 = tpu.memref_slice %arg5[%gather3A_254, %gather3A_255, %gather3A_256, %gather3A_257] : memref<2x2x8x512xf32, #tpu.memory_space<vmem>> -> memref<1x2x8x512xf32, #tpu.memory_space<vmem>>
        %gather3A_259 = tpu.memref_squeeze %gather3A_258 : memref<1x2x8x512xf32, #tpu.memory_space<vmem>> -> memref<2x8x512xf32, #tpu.memory_space<vmem>>
        %gather3A_260 = tpu.vector_load_idx %gather3A_259[%select_n3A, %select_n3A_45, %add3A_251] : memref<2x8x512xf32, #tpu.memory_space<vmem>>[vector<16xi32>, vector<16xi32>, vector<16xi32>], vector<16xf32>,
        %mul3A_261 = arith.constant 16 : i32
        %mul3A_262 = arith.muli %scan3A_253, %mul3A_261 : i32
        %swap3A_263 = arith.constant 0 : i32
        %swap3A_264 = arith.index_cast %swap3A_263 : i32 to index
        %swap3A_265 = arith.index_cast %mul3A_262 : i32 to index
        %swap3A_266 = tpu.vector_load %arg6[%swap3A_264, %swap3A_265] {strides = array<i32>} : memref<2x8192xf32, #tpu.memory_space<vmem>>, vector<16xf32>,
        tpu.vector_store %arg6[%swap3A_264, %swap3A_265], %gather3A_260 {strides = array<i32>} : memref<2x8192xf32, #tpu.memory_space<vmem>>, vector<16xf32>,
        %add3A_267 = arith.constant 1 : i32
        %add3A_268 = vector.broadcast %add3A_267 : i32 to vector<16xi32>
        %add3A_269 = arith.addi %add3A_251, %add3A_268 : vector<16xi32>
        %scan3A_270 = arith.constant 5 : i32
        %scan3A_271 = arith.addi %scan3A_182, %scan3A_270 : i32
        %gather3A_272 = arith.constant 0 : i32
        %gather3A_273 = arith.constant 0 : i32
        %gather3A_274 = arith.constant 0 : i32
        %gather3A_275 = arith.constant 0 : i32
        %gather3A_276 = tpu.memref_slice %arg5[%gather3A_272, %gather3A_273, %gather3A_274, %gather3A_275] : memref<2x2x8x512xf32, #tpu.memory_space<vmem>> -> memref<1x2x8x512xf32, #tpu.memory_space<vmem>>
        %gather3A_277 = tpu.memref_squeeze %gather3A_276 : memref<1x2x8x512xf32, #tpu.memory_space<vmem>> -> memref<2x8x512xf32, #tpu.memory_space<vmem>>
        %gather3A_278 = tpu.vector_load_idx %gather3A_277[%select_n3A, %select_n3A_45, %add3A_269] : memref<2x8x512xf32, #tpu.memory_space<vmem>>[vector<16xi32>, vector<16xi32>, vector<16xi32>], vector<16xf32>,
        %mul3A_279 = arith.constant 16 : i32
        %mul3A_280 = arith.muli %scan3A_271, %mul3A_279 : i32
        %swap3A_281 = arith.constant 0 : i32
        %swap3A_282 = arith.index_cast %swap3A_281 : i32 to index
        %swap3A_283 = arith.index_cast %mul3A_280 : i32 to index
        %swap3A_284 = tpu.vector_load %arg6[%swap3A_282, %swap3A_283] {strides = array<i32>} : memref<2x8192xf32, #tpu.memory_space<vmem>>, vector<16xf32>,
        tpu.vector_store %arg6[%swap3A_282, %swap3A_283], %gather3A_278 {strides = array<i32>} : memref<2x8192xf32, #tpu.memory_space<vmem>>, vector<16xf32>,
        %add3A_285 = arith.constant 1 : i32
        %add3A_286 = vector.broadcast %add3A_285 : i32 to vector<16xi32>
        %add3A_287 = arith.addi %add3A_269, %add3A_286 : vector<16xi32>
        %scan3A_288 = arith.constant 6 : i32
        %scan3A_289 = arith.addi %scan3A_182, %scan3A_288 : i32
        %gather3A_290 = arith.constant 0 : i32
        %gather3A_291 = arith.constant 0 : i32
        %gather3A_292 = arith.constant 0 : i32
        %gather3A_293 = arith.constant 0 : i32
        %gather3A_294 = tpu.memref_slice %arg5[%gather3A_290, %gather3A_291, %gather3A_292, %gather3A_293] : memref<2x2x8x512xf32, #tpu.memory_space<vmem>> -> memref<1x2x8x512xf32, #tpu.memory_space<vmem>>
        %gather3A_295 = tpu.memref_squeeze %gather3A_294 : memref<1x2x8x512xf32, #tpu.memory_space<vmem>> -> memref<2x8x512xf32, #tpu.memory_space<vmem>>
        %gather3A_296 = tpu.vector_load_idx %gather3A_295[%select_n3A, %select_n3A_45, %add3A_287] : memref<2x8x512xf32, #tpu.memory_space<vmem>>[vector<16xi32>, vector<16xi32>, vector<16xi32>], vector<16xf32>,
        %mul3A_297 = arith.constant 16 : i32
        %mul3A_298 = arith.muli %scan3A_289, %mul3A_297 : i32
        %swap3A_299 = arith.constant 0 : i32
        %swap3A_300 = arith.index_cast %swap3A_299 : i32 to index
        %swap3A_301 = arith.index_cast %mul3A_298 : i32 to index
        %swap3A_302 = tpu.vector_load %arg6[%swap3A_300, %swap3A_301] {strides = array<i32>} : memref<2x8192xf32, #tpu.memory_space<vmem>>, vector<16xf32>,
        tpu.vector_store %arg6[%swap3A_300, %swap3A_301], %gather3A_296 {strides = array<i32>} : memref<2x8192xf32, #tpu.memory_space<vmem>>, vector<16xf32>,
        %add3A_303 = arith.constant 1 : i32
        %add3A_304 = vector.broadcast %add3A_303 : i32 to vector<16xi32>
        %add3A_305 = arith.addi %add3A_287, %add3A_304 : vector<16xi32>
        %scan3A_306 = arith.constant 7 : i32
        %scan3A_307 = arith.addi %scan3A_182, %scan3A_306 : i32
        %gather3A_308 = arith.constant 0 : i32
        %gather3A_309 = arith.constant 0 : i32
        %gather3A_310 = arith.constant 0 : i32
        %gather3A_311 = arith.constant 0 : i32
        %gather3A_312 = tpu.memref_slice %arg5[%gather3A_308, %gather3A_309, %gather3A_310, %gather3A_311] : memref<2x2x8x512xf32, #tpu.memory_space<vmem>> -> memref<1x2x8x512xf32, #tpu.memory_space<vmem>>
        %gather3A_313 = tpu.memref_squeeze %gather3A_312 : memref<1x2x8x512xf32, #tpu.memory_space<vmem>> -> memref<2x8x512xf32, #tpu.memory_space<vmem>>
        %gather3A_314 = tpu.vector_load_idx %gather3A_313[%select_n3A, %select_n3A_45, %add3A_305] : memref<2x8x512xf32, #tpu.memory_space<vmem>>[vector<16xi32>, vector<16xi32>, vector<16xi32>], vector<16xf32>,
        %mul3A_315 = arith.constant 16 : i32
        %mul3A_316 = arith.muli %scan3A_307, %mul3A_315 : i32
        %swap3A_317 = arith.constant 0 : i32
        %swap3A_318 = arith.index_cast %swap3A_317 : i32 to index
        %swap3A_319 = arith.index_cast %mul3A_316 : i32 to index
        %swap3A_320 = tpu.vector_load %arg6[%swap3A_318, %swap3A_319] {strides = array<i32>} : memref<2x8192xf32, #tpu.memory_space<vmem>>, vector<16xf32>,
        tpu.vector_store %arg6[%swap3A_318, %swap3A_319], %gather3A_314 {strides = array<i32>} : memref<2x8192xf32, #tpu.memory_space<vmem>>, vector<16xf32>,
        %add3A_321 = arith.constant 1 : i32
        %add3A_322 = vector.broadcast %add3A_321 : i32 to vector<16xi32>
        %add3A_323 = arith.addi %add3A_305, %add3A_322 : vector<16xi32>
        scf.yield %add3A_323 : vector<16xi32>
      }
      %scan3A_179 = arith.constant 128 : i32
      %mul3A_180 = arith.constant 16 : i32
      %mul3A_181 = arith.muli %mul3A_116, %mul3A_180 : i32
      %run_scoped3A = arith.constant 0 : i32
      "tpu.region"() ({
        %run_scoped3A_182 = tpu.sem_alloc : memref<!tpu.dma_semaphore, #tpu.memory_space<semaphore_mem>>
        %dma_start3A_183 = arith.constant 0 : i32
        %dma_start3A_184 = tpu.memref_slice %arg6[%run_scoped3A, %dma_start3A_183] : memref<2x8192xf32, #tpu.memory_space<vmem>> -> memref<1x2048xf32, #tpu.memory_space<vmem>>
        %dma_start3A_185 = tpu.memref_squeeze %dma_start3A_184 : memref<1x2048xf32, #tpu.memory_space<vmem>> -> memref<2048xf32, #tpu.memory_space<vmem>>
        %dma_start3A_186 = tpu.memref_slice %arg4[%mul3A_181] : memref<16000000xf32, #tpu.memory_space<hbm>> -> memref<2048xf32, #tpu.memory_space<hbm>>
        %dma_start3A_187 = tpu.memref_slice %arg4[%mul3A_181] : memref<16000000xf32, #tpu.memory_space<hbm>> -> memref<2048xf32, #tpu.memory_space<hbm>>
        %dma_start3A_188 = arith.constant 0 : i32
        %dma_start3A_189 = tpu.memref_slice %arg6[%run_scoped3A, %dma_start3A_188] : memref<2x8192xf32, #tpu.memory_space<vmem>> -> memref<1x2048xf32, #tpu.memory_space<vmem>>
        %dma_start3A_190 = tpu.memref_squeeze %dma_start3A_189 : memref<1x2048xf32, #tpu.memory_space<vmem>> -> memref<2048xf32, #tpu.memory_space<vmem>>
        tpu.enqueue_dma source(%dma_start3A_190 : memref<2048xf32, #tpu.memory_space<vmem>>) target(%dma_start3A_187 : memref<2048xf32, #tpu.memory_space<hbm>>) target_semaphore(%run_scoped3A_182 : memref<!tpu.dma_semaphore, #tpu.memory_space<semaphore_mem>>)
        %dma_wait3A_191 = arith.constant 0 : i32
        %dma_wait3A_192 = tpu.memref_slice %arg6[%run_scoped3A, %dma_wait3A_191] : memref<2x8192xf32, #tpu.memory_space<vmem>> -> memref<1x2048xf32, #tpu.memory_space<vmem>>
        %dma_wait3A_193 = tpu.memref_squeeze %dma_wait3A_192 : memref<1x2048xf32, #tpu.memory_space<vmem>> -> memref<2048xf32, #tpu.memory_space<vmem>>
        %dma_wait3A_194 = tpu.memref_slice %arg4[%mul3A_181] : memref<16000000xf32, #tpu.memory_space<hbm>> -> memref<2048xf32, #tpu.memory_space<hbm>>
        %dma_wait3A_195 = tpu.memref_slice %arg4[%mul3A_181] : memref<16000000xf32, #tpu.memory_space<hbm>> -> memref<2048xf32, #tpu.memory_space<hbm>>
        %dma_wait3A_196 = arith.constant 0 : i32
        %dma_wait3A_197 = tpu.memref_slice %arg6[%run_scoped3A, %dma_wait3A_196] : memref<2x8192xf32, #tpu.memory_space<vmem>> -> memref<1x2048xf32, #tpu.memory_space<vmem>>
        %dma_wait3A_198 = tpu.memref_squeeze %dma_wait3A_197 : memref<1x2048xf32, #tpu.memory_space<vmem>> -> memref<2048xf32, #tpu.memory_space<vmem>>
        tpu.wait_dma2 semaphore(%run_scoped3A_182 : memref<!tpu.dma_semaphore, #tpu.memory_space<semaphore_mem>>) src(%dma_wait3A_198 : memref<2048xf32, #tpu.memory_space<vmem>>) dst(%dma_wait3A_195 : memref<2048xf32, #tpu.memory_space<hbm>>)
        tpu.yield
      }) : () -> ()
    } else {
    }
    %eq3A_108 = arith.constant 31 : i32
    %eq3A_109 = arith.cmpi eq, %add3A, %eq3A_108 : i32
    %convert_element_type3A_110 = arith.extui %eq3A_109 : i1 to i32
    %cond3A_111 = arith.constant 0 : i32
    %cond3A_112 = arith.cmpi ne, %convert_element_type3A_110, %cond3A_111 : i32
    scf.if %cond3A_112 {
      %dma_start3A_113 = arith.constant 0 : i32
      %dma_start3A_114 = arith.constant 0 : i32
      %dma_start3A_115 = arith.constant 0 : i32
      %dma_start3A_116 = arith.constant 0 : i32
      %dma_start3A_117 = tpu.memref_slice %arg5[%dma_start3A_113, %dma_start3A_114, %dma_start3A_115, %dma_start3A_116] : memref<2x2x8x512xf32, #tpu.memory_space<vmem>> -> memref<1x1x8x128xf32, #tpu.memory_space<vmem>>
      %dma_start3A_118 = tpu.memref_squeeze %dma_start3A_117 : memref<1x1x8x128xf32, #tpu.memory_space<vmem>> -> memref<8x128xf32, #tpu.memory_space<vmem>>
      %dma_start3A_119 = arith.constant 0 : i32
      %dma_start3A_120 = arith.constant 0 : i32
      %dma_start3A_121 = tpu.memref_slice %arg3[%dma_start3A_119, %dma_start3A_120] : memref<16x128xf32, #tpu.memory_space<hbm>> -> memref<8x128xf32, #tpu.memory_space<hbm>>
      %dma_start3A_122 = arith.constant 0 : i32
      %dma_start3A_123 = arith.constant 0 : i32
      %dma_start3A_124 = tpu.memref_slice %arg5[%dma_start3A_113, %dma_start3A_114, %dma_start3A_122, %dma_start3A_123] : memref<2x2x8x512xf32, #tpu.memory_space<vmem>> -> memref<1x1x8x128xf32, #tpu.memory_space<vmem>>
      %dma_start3A_125 = tpu.memref_squeeze %dma_start3A_124 : memref<1x1x8x128xf32, #tpu.memory_space<vmem>> -> memref<8x128xf32, #tpu.memory_space<vmem>>
      %dma_start3A_126 = arith.constant 0 : i32
      %dma_start3A_127 = arith.constant 0 : i32
      %dma_start3A_128 = tpu.memref_slice %arg3[%dma_start3A_126, %dma_start3A_127] : memref<16x128xf32, #tpu.memory_space<hbm>> -> memref<8x128xf32, #tpu.memory_space<hbm>>
      tpu.enqueue_dma source(%dma_start3A_128 : memref<8x128xf32, #tpu.memory_space<hbm>>) target(%dma_start3A_125 : memref<8x128xf32, #tpu.memory_space<vmem>>) target_semaphore(%arg7 : memref<!tpu.dma_semaphore, #tpu.memory_space<semaphore_mem>>)
      %dma_start3A_129 = arith.constant 0 : i32
      %dma_start3A_130 = arith.constant 1 : i32
      %dma_start3A_131 = arith.constant 0 : i32
      %dma_start3A_132 = arith.constant 0 : i32
      %dma_start3A_133 = tpu.memref_slice %arg5[%dma_start3A_129, %dma_start3A_130, %dma_start3A_131, %dma_start3A_132] : memref<2x2x8x512xf32, #tpu.memory_space<vmem>> -> memref<1x1x8x128xf32, #tpu.memory_space<vmem>>
      %dma_start3A_134 = tpu.memref_squeeze %dma_start3A_133 : memref<1x1x8x128xf32, #tpu.memory_space<vmem>> -> memref<8x128xf32, #tpu.memory_space<vmem>>
      %dma_start3A_135 = arith.constant 8 : i32
      %dma_start3A_136 = arith.constant 0 : i32
      %dma_start3A_137 = tpu.memref_slice %arg3[%dma_start3A_135, %dma_start3A_136] : memref<16x128xf32, #tpu.memory_space<hbm>> -> memref<8x128xf32, #tpu.memory_space<hbm>>
      %dma_start3A_138 = arith.constant 0 : i32
      %dma_start3A_139 = arith.constant 0 : i32
      %dma_start3A_140 = tpu.memref_slice %arg5[%dma_start3A_129, %dma_start3A_130, %dma_start3A_138, %dma_start3A_139] : memref<2x2x8x512xf32, #tpu.memory_space<vmem>> -> memref<1x1x8x128xf32, #tpu.memory_space<vmem>>
      %dma_start3A_141 = tpu.memref_squeeze %dma_start3A_140 : memref<1x1x8x128xf32, #tpu.memory_space<vmem>> -> memref<8x128xf32, #tpu.memory_space<vmem>>
      %dma_start3A_142 = arith.constant 8 : i32
      %dma_start3A_143 = arith.constant 0 : i32
      %dma_start3A_144 = tpu.memref_slice %arg3[%dma_start3A_142, %dma_start3A_143] : memref<16x128xf32, #tpu.memory_space<hbm>> -> memref<8x128xf32, #tpu.memory_space<hbm>>
      tpu.enqueue_dma source(%dma_start3A_144 : memref<8x128xf32, #tpu.memory_space<hbm>>) target(%dma_start3A_141 : memref<8x128xf32, #tpu.memory_space<vmem>>) target_semaphore(%arg7 : memref<!tpu.dma_semaphore, #tpu.memory_space<semaphore_mem>>)
      %dma_wait3A_145 = arith.constant 0 : i32
      %dma_wait3A_146 = arith.constant 0 : i32
      %dma_wait3A_147 = arith.constant 0 : i32
      %dma_wait3A_148 = arith.constant 0 : i32
      %dma_wait3A_149 = tpu.memref_slice %arg5[%dma_wait3A_145, %dma_wait3A_146, %dma_wait3A_147, %dma_wait3A_148] : memref<2x2x8x512xf32, #tpu.memory_space<vmem>> -> memref<1x1x8x128xf32, #tpu.memory_space<vmem>>
      %dma_wait3A_150 = tpu.memref_squeeze %dma_wait3A_149 : memref<1x1x8x128xf32, #tpu.memory_space<vmem>> -> memref<8x128xf32, #tpu.memory_space<vmem>>
      %dma_wait3A_151 = arith.constant 0 : i32
      %dma_wait3A_152 = arith.constant 0 : i32
      %dma_wait3A_153 = tpu.memref_slice %arg3[%dma_wait3A_151, %dma_wait3A_152] : memref<16x128xf32, #tpu.memory_space<hbm>> -> memref<8x128xf32, #tpu.memory_space<hbm>>
      %dma_wait3A_154 = arith.constant 0 : i32
      %dma_wait3A_155 = arith.constant 0 : i32
      %dma_wait3A_156 = tpu.memref_slice %arg5[%dma_wait3A_145, %dma_wait3A_146, %dma_wait3A_154, %dma_wait3A_155] : memref<2x2x8x512xf32, #tpu.memory_space<vmem>> -> memref<1x1x8x128xf32, #tpu.memory_space<vmem>>
      %dma_wait3A_157 = tpu.memref_squeeze %dma_wait3A_156 : memref<1x1x8x128xf32, #tpu.memory_space<vmem>> -> memref<8x128xf32, #tpu.memory_space<vmem>>
      %dma_wait3A_158 = arith.constant 0 : i32
      %dma_wait3A_159 = arith.constant 0 : i32
      %dma_wait3A_160 = tpu.memref_slice %arg3[%dma_wait3A_158, %dma_wait3A_159] : memref<16x128xf32, #tpu.memory_space<hbm>> -> memref<8x128xf32, #tpu.memory_space<hbm>>
      tpu.wait_dma2 semaphore(%arg7 : memref<!tpu.dma_semaphore, #tpu.memory_space<semaphore_mem>>) src(%dma_wait3A_160 : memref<8x128xf32, #tpu.memory_space<hbm>>) dst(%dma_wait3A_157 : memref<8x128xf32, #tpu.memory_space<vmem>>)
      %dma_wait3A_161 = arith.constant 0 : i32
      %dma_wait3A_162 = arith.constant 1 : i32
      %dma_wait3A_163 = arith.constant 0 : i32
      %dma_wait3A_164 = arith.constant 0 : i32
      %dma_wait3A_165 = tpu.memref_slice %arg5[%dma_wait3A_161, %dma_wait3A_162, %dma_wait3A_163, %dma_wait3A_164] : memref<2x2x8x512xf32, #tpu.memory_space<vmem>> -> memref<1x1x8x128xf32, #tpu.memory_space<vmem>>
      %dma_wait3A_166 = tpu.memref_squeeze %dma_wait3A_165 : memref<1x1x8x128xf32, #tpu.memory_space<vmem>> -> memref<8x128xf32, #tpu.memory_space<vmem>>
      %dma_wait3A_167 = arith.constant 8 : i32
      %dma_wait3A_168 = arith.constant 0 : i32
      %dma_wait3A_169 = tpu.memref_slice %arg3[%dma_wait3A_167, %dma_wait3A_168] : memref<16x128xf32, #tpu.memory_space<hbm>> -> memref<8x128xf32, #tpu.memory_space<hbm>>
      %dma_wait3A_170 = arith.constant 0 : i32
      %dma_wait3A_171 = arith.constant 0 : i32
      %dma_wait3A_172 = tpu.memref_slice %arg5[%dma_wait3A_161, %dma_wait3A_162, %dma_wait3A_170, %dma_wait3A_171] : memref<2x2x8x512xf32, #tpu.memory_space<vmem>> -> memref<1x1x8x128xf32, #tpu.memory_space<vmem>>
      %dma_wait3A_173 = tpu.memref_squeeze %dma_wait3A_172 : memref<1x1x8x128xf32, #tpu.memory_space<vmem>> -> memref<8x128xf32, #tpu.memory_space<vmem>>
      %dma_wait3A_174 = arith.constant 8 : i32
      %dma_wait3A_175 = arith.constant 0 : i32
      %dma_wait3A_176 = tpu.memref_slice %arg3[%dma_wait3A_174, %dma_wait3A_175] : memref<16x128xf32, #tpu.memory_space<hbm>> -> memref<8x128xf32, #tpu.memory_space<hbm>>
      tpu.wait_dma2 semaphore(%arg7 : memref<!tpu.dma_semaphore, #tpu.memory_space<semaphore_mem>>) src(%dma_wait3A_176 : memref<8x128xf32, #tpu.memory_space<hbm>>) dst(%dma_wait3A_173 : memref<8x128xf32, #tpu.memory_space<vmem>>)
      %broadcast_in_dim3A = arith.constant 0 : i32
      %broadcast_in_dim3A_177 = vector.broadcast %broadcast_in_dim3A : i32 to vector<16xi32>
      %scan3A_178 = arith.constant 0 : i32
      %scan3A_179 = arith.constant 64 : i32
      %scan3A_180 = arith.addi %scan3A_178, %scan3A_179 : i32
      %scan3A_181 = arith.constant 8 : i32
      %scan3A_182 = scf.for %scan3A_184 = %scan3A_178 to %scan3A_180 step %scan3A_181 iter_args(%scan3A_185 = %broadcast_in_dim3A_177) -> (vector<16xi32>)  : i32 {
        %gather3A = arith.constant 0 : i32
        %gather3A_186 = arith.constant 0 : i32
        %gather3A_187 = arith.constant 0 : i32
        %gather3A_188 = arith.constant 0 : i32
        %gather3A_189 = tpu.memref_slice %arg5[%gather3A, %gather3A_186, %gather3A_187, %gather3A_188] : memref<2x2x8x512xf32, #tpu.memory_space<vmem>> -> memref<1x2x8x512xf32, #tpu.memory_space<vmem>>
        %gather3A_190 = tpu.memref_squeeze %gather3A_189 : memref<1x2x8x512xf32, #tpu.memory_space<vmem>> -> memref<2x8x512xf32, #tpu.memory_space<vmem>>
        %gather3A_191 = tpu.vector_load_idx %gather3A_190[%select_n3A, %select_n3A_45, %scan3A_185] : memref<2x8x512xf32, #tpu.memory_space<vmem>>[vector<16xi32>, vector<16xi32>, vector<16xi32>], vector<16xf32>,
        %mul3A_192 = arith.constant 16 : i32
        %mul3A_193 = arith.muli %scan3A_184, %mul3A_192 : i32
        %swap3A = arith.constant 0 : i32
        %swap3A_194 = arith.index_cast %swap3A : i32 to index
        %swap3A_195 = arith.index_cast %mul3A_193 : i32 to index
        %swap3A_196 = tpu.vector_load %arg6[%swap3A_194, %swap3A_195] {strides = array<i32>} : memref<2x8192xf32, #tpu.memory_space<vmem>>, vector<16xf32>,
        tpu.vector_store %arg6[%swap3A_194, %swap3A_195], %gather3A_191 {strides = array<i32>} : memref<2x8192xf32, #tpu.memory_space<vmem>>, vector<16xf32>,
        %add3A_197 = arith.constant 1 : i32
        %add3A_198 = vector.broadcast %add3A_197 : i32 to vector<16xi32>
        %add3A_199 = arith.addi %scan3A_185, %add3A_198 : vector<16xi32>
        %scan3A_200 = arith.constant 1 : i32
        %scan3A_201 = arith.addi %scan3A_184, %scan3A_200 : i32
        %gather3A_202 = arith.constant 0 : i32
        %gather3A_203 = arith.constant 0 : i32
        %gather3A_204 = arith.constant 0 : i32
        %gather3A_205 = arith.constant 0 : i32
        %gather3A_206 = tpu.memref_slice %arg5[%gather3A_202, %gather3A_203, %gather3A_204, %gather3A_205] : memref<2x2x8x512xf32, #tpu.memory_space<vmem>> -> memref<1x2x8x512xf32, #tpu.memory_space<vmem>>
        %gather3A_207 = tpu.memref_squeeze %gather3A_206 : memref<1x2x8x512xf32, #tpu.memory_space<vmem>> -> memref<2x8x512xf32, #tpu.memory_space<vmem>>
        %gather3A_208 = tpu.vector_load_idx %gather3A_207[%select_n3A, %select_n3A_45, %add3A_199] : memref<2x8x512xf32, #tpu.memory_space<vmem>>[vector<16xi32>, vector<16xi32>, vector<16xi32>], vector<16xf32>,
        %mul3A_209 = arith.constant 16 : i32
        %mul3A_210 = arith.muli %scan3A_201, %mul3A_209 : i32
        %swap3A_211 = arith.constant 0 : i32
        %swap3A_212 = arith.index_cast %swap3A_211 : i32 to index
        %swap3A_213 = arith.index_cast %mul3A_210 : i32 to index
        %swap3A_214 = tpu.vector_load %arg6[%swap3A_212, %swap3A_213] {strides = array<i32>} : memref<2x8192xf32, #tpu.memory_space<vmem>>, vector<16xf32>,
        tpu.vector_store %arg6[%swap3A_212, %swap3A_213], %gather3A_208 {strides = array<i32>} : memref<2x8192xf32, #tpu.memory_space<vmem>>, vector<16xf32>,
        %add3A_215 = arith.constant 1 : i32
        %add3A_216 = vector.broadcast %add3A_215 : i32 to vector<16xi32>
        %add3A_217 = arith.addi %add3A_199, %add3A_216 : vector<16xi32>
        %scan3A_218 = arith.constant 2 : i32
        %scan3A_219 = arith.addi %scan3A_184, %scan3A_218 : i32
        %gather3A_220 = arith.constant 0 : i32
        %gather3A_221 = arith.constant 0 : i32
        %gather3A_222 = arith.constant 0 : i32
        %gather3A_223 = arith.constant 0 : i32
        %gather3A_224 = tpu.memref_slice %arg5[%gather3A_220, %gather3A_221, %gather3A_222, %gather3A_223] : memref<2x2x8x512xf32, #tpu.memory_space<vmem>> -> memref<1x2x8x512xf32, #tpu.memory_space<vmem>>
        %gather3A_225 = tpu.memref_squeeze %gather3A_224 : memref<1x2x8x512xf32, #tpu.memory_space<vmem>> -> memref<2x8x512xf32, #tpu.memory_space<vmem>>
        %gather3A_226 = tpu.vector_load_idx %gather3A_225[%select_n3A, %select_n3A_45, %add3A_217] : memref<2x8x512xf32, #tpu.memory_space<vmem>>[vector<16xi32>, vector<16xi32>, vector<16xi32>], vector<16xf32>,
        %mul3A_227 = arith.constant 16 : i32
        %mul3A_228 = arith.muli %scan3A_219, %mul3A_227 : i32
        %swap3A_229 = arith.constant 0 : i32
        %swap3A_230 = arith.index_cast %swap3A_229 : i32 to index
        %swap3A_231 = arith.index_cast %mul3A_228 : i32 to index
        %swap3A_232 = tpu.vector_load %arg6[%swap3A_230, %swap3A_231] {strides = array<i32>} : memref<2x8192xf32, #tpu.memory_space<vmem>>, vector<16xf32>,
        tpu.vector_store %arg6[%swap3A_230, %swap3A_231], %gather3A_226 {strides = array<i32>} : memref<2x8192xf32, #tpu.memory_space<vmem>>, vector<16xf32>,
        %add3A_233 = arith.constant 1 : i32
        %add3A_234 = vector.broadcast %add3A_233 : i32 to vector<16xi32>
        %add3A_235 = arith.addi %add3A_217, %add3A_234 : vector<16xi32>
        %scan3A_236 = arith.constant 3 : i32
        %scan3A_237 = arith.addi %scan3A_184, %scan3A_236 : i32
        %gather3A_238 = arith.constant 0 : i32
        %gather3A_239 = arith.constant 0 : i32
        %gather3A_240 = arith.constant 0 : i32
        %gather3A_241 = arith.constant 0 : i32
        %gather3A_242 = tpu.memref_slice %arg5[%gather3A_238, %gather3A_239, %gather3A_240, %gather3A_241] : memref<2x2x8x512xf32, #tpu.memory_space<vmem>> -> memref<1x2x8x512xf32, #tpu.memory_space<vmem>>
        %gather3A_243 = tpu.memref_squeeze %gather3A_242 : memref<1x2x8x512xf32, #tpu.memory_space<vmem>> -> memref<2x8x512xf32, #tpu.memory_space<vmem>>
        %gather3A_244 = tpu.vector_load_idx %gather3A_243[%select_n3A, %select_n3A_45, %add3A_235] : memref<2x8x512xf32, #tpu.memory_space<vmem>>[vector<16xi32>, vector<16xi32>, vector<16xi32>], vector<16xf32>,
        %mul3A_245 = arith.constant 16 : i32
        %mul3A_246 = arith.muli %scan3A_237, %mul3A_245 : i32
        %swap3A_247 = arith.constant 0 : i32
        %swap3A_248 = arith.index_cast %swap3A_247 : i32 to index
        %swap3A_249 = arith.index_cast %mul3A_246 : i32 to index
        %swap3A_250 = tpu.vector_load %arg6[%swap3A_248, %swap3A_249] {strides = array<i32>} : memref<2x8192xf32, #tpu.memory_space<vmem>>, vector<16xf32>,
        tpu.vector_store %arg6[%swap3A_248, %swap3A_249], %gather3A_244 {strides = array<i32>} : memref<2x8192xf32, #tpu.memory_space<vmem>>, vector<16xf32>,
        %add3A_251 = arith.constant 1 : i32
        %add3A_252 = vector.broadcast %add3A_251 : i32 to vector<16xi32>
        %add3A_253 = arith.addi %add3A_235, %add3A_252 : vector<16xi32>
        %scan3A_254 = arith.constant 4 : i32
        %scan3A_255 = arith.addi %scan3A_184, %scan3A_254 : i32
        %gather3A_256 = arith.constant 0 : i32
        %gather3A_257 = arith.constant 0 : i32
        %gather3A_258 = arith.constant 0 : i32
        %gather3A_259 = arith.constant 0 : i32
        %gather3A_260 = tpu.memref_slice %arg5[%gather3A_256, %gather3A_257, %gather3A_258, %gather3A_259] : memref<2x2x8x512xf32, #tpu.memory_space<vmem>> -> memref<1x2x8x512xf32, #tpu.memory_space<vmem>>
        %gather3A_261 = tpu.memref_squeeze %gather3A_260 : memref<1x2x8x512xf32, #tpu.memory_space<vmem>> -> memref<2x8x512xf32, #tpu.memory_space<vmem>>
        %gather3A_262 = tpu.vector_load_idx %gather3A_261[%select_n3A, %select_n3A_45, %add3A_253] : memref<2x8x512xf32, #tpu.memory_space<vmem>>[vector<16xi32>, vector<16xi32>, vector<16xi32>], vector<16xf32>,
        %mul3A_263 = arith.constant 16 : i32
        %mul3A_264 = arith.muli %scan3A_255, %mul3A_263 : i32
        %swap3A_265 = arith.constant 0 : i32
        %swap3A_266 = arith.index_cast %swap3A_265 : i32 to index
        %swap3A_267 = arith.index_cast %mul3A_264 : i32 to index
        %swap3A_268 = tpu.vector_load %arg6[%swap3A_266, %swap3A_267] {strides = array<i32>} : memref<2x8192xf32, #tpu.memory_space<vmem>>, vector<16xf32>,
        tpu.vector_store %arg6[%swap3A_266, %swap3A_267], %gather3A_262 {strides = array<i32>} : memref<2x8192xf32, #tpu.memory_space<vmem>>, vector<16xf32>,
        %add3A_269 = arith.constant 1 : i32
        %add3A_270 = vector.broadcast %add3A_269 : i32 to vector<16xi32>
        %add3A_271 = arith.addi %add3A_253, %add3A_270 : vector<16xi32>
        %scan3A_272 = arith.constant 5 : i32
        %scan3A_273 = arith.addi %scan3A_184, %scan3A_272 : i32
        %gather3A_274 = arith.constant 0 : i32
        %gather3A_275 = arith.constant 0 : i32
        %gather3A_276 = arith.constant 0 : i32
        %gather3A_277 = arith.constant 0 : i32
        %gather3A_278 = tpu.memref_slice %arg5[%gather3A_274, %gather3A_275, %gather3A_276, %gather3A_277] : memref<2x2x8x512xf32, #tpu.memory_space<vmem>> -> memref<1x2x8x512xf32, #tpu.memory_space<vmem>>
        %gather3A_279 = tpu.memref_squeeze %gather3A_278 : memref<1x2x8x512xf32, #tpu.memory_space<vmem>> -> memref<2x8x512xf32, #tpu.memory_space<vmem>>
        %gather3A_280 = tpu.vector_load_idx %gather3A_279[%select_n3A, %select_n3A_45, %add3A_271] : memref<2x8x512xf32, #tpu.memory_space<vmem>>[vector<16xi32>, vector<16xi32>, vector<16xi32>], vector<16xf32>,
        %mul3A_281 = arith.constant 16 : i32
        %mul3A_282 = arith.muli %scan3A_273, %mul3A_281 : i32
        %swap3A_283 = arith.constant 0 : i32
        %swap3A_284 = arith.index_cast %swap3A_283 : i32 to index
        %swap3A_285 = arith.index_cast %mul3A_282 : i32 to index
        %swap3A_286 = tpu.vector_load %arg6[%swap3A_284, %swap3A_285] {strides = array<i32>} : memref<2x8192xf32, #tpu.memory_space<vmem>>, vector<16xf32>,
        tpu.vector_store %arg6[%swap3A_284, %swap3A_285], %gather3A_280 {strides = array<i32>} : memref<2x8192xf32, #tpu.memory_space<vmem>>, vector<16xf32>,
        %add3A_287 = arith.constant 1 : i32
        %add3A_288 = vector.broadcast %add3A_287 : i32 to vector<16xi32>
        %add3A_289 = arith.addi %add3A_271, %add3A_288 : vector<16xi32>
        %scan3A_290 = arith.constant 6 : i32
        %scan3A_291 = arith.addi %scan3A_184, %scan3A_290 : i32
        %gather3A_292 = arith.constant 0 : i32
        %gather3A_293 = arith.constant 0 : i32
        %gather3A_294 = arith.constant 0 : i32
        %gather3A_295 = arith.constant 0 : i32
        %gather3A_296 = tpu.memref_slice %arg5[%gather3A_292, %gather3A_293, %gather3A_294, %gather3A_295] : memref<2x2x8x512xf32, #tpu.memory_space<vmem>> -> memref<1x2x8x512xf32, #tpu.memory_space<vmem>>
        %gather3A_297 = tpu.memref_squeeze %gather3A_296 : memref<1x2x8x512xf32, #tpu.memory_space<vmem>> -> memref<2x8x512xf32, #tpu.memory_space<vmem>>
        %gather3A_298 = tpu.vector_load_idx %gather3A_297[%select_n3A, %select_n3A_45, %add3A_289] : memref<2x8x512xf32, #tpu.memory_space<vmem>>[vector<16xi32>, vector<16xi32>, vector<16xi32>], vector<16xf32>,
        %mul3A_299 = arith.constant 16 : i32
        %mul3A_300 = arith.muli %scan3A_291, %mul3A_299 : i32
        %swap3A_301 = arith.constant 0 : i32
        %swap3A_302 = arith.index_cast %swap3A_301 : i32 to index
        %swap3A_303 = arith.index_cast %mul3A_300 : i32 to index
        %swap3A_304 = tpu.vector_load %arg6[%swap3A_302, %swap3A_303] {strides = array<i32>} : memref<2x8192xf32, #tpu.memory_space<vmem>>, vector<16xf32>,
        tpu.vector_store %arg6[%swap3A_302, %swap3A_303], %gather3A_298 {strides = array<i32>} : memref<2x8192xf32, #tpu.memory_space<vmem>>, vector<16xf32>,
        %add3A_305 = arith.constant 1 : i32
        %add3A_306 = vector.broadcast %add3A_305 : i32 to vector<16xi32>
        %add3A_307 = arith.addi %add3A_289, %add3A_306 : vector<16xi32>
        %scan3A_308 = arith.constant 7 : i32
        %scan3A_309 = arith.addi %scan3A_184, %scan3A_308 : i32
        %gather3A_310 = arith.constant 0 : i32
        %gather3A_311 = arith.constant 0 : i32
        %gather3A_312 = arith.constant 0 : i32
        %gather3A_313 = arith.constant 0 : i32
        %gather3A_314 = tpu.memref_slice %arg5[%gather3A_310, %gather3A_311, %gather3A_312, %gather3A_313] : memref<2x2x8x512xf32, #tpu.memory_space<vmem>> -> memref<1x2x8x512xf32, #tpu.memory_space<vmem>>
        %gather3A_315 = tpu.memref_squeeze %gather3A_314 : memref<1x2x8x512xf32, #tpu.memory_space<vmem>> -> memref<2x8x512xf32, #tpu.memory_space<vmem>>
        %gather3A_316 = tpu.vector_load_idx %gather3A_315[%select_n3A, %select_n3A_45, %add3A_307] : memref<2x8x512xf32, #tpu.memory_space<vmem>>[vector<16xi32>, vector<16xi32>, vector<16xi32>], vector<16xf32>,
        %mul3A_317 = arith.constant 16 : i32
        %mul3A_318 = arith.muli %scan3A_309, %mul3A_317 : i32
        %swap3A_319 = arith.constant 0 : i32
        %swap3A_320 = arith.index_cast %swap3A_319 : i32 to index
        %swap3A_321 = arith.index_cast %mul3A_318 : i32 to index
        %swap3A_322 = tpu.vector_load %arg6[%swap3A_320, %swap3A_321] {strides = array<i32>} : memref<2x8192xf32, #tpu.memory_space<vmem>>, vector<16xf32>,
        tpu.vector_store %arg6[%swap3A_320, %swap3A_321], %gather3A_316 {strides = array<i32>} : memref<2x8192xf32, #tpu.memory_space<vmem>>, vector<16xf32>,
        %add3A_323 = arith.constant 1 : i32
        %add3A_324 = vector.broadcast %add3A_323 : i32 to vector<16xi32>
        %add3A_325 = arith.addi %add3A_307, %add3A_324 : vector<16xi32>
        scf.yield %add3A_325 : vector<16xi32>
      }
      %scan3A_183 = arith.constant 64 : i32
      %run_scoped3A = arith.constant 0 : i32
      "tpu.region"() ({
        %run_scoped3A_184 = tpu.sem_alloc : memref<!tpu.dma_semaphore, #tpu.memory_space<semaphore_mem>>
        %dma_start3A_185 = arith.constant 0 : i32
        %dma_start3A_186 = tpu.memref_slice %arg6[%run_scoped3A, %dma_start3A_185] : memref<2x8192xf32, #tpu.memory_space<vmem>> -> memref<1x1024xf32, #tpu.memory_space<vmem>>
        %dma_start3A_187 = tpu.memref_squeeze %dma_start3A_186 : memref<1x1024xf32, #tpu.memory_space<vmem>> -> memref<1024xf32, #tpu.memory_space<vmem>>
        %dma_start3A_188 = arith.constant 15998976 : i32
        %dma_start3A_189 = tpu.memref_slice %arg4[%dma_start3A_188] : memref<16000000xf32, #tpu.memory_space<hbm>> -> memref<1024xf32, #tpu.memory_space<hbm>>
        %dma_start3A_190 = arith.constant 15998976 : i32
        %dma_start3A_191 = tpu.memref_slice %arg4[%dma_start3A_190] : memref<16000000xf32, #tpu.memory_space<hbm>> -> memref<1024xf32, #tpu.memory_space<hbm>>
        %dma_start3A_192 = arith.constant 0 : i32
        %dma_start3A_193 = tpu.memref_slice %arg6[%run_scoped3A, %dma_start3A_192] : memref<2x8192xf32, #tpu.memory_space<vmem>> -> memref<1x1024xf32, #tpu.memory_space<vmem>>
        %dma_start3A_194 = tpu.memref_squeeze %dma_start3A_193 : memref<1x1024xf32, #tpu.memory_space<vmem>> -> memref<1024xf32, #tpu.memory_space<vmem>>
        tpu.enqueue_dma source(%dma_start3A_194 : memref<1024xf32, #tpu.memory_space<vmem>>) target(%dma_start3A_191 : memref<1024xf32, #tpu.memory_space<hbm>>) target_semaphore(%run_scoped3A_184 : memref<!tpu.dma_semaphore, #tpu.memory_space<semaphore_mem>>)
        %dma_wait3A_195 = arith.constant 0 : i32
        %dma_wait3A_196 = tpu.memref_slice %arg6[%run_scoped3A, %dma_wait3A_195] : memref<2x8192xf32, #tpu.memory_space<vmem>> -> memref<1x1024xf32, #tpu.memory_space<vmem>>
        %dma_wait3A_197 = tpu.memref_squeeze %dma_wait3A_196 : memref<1x1024xf32, #tpu.memory_space<vmem>> -> memref<1024xf32, #tpu.memory_space<vmem>>
        %dma_wait3A_198 = arith.constant 15998976 : i32
        %dma_wait3A_199 = tpu.memref_slice %arg4[%dma_wait3A_198] : memref<16000000xf32, #tpu.memory_space<hbm>> -> memref<1024xf32, #tpu.memory_space<hbm>>
        %dma_wait3A_200 = arith.constant 15998976 : i32
        %dma_wait3A_201 = tpu.memref_slice %arg4[%dma_wait3A_200] : memref<16000000xf32, #tpu.memory_space<hbm>> -> memref<1024xf32, #tpu.memory_space<hbm>>
        %dma_wait3A_202 = arith.constant 0 : i32
        %dma_wait3A_203 = tpu.memref_slice %arg6[%run_scoped3A, %dma_wait3A_202] : memref<2x8192xf32, #tpu.memory_space<vmem>> -> memref<1x1024xf32, #tpu.memory_space<vmem>>
        %dma_wait3A_204 = tpu.memref_squeeze %dma_wait3A_203 : memref<1x1024xf32, #tpu.memory_space<vmem>> -> memref<1024xf32, #tpu.memory_space<vmem>>
        tpu.wait_dma2 semaphore(%run_scoped3A_184 : memref<!tpu.dma_semaphore, #tpu.memory_space<semaphore_mem>>) src(%dma_wait3A_204 : memref<1024xf32, #tpu.memory_space<vmem>>) dst(%dma_wait3A_201 : memref<1024xf32, #tpu.memory_space<hbm>>)
        tpu.yield
      }) : () -> ()
    } else {
    }
    return
  }
}

</mosaic_0001>

<sc_bundles>
// kernel: _sc_transpose.3.cloned.1.call-start
scs
__scs_entry_jumppad:
0x0: {  	(pc) =	sbr.rel $0x88, $3  }
0x1: {  	(tag) =	ssettag $0x0;
	lr =	simm.s32 $0x1  }
0x2: {  	[smem:$0x3F9F] =	sst lr;
	_ =	strace $0xD0000000  }
0x3: {  	_ = 	snop  }
0x4: {  	_ = 	snop  }
0x5: {  	_ = 	snop  }
0x6: {  	_ = 	snop  }
0x7: {  	_ = 	snop  }
__scs_overlays_trampoline_lowered:
0x8: {  	[smem:$0x3FAE] =	sst s0  }
0x9: {  	[smem:$0x3FAF] =	sst s1  }
0xa: {  	[smem:$0x3FB0] =	sst s2  }
0xb: {  	[smem:$0x3FB1] =	sst s3  }
0xc: {  	[smem:$0x3FB2] =	sst s4  }
0xd: {  	[smem:$0x3FB3] =	sst s5  }
0xe: {  	[smem:$0x3FB4] =	sst s6  }
0xf: {  	[smem:$0x3FB5] =	sst s7  }
0x10: {  	[smem:$0x3FB6] =	sst s8  }
0x11: {  	[smem:$0x3FB7] =	sst s9;
	s0 =	simm.s32 @!p0 $0x0  }
0x12: {  	s1 =	sld [smem:$0x3F9D];
	s0 =	simm.s32 @p0 $0x1  }
0x13: {  	[smem:$0x3FB8] =	sst s0;
	s0 =	simm.s32 @!p1 $0x0  }
0x14: {  	s2 =	sld [smem:$0x3F9C];
	s0 =	simm.s32 @p1 $0x1  }
0x15: {  	[smem:$0x3FB9] =	sst s0;
	s0 =	simm.s32 @!p2 $0x0  }
0x16: {  	s3 =	sld [smem:$0x3FDB];
	s0 =	simm.s32 @p2 $0x1  }
0x17: {  	s4 =	simm.s32 $0x1BF5;
	[smem:$0x3FBB] =	sst s0  }
0x18: {  	s0 =	sld [smem:$0x3F9E];
	_ =	swait.ge [sflag:s4], $0x0  }
0x19: {  	s7 =	sld [smem:$0x3F9F]  }
0x1a: {  	s8 =	sadd.s32 $0xFFFFE003, lr  }
0x1b: {  	s9 =	sadd.s32 $0xFFFFFEF7, lr;
	s5 =	simm.s32 $0xFFFFFFFF;
	p2 =	slt.u32 s8, $0xFFFFF086  }
0x1c: {  	p1 =	slt.u32 s9, $0xF7A;
	s5 =	simm.s32 @!p2 $0x0  }
0x1d: {  	s5 =	simm.s32 @p1 $0x1;
	p0 =	seq.s32 s7, s2  }
0x1e: {  	s7 =	smul.u32 @!p0 $0xF7A, s2;
	p2 =	seq.s32 @!p0 s5, $0x0  }
0x1f: {  	s9 =	smul.u32 $0xF7A, s1;
	s8 =	simm.s32 @!p0 $0x1BF5;
	p2 =	por !p2, p0  }
0x20: {  	[sflag:s8] =	ssyncset.s32 @!p0 $0xFFFFF086;
	s6 =	sadd.s32 @!p0 s3, s7;
	s7 =	simm.s32 @!p0 $0x108  }
0x21: {  	s3 =	sadd.s32 s3, s9;
	s6 =	sadd.s32 @!p0 $0x88, s6;
	s7 =	simm.s32 @p2 $0x1082  }
0x22: {  	[simem:s7], [sflag:s8] =	dma.local @!p0 [hbm:s6], $0xF7A  }
0x23: {  	s9 =	sor.u32 $0xD0000000, s2;
	s6 =	simm.s32 $0x108;
	_ =	swait.ge @!p0 [sflag:s8], $0x0  }
0x24: {  	s3 =	sadd.s32 $0x88, s3;
	s6 =	simm.s32 @!p1 $0x1082;
	[sflag:s4] =	ssyncset.s32 $0xFFFFF086  }
0x25: {  	[simem:s6], [sflag:s4] =	dma.local [hbm:s3], $0xF7A  }
0x26: {  	[smem:$0x3F9F] =	sst s1;
	(tag) =	ssettag s2;
	_ =	strace s9  }
0x27: {  	s1 =	sld [smem:$0x3FAF]  }
0x28: {  	s2 =	sld [smem:$0x3FB0]  }
0x29: {  	s4 =	sld [smem:$0x3FB2]  }
0x2a: {  	p0 =	seq.s32 s5, $0x0;
	s5 =	sld [smem:$0x3FB3]  }
0x2b: {  	s6 =	sld [smem:$0x3FB4]  }
0x2c: {  	s7 =	sld [smem:$0x3FB5]  }
0x2d: {  	s3 =	simm.s32 $0x108;
	s8 =	sld [smem:$0x3FB6]  }
0x2e: {  	s3 =	simm.s32 @!p0 $0x1082;
	s9 =	sld [smem:$0x3FB7]  }
0x2f: {  	lr =	sadd.s32 s0, s3;
	s0 =	sld [smem:$0x3FAE]  }
0x30: {  	s3 =	sld [smem:$0x3FB1]  }
0x31: {  	[smem:$0x3FBA] =	sst s10  }
0x32: {  	s10 =	sld [smem:$0x3FB8];
	_ =	sdelay $0x3  }
0x33: {  	p0 =	seq.s32 s10, $0x1;
	s10 =	sld [smem:$0x3FBA];
	_ =	sdelay $0x3  }
0x34: {  	[smem:$0x3FBA] =	sst s10  }
0x35: {  	s10 =	sld [smem:$0x3FB9];
	_ =	sdelay $0x3  }
0x36: {  	p1 =	seq.s32 s10, $0x1;
	s10 =	sld [smem:$0x3FBA];
	_ =	sdelay $0x3  }
0x37: {  	[smem:$0x3FBA] =	sst s10  }
0x38: {  	s10 =	sld [smem:$0x3FBB]  }
0x39: {  	_ = 	snop;
	(pc) =	sbr.ind lr, $3  }
0x3a: {  	_ = 	snop  }
0x3b: {  	_ = 	snop  }
0x3c: {  	p2 =	seq.s32 s10, $0x1;
	s10 =	sld [smem:$0x3FBA]  }
0x3d: {  	_ =	shalt  }
0x3e: {  	_ =	shalt  }
0x3f: {  	_ =	shalt  }
0x40: {  	_ =	shalt  }
0x41: {  	_ =	shalt  }
0x42: {  	_ =	shalt  }
0x43: {  	_ =	shalt  }
0x44: {  	_ =	shalt  }
0x45: {  	_ =	shalt  }
0x46: {  	_ =	shalt  }
0x47: {  	_ =	shalt  }
0x48: {  	_ =	shalt  }
0x49: {  	_ =	shalt  }
0x4a: {  	_ =	shalt  }
0x4b: {  	_ =	shalt  }
0x4c: {  	_ =	shalt  }
0x4d: {  	_ =	shalt  }
0x4e: {  	_ =	shalt  }
0x4f: {  	_ =	shalt  }
0x50: {  	_ =	shalt  }
0x51: {  	_ =	shalt  }
0x52: {  	_ =	shalt  }
0x53: {  	_ =	shalt  }
0x54: {  	_ =	shalt  }
0x55: {  	_ =	shalt  }
0x56: {  	_ =	shalt  }
0x57: {  	_ =	shalt  }
0x58: {  	_ =	shalt  }
0x59: {  	_ =	shalt  }
0x5a: {  	_ =	shalt  }
0x5b: {  	_ =	shalt  }
0x5c: {  	_ =	shalt  }
0x5d: {  	_ =	shalt  }
0x5e: {  	_ =	shalt  }
0x5f: {  	_ =	shalt  }
0x60: {  	_ =	shalt  }
0x61: {  	_ =	shalt  }
0x62: {  	_ =	shalt  }
0x63: {  	_ =	shalt  }
0x64: {  	_ =	shalt  }
0x65: {  	_ =	shalt  }
0x66: {  	_ =	shalt  }
0x67: {  	_ =	shalt  }
0x68: {  	_ =	shalt  }
0x69: {  	_ =	shalt  }
0x6a: {  	_ =	shalt  }
0x6b: {  	_ =	shalt  }
0x6c: {  	_ =	shalt  }
0x6d: {  	_ =	shalt  }
0x6e: {  	_ =	shalt  }
0x6f: {  	_ =	shalt  }
0x70: {  	_ =	shalt  }
0x71: {  	_ =	shalt  }
0x72: {  	_ =	shalt  }
0x73: {  	_ =	shalt  }
0x74: {  	_ =	shalt  }
0x75: {  	_ =	shalt  }
0x76: {  	_ =	shalt  }
0x77: {  	_ =	shalt  }
0x78: {  	_ =	shalt  }
0x79: {  	_ =	shalt  }
0x7a: {  	_ =	shalt  }
0x7b: {  	_ =	shalt  }
0x7c: {  	_ =	shalt  }
0x7d: {  	_ =	shalt  }
0x7e: {  	_ =	shalt  }
0x7f: {  	_ =	shalt  }
0x80: {  	_ =	shalt  }
0x81: {  	_ =	shalt  }
0x82: {  	_ =	shalt  }
0x83: {  	_ =	shalt  }
0x84: {  	_ =	shalt  }
0x85: {  	_ =	shalt  }
0x86: {  	_ =	shalt  }
0x87: {  	_ =	shalt  }
.Lfunc_end0:
.L_simem_size_0:
called_computation_lowered:
.L_overlay_start_0:
0x88: {  	s2 =	sld [smem:$0x3FD9]  }
0x89: {  	s3 =	sld [smem:$0x3FFE];
	_ =	sdelay $0x1  }
0x8a: {  	s1 =	srdreg.scid  }
0x8b: {  	s0 =	sand.u32 $0x1, s1  }
0x8c: {  	s18 =	sshll.u32 s0, $0xA;
	s2 =	sadd.s32 s3, s2  }
0x8d: {  	s2 =	sadd.s32 s2, s18  }
0x8e: {  	[smem:$0x3FC6] =	sst s2  }
0x8f: {  	_ = 	snop  }
0x90: {  	s2 =	sld [smem:$0x3FC9]  }
0x91: {  	s19 =	sld [smem:$0x3FC8]  }
0x92: {  	s4 =	sld [smem:$0x3FD0];
	(tm) =	ssettm $0x1  }
0x93: {  	s5 =	sld [smem:$0x3FFB];
	_ =	sdelay $0x3  }
0x94: {  	_ =	strace s5  }
0x95: {  	s5 =	sld [smem:$0x3FFC];
	_ =	sdelay $0x3  }
0x96: {  	_ =	strace s5  }
0x97: {  	s5 =	sld [smem:$0x3FFD];
	_ =	sdelay $0x3  }
0x98: {  	_ =	strace s5  }
0x99: {  	_ =	strace $0x8FFFFFFF  }
0x9a: {  	s20 =	sld [smem:$0x3FDB];
	_ =	sdelay $0x1  }
0x9b: {  	s6 =	simm.s32 $_scs_section_size  }
0x9c: {  	s7 =	simm.s32 $_size__tile_overlayer_lowered;
	s8 =	simm.s32 $_tile_overlayer_lowered  }
0x9d: {  	s23 =	simm.s32 $0x1BFF;
	s22 =	sshll.u32 s8, $0x1;
	s5 =	sadd.s32 s6, s20  }
0x9e: {  	s9 =	simm.s32 $0x0;
	s21 =	sshll.u32 s7, $0x1;
	s7 =	sadd.s32 s22, s5  }
0x9f: {  	[timem:s9], [sflag:s23] =	dma.local [hbm:s7], s21  }
0xa0: {  	_ =	swait.ge [sflag:s23], s21  }
0xa1: {  	s6 =	ssub.s32 $0x0, s21;
	[sflag:s23] =	ssyncset.done $0x0  }
0xa2: {  	[sflag:s23] =	ssyncadd.s32 s6;
	_ =	sdelay $0x1  }
0xa3: {  	s24 =	simm.s32 $0x1B8B  }
0xa4: {  	_ =	swait.ge [sflag:s24], $0x1  }
0xa5: {  	[sflag:s24] =	ssyncset.done $0x0  }
0xa6: {  	s25 =	simm.s32 $0x1B8E;
	[sflag:s24] =	ssyncadd.s32 $0xFFFFFFFF  }
0xa7: {  	s26 =	simm.s32 $execute0_lowered;
	[smem:$0x3FD2] =	sst s25  }
0xa8: {  	s6 =	sshll.u32 s26, $0x1;
	_ =	strace $0x80000046;
	[dreg:$0x1] =	wrdreg $0xFFFFFFFF  }
0xa9: {  	s28 =	simm.s32 $_size_execute0_lowered;
	s5 =	sadd.s32 s5, s6;
	[dreg:$0x0] =	wrdreg $0x0  }
0xaa: {  	s6 =	sshll.u32 s28, $0x1;
	[dreg:$0x2] =	wrdreg s5  }
0xab: {  	[dreg:$0x3] =	wrdreg s6  }
0xac: {  	[dreg:$0x4] =	wrdreg $0xC0  }
0xad: {  	_ =	task [dreg:s9], $0x5FFFF  }
0xae: {  	[dreg:$0x1] =	wrdreg $0xFFFFFFFF  }
0xaf: {  	[dreg:$0x0] =	wrdreg $0x60  }
0xb0: {  	[dreg:$0x2] =	wrdreg s2  }
0xb1: {  	[dreg:$0x3] =	wrdreg s19  }
0xb2: {  	[dreg:$0x4] =	wrdreg s4  }
0xb3: {  	[dreg:$0x5] =	wrdreg $0x9  }
0xb4: {  	_ =	task.clear_ibuf [dreg:s9], $0x6FFFF;
	_ =	strace $0x90000046  }
0xb5: {  	s29 =	simm.s32 $0x9;
	_ =	strace $0x80000048  }
0xb6: {  	_ =	swait.ge [sflag:s29], $0x1  }
0xb7: {  	[sflag:s29] =	ssyncadd.s32 $0xFFFFFFFF  }
0xb8: {  	_ =	strace $0x90000048  }
0xb9: {  	_ =	sfence  }
0xba: {  	s30 =	sld [smem:$0x0];
	_ =	sdelay $0x2  }
0xbb: {  	s31 =	sshll.u32 s1, $0xD;
	s1 =	sshrl.u32 s1, $0x2  }
0xbc: {  	s3 =	sand.u32 $0x4000, s31;
	s1 =	sadd.s32 s1, s30  }
0xbd: {  	s0 =	sor.u32 s3, s0;
	s1 =	sshll.u32 s1, $0x11  }
0xbe: {  	s0 =	sor.u32 s1, s0  }
0xbf: {  	s0 =	sadd.s32 $0x8F2B, s0  }
0xc0: {  	[sflag:s0] =	ssyncadd.remote.s32 $0x1  }
0xc1: {  	_ =	sfence.sel $0xFFFF  }
0xc2: {  	[dreg:$0x0] =	wrdreg $0xFFFFFFFF;
	(pc) =	sbr.abs _section_cstart, $3  }
0xc3: {  	[dreg:$0x1] =	wrdreg $0xFFFFFFFF  }
0xc4: {  	_ =	task.clear_ibuf [dreg:s9], $0x2FFFF;
	_ =	strace $0x9FFFFFFF  }
0xc5: {  	(tm) =	ssettm $0x7FFFFFFF  }
tec
execute0_lowered:
.L_overlay_start_1:
0x0: {  	(tag) =	ssettag $0x1  }
0x1: {  	v0 =	vimm.s32 $0x1380  }
0x2: {  	vm14 =	vcmask $0x300;
	vm13 =	vcmask $0x704;
	vm12 =	vcmask $0xB08  }
0x3: {  	vm11 =	vcmask $0xF0C;
	vm10 =	vcmask $0x1310;
	vm9 =	vcmask $0x1714  }
0x4: {  	vm8 =	vcmask $0x1B18;
	vm7 =	vcmask $0x1F1C;
	vm6 =	vcmask $0x2320  }
0x5: {  	vm5 =	vcmask $0x2724;
	vm4 =	vcmask $0x2B28;
	vm3 =	vcmask $0x2F2C  }
0x6: {  	vm2 =	vcmask $0x3330;
	vm1 =	vcmask $0x3734;
	vm0 =	vcmask $0x3B38  }
0x7: {  	v1 =	vimm.s32 $0x1383;
	v2 =	vimm.s32 $0x1381;
	v3 =	vimm.s32 $0x1382  }
0x8: {  	v4 =	vimm.s32 $0x1386;
	v0 =	vsel vm14, $0x0, v0;
	v1 =	vsel vm14, $0x3, v1  }
0x9: {  	v2 =	vsel vm14, $0x1, v2;
	v3 =	vsel vm14, $0x2, v3;
	v4 =	vsel vm14, $0x6, v4  }
0xa: {  	v0 =	vsel vm13, $0x80, v0;
	v1 =	vsel vm13, $0x83, v1;
	v2 =	vsel vm13, $0x81, v2  }
0xb: {  	v3 =	vsel vm13, $0x82, v3;
	v4 =	vsel vm13, $0x86, v4;
	v0 =	vsel vm12, $0x100, v0  }
0xc: {  	v1 =	vsel vm12, $0x103, v1;
	v2 =	vsel vm12, $0x101, v2;
	v3 =	vsel vm12, $0x102, v3  }
0xd: {  	v4 =	vsel vm12, $0x106, v4;
	v0 =	vsel vm11, $0x180, v0;
	v1 =	vsel vm11, $0x183, v1  }
0xe: {  	v2 =	vsel vm11, $0x181, v2;
	v3 =	vsel vm11, $0x182, v3;
	v4 =	vsel vm11, $0x186, v4  }
0xf: {  	v0 =	vsel vm10, $0x200, v0;
	v1 =	vsel vm10, $0x203, v1;
	v2 =	vsel vm10, $0x201, v2  }
0x10: {  	v3 =	vsel vm10, $0x202, v3;
	v4 =	vsel vm10, $0x206, v4;
	v2 =	vsel vm9, $0x281, v2  }
0x11: {  	v0 =	vsel vm9, $0x280, v0;
	v3 =	vsel vm9, $0x282, v3;
	v2 =	vsel vm8, $0x301, v2  }
0x12: {  	v1 =	vsel vm9, $0x283, v1;
	v3 =	vsel vm8, $0x302, v3;
	v2 =	vsel vm7, $0x381, v2  }
0x13: {  	v4 =	vsel vm9, $0x286, v4;
	v3 =	vsel vm7, $0x382, v3;
	v2 =	vsel vm6, $0x1001, v2  }
0x14: {  	v0 =	vsel vm8, $0x300, v0;
	v3 =	vsel vm6, $0x1002, v3;
	v2 =	vsel vm5, $0x1081, v2  }
0x15: {  	v1 =	vsel vm8, $0x303, v1;
	v3 =	vsel vm5, $0x1082, v3;
	v2 =	vsel vm4, $0x1101, v2  }
0x16: {  	v4 =	vsel vm8, $0x306, v4;
	v3 =	vsel vm4, $0x1102, v3;
	v2 =	vsel vm3, $0x1181, v2  }
0x17: {  	v0 =	vsel vm7, $0x380, v0;
	v3 =	vsel vm3, $0x1182, v3;
	v2 =	vsel vm2, $0x1201, v2  }
0x18: {  	v1 =	vsel vm7, $0x383, v1;
	v3 =	vsel vm2, $0x1202, v3;
	v2 =	vsel vm1, $0x1281, v2  }
0x19: {  	v4 =	vsel vm7, $0x386, v4;
	v3 =	vsel vm1, $0x1282, v3;
	v2 =	vsel vm0, $0x1301, v2  }
0x1a: {  	v0 =	vsel vm6, $0x1000, v0;
	v1 =	vsel vm6, $0x1003, v1;
	[tilespmem:$0x1FFB0] =	vst v2;
	v2 =	vsel vm0, $0x1302, v3  }
0x1b: {  	v4 =	vsel vm6, $0x1006, v4;
	v0 =	vsel vm5, $0x1080, v0;
	[tilespmem:$0x1FFC0] =	vst v2;
	v2 =	vimm.s32 $0x1384  }
0x1c: {  	v1 =	vsel vm5, $0x1083, v1;
	v3 =	vimm.s32 $0x1385;
	v2 =	vsel vm14, $0x4, v2  }
0x1d: {  	v4 =	vsel vm5, $0x1086, v4;
	v3 =	vsel vm14, $0x5, v3;
	v2 =	vsel vm13, $0x84, v2  }
0x1e: {  	v0 =	vsel vm4, $0x1100, v0;
	v3 =	vsel vm13, $0x85, v3;
	v2 =	vsel vm12, $0x104, v2  }
0x1f: {  	v1 =	vsel vm4, $0x1103, v1;
	v3 =	vsel vm12, $0x105, v3;
	v2 =	vsel vm11, $0x184, v2  }
0x20: {  	v4 =	vsel vm4, $0x1106, v4;
	v3 =	vsel vm11, $0x185, v3;
	v2 =	vsel vm10, $0x204, v2  }
0x21: {  	v0 =	vsel vm3, $0x1180, v0;
	v3 =	vsel vm10, $0x205, v3;
	v2 =	vsel vm9, $0x284, v2  }
0x22: {  	v1 =	vsel vm3, $0x1183, v1;
	v3 =	vsel vm9, $0x285, v3;
	v2 =	vsel vm8, $0x304, v2  }
0x23: {  	v4 =	vsel vm3, $0x1186, v4;
	v3 =	vsel vm8, $0x305, v3;
	v2 =	vsel vm7, $0x384, v2  }
0x24: {  	v0 =	vsel vm2, $0x1200, v0;
	v3 =	vsel vm7, $0x385, v3;
	v2 =	vsel vm6, $0x1004, v2  }
0x25: {  	v1 =	vsel vm2, $0x1203, v1;
	v3 =	vsel vm6, $0x1005, v3;
	v2 =	vsel vm5, $0x1084, v2  }
0x26: {  	v4 =	vsel vm2, $0x1206, v4;
	v3 =	vsel vm5, $0x1085, v3;
	v2 =	vsel vm4, $0x1104, v2  }
0x27: {  	v0 =	vsel vm1, $0x1280, v0;
	v3 =	vsel vm4, $0x1105, v3;
	v2 =	vsel vm3, $0x1184, v2  }
0x28: {  	v1 =	vsel vm1, $0x1283, v1;
	v3 =	vsel vm3, $0x1185, v3;
	v2 =	vsel vm2, $0x1204, v2  }
0x29: {  	v4 =	vsel vm1, $0x1286, v4;
	v3 =	vsel vm2, $0x1205, v3;
	v2 =	vsel vm1, $0x1284, v2  }
0x2a: {  	v0 =	vsel vm0, $0x1300, v0;
	v3 =	vsel vm1, $0x1285, v3;
	v2 =	vsel vm0, $0x1304, v2  }
0x2b: {  	v1 =	vsel vm0, $0x1303, v1;
	[tilespmem:$0x1FFD0] =	vst v2;
	v2 =	vsel vm0, $0x1305, v3;
	v3 =	vimm.s32 $0x1388  }
0x2c: {  	[tilespmem:$0x1FFE0] =	vst v2;
	v2 =	vsel vm0, $0x1306, v4;
	v4 =	vimm.s32 $0x1389;
	v3 =	vsel vm14, $0x8, v3  }
0x2d: {  	[tilespmem:$0x1FFF0] =	vst v2;
	v2 =	vimm.s32 $0x1387;
	v4 =	vsel vm14, $0x9, v4;
	v3 =	vsel vm13, $0x88, v3  }
0x2e: {  	v2 =	vsel vm14, $0x7, v2;
	v4 =	vsel vm13, $0x89, v4;
	v3 =	vsel vm12, $0x108, v3  }
0x2f: {  	v2 =	vsel vm13, $0x87, v2;
	v4 =	vsel vm12, $0x109, v4;
	v3 =	vsel vm11, $0x188, v3  }
0x30: {  	v2 =	vsel vm12, $0x107, v2;
	v4 =	vsel vm11, $0x189, v4;
	v3 =	vsel vm10, $0x208, v3  }
0x31: {  	v2 =	vsel vm11, $0x187, v2;
	v4 =	vsel vm10, $0x209, v4;
	v3 =	vsel vm9, $0x288, v3  }
0x32: {  	v2 =	vsel vm10, $0x207, v2;
	v4 =	vsel vm9, $0x289, v4;
	v3 =	vsel vm8, $0x308, v3  }
0x33: {  	v2 =	vsel vm9, $0x287, v2;
	v4 =	vsel vm8, $0x309, v4;
	v3 =	vsel vm7, $0x388, v3  }
0x34: {  	v2 =	vsel vm8, $0x307, v2;
	v4 =	vsel vm7, $0x389, v4;
	v3 =	vsel vm6, $0x1008, v3  }
0x35: {  	v2 =	vsel vm7, $0x387, v2;
	v4 =	vsel vm6, $0x1009, v4;
	v3 =	vsel vm5, $0x1088, v3  }
0x36: {  	v2 =	vsel vm6, $0x1007, v2;
	v4 =	vsel vm5, $0x1089, v4;
	v3 =	vsel vm4, $0x1108, v3  }
0x37: {  	v2 =	vsel vm5, $0x1087, v2;
	v4 =	vsel vm4, $0x1109, v4;
	v3 =	vsel vm3, $0x1188, v3  }
0x38: {  	v2 =	vsel vm4, $0x1107, v2;
	v4 =	vsel vm3, $0x1189, v4;
	v3 =	vsel vm2, $0x1208, v3  }
0x39: {  	v2 =	vsel vm3, $0x1187, v2;
	v4 =	vsel vm2, $0x1209, v4;
	v3 =	vsel vm1, $0x1288, v3  }
0x3a: {  	v2 =	vsel vm2, $0x1207, v2;
	v4 =	vsel vm1, $0x1289, v4;
	v8 =	vsel vm0, $0x1308, v3  }
0x3b: {  	v3 =	vimm.s32 $0x138B;
	v2 =	vsel vm1, $0x1287, v2;
	v9 =	vsel vm0, $0x1309, v4  }
0x3c: {  	v4 =	vimm.s32 $0x138C;
	v3 =	vsel vm14, $0xB, v3;
	v7 =	vsel vm0, $0x1307, v2  }
0x3d: {  	v2 =	vimm.s32 $0x138A;
	v4 =	vsel vm14, $0xC, v4;
	v3 =	vsel vm13, $0x8B, v3  }
0x3e: {  	v2 =	vsel vm14, $0xA, v2;
	v4 =	vsel vm13, $0x8C, v4;
	v3 =	vsel vm12, $0x10B, v3  }
0x3f: {  	v2 =	vsel vm13, $0x8A, v2;
	v4 =	vsel vm12, $0x10C, v4;
	v3 =	vsel vm11, $0x18B, v3  }
0x40: {  	v2 =	vsel vm12, $0x10A, v2;
	v4 =	vsel vm11, $0x18C, v4;
	v3 =	vsel vm10, $0x20B, v3  }
0x41: {  	v2 =	vsel vm11, $0x18A, v2;
	v4 =	vsel vm10, $0x20C, v4;
	v3 =	vsel vm9, $0x28B, v3  }
0x42: {  	v2 =	vsel vm10, $0x20A, v2;
	v4 =	vsel vm9, $0x28C, v4;
	v3 =	vsel vm8, $0x30B, v3  }
0x43: {  	v2 =	vsel vm9, $0x28A, v2;
	v4 =	vsel vm8, $0x30C, v4;
	v3 =	vsel vm7, $0x38B, v3  }
0x44: {  	v2 =	vsel vm8, $0x30A, v2;
	v4 =	vsel vm7, $0x38C, v4;
	v3 =	vsel vm6, $0x100B, v3  }
0x45: {  	v2 =	vsel vm7, $0x38A, v2;
	v4 =	vsel vm6, $0x100C, v4;
	v3 =	vsel vm5, $0x108B, v3  }
0x46: {  	v2 =	vsel vm6, $0x100A, v2;
	v4 =	vsel vm5, $0x108C, v4;
	v3 =	vsel vm4, $0x110B, v3  }
0x47: {  	v2 =	vsel vm5, $0x108A, v2;
	v4 =	vsel vm4, $0x110C, v4;
	v3 =	vsel vm3, $0x118B, v3  }
0x48: {  	v2 =	vsel vm4, $0x110A, v2;
	v4 =	vsel vm3, $0x118C, v4;
	v3 =	vsel vm2, $0x120B, v3  }
0x49: {  	v2 =	vsel vm3, $0x118A, v2;
	v4 =	vsel vm2, $0x120C, v4;
	v3 =	vsel vm1, $0x128B, v3  }
0x4a: {  	v2 =	vsel vm2, $0x120A, v2;
	v4 =	vsel vm1, $0x128C, v4;
	v11 =	vsel vm0, $0x130B, v3  }
0x4b: {  	v3 =	vimm.s32 $0x138E;
	v2 =	vsel vm1, $0x128A, v2;
	v12 =	vsel vm0, $0x130C, v4  }
0x4c: {  	v4 =	vimm.s32 $0x138F;
	v3 =	vsel vm14, $0xE, v3;
	v10 =	vsel vm0, $0x130A, v2  }
0x4d: {  	v2 =	vimm.s32 $0x138D;
	v4 =	vsel vm14, $0xF, v4;
	v3 =	vsel vm13, $0x8E, v3  }
0x4e: {  	v2 =	vsel vm14, $0xD, v2;
	v4 =	vsel vm13, $0x8F, v4;
	v3 =	vsel vm12, $0x10E, v3  }
0x4f: {  	v2 =	vsel vm13, $0x8D, v2;
	v4 =	vsel vm12, $0x10F, v4;
	v3 =	vsel vm11, $0x18E, v3  }
0x50: {  	v2 =	vsel vm12, $0x10D, v2;
	v4 =	vsel vm11, $0x18F, v4;
	v3 =	vsel vm10, $0x20E, v3  }
0x51: {  	v2 =	vsel vm11, $0x18D, v2;
	v4 =	vsel vm10, $0x20F, v4;
	v3 =	vsel vm9, $0x28E, v3  }
0x52: {  	v2 =	vsel vm10, $0x20D, v2;
	v4 =	vsel vm9, $0x28F, v4;
	v3 =	vsel vm8, $0x30E, v3  }
0x53: {  	v2 =	vsel vm9, $0x28D, v2;
	v4 =	vsel vm8, $0x30F, v4;
	v3 =	vsel vm7, $0x38E, v3  }
0x54: {  	v2 =	vsel vm8, $0x30D, v2;
	v4 =	vsel vm7, $0x38F, v4;
	v3 =	vsel vm6, $0x100E, v3  }
0x55: {  	v2 =	vsel vm7, $0x38D, v2;
	v4 =	vsel vm6, $0x100F, v4;
	v3 =	vsel vm5, $0x108E, v3  }
0x56: {  	v2 =	vsel vm6, $0x100D, v2;
	v4 =	vsel vm5, $0x108F, v4;
	v3 =	vsel vm4, $0x110E, v3  }
0x57: {  	v2 =	vsel vm5, $0x108D, v2;
	v4 =	vsel vm4, $0x110F, v4;
	v3 =	vsel vm3, $0x118E, v3  }
0x58: {  	v2 =	vsel vm4, $0x110D, v2;
	v4 =	vsel vm3, $0x118F, v4;
	v3 =	vsel vm2, $0x120E, v3  }
0x59: {  	v2 =	vsel vm3, $0x118D, v2;
	v4 =	vsel vm2, $0x120F, v4;
	v3 =	vsel vm1, $0x128E, v3  }
0x5a: {  	v2 =	vsel vm2, $0x120D, v2;
	v4 =	vsel vm1, $0x128F, v4;
	v14 =	vsel vm0, $0x130E, v3  }
0x5b: {  	v3 =	vimm.s32 $0x1391;
	v2 =	vsel vm1, $0x128D, v2;
	v15 =	vsel vm0, $0x130F, v4  }
0x5c: {  	v4 =	vimm.s32 $0x1392;
	v3 =	vsel vm14, $0x11, v3;
	v13 =	vsel vm0, $0x130D, v2  }
0x5d: {  	v2 =	vimm.s32 $0x1390;
	v4 =	vsel vm14, $0x12, v4;
	v3 =	vsel vm13, $0x91, v3  }
0x5e: {  	v2 =	vsel vm14, $0x10, v2;
	v4 =	vsel vm13, $0x92, v4;
	v3 =	vsel vm12, $0x111, v3  }
0x5f: {  	v2 =	vsel vm13, $0x90, v2;
	v4 =	vsel vm12, $0x112, v4;
	v3 =	vsel vm11, $0x191, v3  }
0x60: {  	v2 =	vsel vm12, $0x110, v2;
	v4 =	vsel vm11, $0x192, v4;
	v3 =	vsel vm10, $0x211, v3  }
0x61: {  	v2 =	vsel vm11, $0x190, v2;
	v4 =	vsel vm10, $0x212, v4;
	v3 =	vsel vm9, $0x291, v3  }
0x62: {  	v2 =	vsel vm10, $0x210, v2;
	v4 =	vsel vm9, $0x292, v4;
	v3 =	vsel vm8, $0x311, v3  }
0x63: {  	v2 =	vsel vm9, $0x290, v2;
	v4 =	vsel vm8, $0x312, v4;
	v3 =	vsel vm7, $0x391, v3  }
0x64: {  	v2 =	vsel vm8, $0x310, v2;
	v4 =	vsel vm7, $0x392, v4;
	v3 =	vsel vm6, $0x1011, v3  }
0x65: {  	v2 =	vsel vm7, $0x390, v2;
	v4 =	vsel vm6, $0x1012, v4;
	v3 =	vsel vm5, $0x1091, v3  }
0x66: {  	v2 =	vsel vm6, $0x1010, v2;
	v4 =	vsel vm5, $0x1092, v4;
	v3 =	vsel vm4, $0x1111, v3  }
0x67: {  	v2 =	vsel vm5, $0x1090, v2;
	v4 =	vsel vm4, $0x1112, v4;
	v3 =	vsel vm3, $0x1191, v3  }
0x68: {  	v2 =	vsel vm4, $0x1110, v2;
	v4 =	vsel vm3, $0x1192, v4;
	v3 =	vsel vm2, $0x1211, v3  }
0x69: {  	v2 =	vsel vm3, $0x1190, v2;
	v4 =	vsel vm2, $0x1212, v4;
	v3 =	vsel vm1, $0x1291, v3  }
0x6a: {  	v2 =	vsel vm2, $0x1210, v2;
	v4 =	vsel vm1, $0x1292, v4;
	v17 =	vsel vm0, $0x1311, v3  }
0x6b: {  	v3 =	vimm.s32 $0x1394;
	v2 =	vsel vm1, $0x1290, v2;
	v18 =	vsel vm0, $0x1312, v4  }
0x6c: {  	v4 =	vimm.s32 $0x1395;
	v3 =	vsel vm14, $0x14, v3;
	v16 =	vsel vm0, $0x1310, v2  }
0x6d: {  	v2 =	vimm.s32 $0x1393;
	v4 =	vsel vm14, $0x15, v4;
	v3 =	vsel vm13, $0x94, v3  }
0x6e: {  	v2 =	vsel vm14, $0x13, v2;
	v4 =	vsel vm13, $0x95, v4;
	v3 =	vsel vm12, $0x114, v3  }
0x6f: {  	v2 =	vsel vm13, $0x93, v2;
	v4 =	vsel vm12, $0x115, v4;
	v3 =	vsel vm11, $0x194, v3  }
0x70: {  	v2 =	vsel vm12, $0x113, v2;
	v4 =	vsel vm11, $0x195, v4;
	v3 =	vsel vm10, $0x214, v3  }
0x71: {  	v2 =	vsel vm11, $0x193, v2;
	v4 =	vsel vm10, $0x215, v4;
	v3 =	vsel vm9, $0x294, v3  }
0x72: {  	v2 =	vsel vm10, $0x213, v2;
	v4 =	vsel vm9, $0x295, v4;
	v3 =	vsel vm8, $0x314, v3  }
0x73: {  	v2 =	vsel vm9, $0x293, v2;
	v4 =	vsel vm8, $0x315, v4;
	v3 =	vsel vm7, $0x394, v3  }
0x74: {  	v2 =	vsel vm8, $0x313, v2;
	v4 =	vsel vm7, $0x395, v4;
	v3 =	vsel vm6, $0x1014, v3  }
0x75: {  	v2 =	vsel vm7, $0x393, v2;
	v4 =	vsel vm6, $0x1015, v4;
	v3 =	vsel vm5, $0x1094, v3  }
0x76: {  	v2 =	vsel vm6, $0x1013, v2;
	v4 =	vsel vm5, $0x1095, v4;
	v3 =	vsel vm4, $0x1114, v3  }
0x77: {  	v2 =	vsel vm5, $0x1093, v2;
	v4 =	vsel vm4, $0x1115, v4;
	v3 =	vsel vm3, $0x1194, v3  }
0x78: {  	v2 =	vsel vm4, $0x1113, v2;
	v4 =	vsel vm3, $0x1195, v4;
	v3 =	vsel vm2, $0x1214, v3  }
0x79: {  	v2 =	vsel vm3, $0x1193, v2;
	v4 =	vsel vm2, $0x1215, v4;
	v3 =	vsel vm1, $0x1294, v3  }
0x7a: {  	v2 =	vsel vm2, $0x1213, v2;
	v4 =	vsel vm1, $0x1295, v4;
	v20 =	vsel vm0, $0x1314, v3  }
0x7b: {  	v3 =	vimm.s32 $0x1397;
	v2 =	vsel vm1, $0x1293, v2;
	v21 =	vsel vm0, $0x1315, v4  }
0x7c: {  	v4 =	vimm.s32 $0x1398;
	v3 =	vsel vm14, $0x17, v3;
	v19 =	vsel vm0, $0x1313, v2  }
0x7d: {  	v2 =	vimm.s32 $0x1396;
	v4 =	vsel vm14, $0x18, v4;
	v3 =	vsel vm13, $0x97, v3  }
0x7e: {  	v2 =	vsel vm14, $0x16, v2;
	v4 =	vsel vm13, $0x98, v4;
	v3 =	vsel vm12, $0x117, v3  }
0x7f: {  	v2 =	vsel vm13, $0x96, v2;
	v4 =	vsel vm12, $0x118, v4;
	v3 =	vsel vm11, $0x197, v3  }
0x80: {  	v2 =	vsel vm12, $0x116, v2;
	v4 =	vsel vm11, $0x198, v4;
	v3 =	vsel vm10, $0x217, v3  }
0x81: {  	v2 =	vsel vm11, $0x196, v2;
	v4 =	vsel vm10, $0x218, v4;
	v3 =	vsel vm9, $0x297, v3  }
0x82: {  	v2 =	vsel vm10, $0x216, v2;
	v4 =	vsel vm9, $0x298, v4;
	v3 =	vsel vm8, $0x317, v3  }
0x83: {  	v2 =	vsel vm9, $0x296, v2;
	v4 =	vsel vm8, $0x318, v4;
	v3 =	vsel vm7, $0x397, v3  }
0x84: {  	v2 =	vsel vm8, $0x316, v2;
	v4 =	vsel vm7, $0x398, v4;
	v3 =	vsel vm6, $0x1017, v3  }
0x85: {  	v2 =	vsel vm7, $0x396, v2;
	v4 =	vsel vm6, $0x1018, v4;
	v3 =	vsel vm5, $0x1097, v3  }
0x86: {  	v2 =	vsel vm6, $0x1016, v2;
	v4 =	vsel vm5, $0x1098, v4;
	v3 =	vsel vm4, $0x1117, v3  }
0x87: {  	v2 =	vsel vm5, $0x1096, v2;
	v4 =	vsel vm4, $0x1118, v4;
	v3 =	vsel vm3, $0x1197, v3  }
0x88: {  	v2 =	vsel vm4, $0x1116, v2;
	v4 =	vsel vm3, $0x1198, v4;
	v3 =	vsel vm2, $0x1217, v3  }
0x89: {  	v2 =	vsel vm3, $0x1196, v2;
	v4 =	vsel vm2, $0x1218, v4;
	v3 =	vsel vm1, $0x1297, v3  }
0x8a: {  	v2 =	vsel vm2, $0x1216, v2;
	v4 =	vsel vm1, $0x1298, v4;
	v23 =	vsel vm0, $0x1317, v3  }
0x8b: {  	v3 =	vimm.s32 $0x139A;
	v2 =	vsel vm1, $0x1296, v2;
	v24 =	vsel vm0, $0x1318, v4  }
0x8c: {  	v4 =	vimm.s32 $0x139B;
	v3 =	vsel vm14, $0x1A, v3;
	v22 =	vsel vm0, $0x1316, v2  }
0x8d: {  	v2 =	vimm.s32 $0x1399;
	v4 =	vsel vm14, $0x1B, v4;
	v3 =	vsel vm13, $0x9A, v3  }
0x8e: {  	v2 =	vsel vm14, $0x19, v2;
	v4 =	vsel vm13, $0x9B, v4;
	v3 =	vsel vm12, $0x11A, v3  }
0x8f: {  	v2 =	vsel vm13, $0x99, v2;
	v4 =	vsel vm12, $0x11B, v4;
	v3 =	vsel vm11, $0x19A, v3  }
0x90: {  	v2 =	vsel vm12, $0x119, v2;
	v4 =	vsel vm11, $0x19B, v4;
	v3 =	vsel vm10, $0x21A, v3  }
0x91: {  	v2 =	vsel vm11, $0x199, v2;
	v4 =	vsel vm10, $0x21B, v4;
	v3 =	vsel vm9, $0x29A, v3  }
0x92: {  	v2 =	vsel vm10, $0x219, v2;
	v4 =	vsel vm9, $0x29B, v4;
	v3 =	vsel vm8, $0x31A, v3  }
0x93: {  	v2 =	vsel vm9, $0x299, v2;
	v4 =	vsel vm8, $0x31B, v4;
	v3 =	vsel vm7, $0x39A, v3  }
0x94: {  	v2 =	vsel vm8, $0x319, v2;
	v4 =	vsel vm7, $0x39B, v4;
	v3 =	vsel vm6, $0x101A, v3  }
0x95: {  	v2 =	vsel vm7, $0x399, v2;
	v4 =	vsel vm6, $0x101B, v4;
	v3 =	vsel vm5, $0x109A, v3  }
0x96: {  	v2 =	vsel vm6, $0x1019, v2;
	v4 =	vsel vm5, $0x109B, v4;
	v3 =	vsel vm4, $0x111A, v3  }
0x97: {  	v2 =	vsel vm5, $0x1099, v2;
	v4 =	vsel vm4, $0x111B, v4;
	v3 =	vsel vm3, $0x119A, v3  }
0x98: {  	v2 =	vsel vm4, $0x1119, v2;
	v4 =	vsel vm3, $0x119B, v4;
	v3 =	vsel vm2, $0x121A, v3  }
0x99: {  	v2 =	vsel vm3, $0x1199, v2;
	v4 =	vsel vm2, $0x121B, v4;
	v3 =	vsel vm1, $0x129A, v3  }
0x9a: {  	v2 =	vsel vm2, $0x1219, v2;
	v4 =	vsel vm1, $0x129B, v4;
	v26 =	vsel vm0, $0x131A, v3  }
0x9b: {  	v3 =	vimm.s32 $0x139D;
	v2 =	vsel vm1, $0x1299, v2;
	v27 =	vsel vm0, $0x131B, v4  }
0x9c: {  	v4 =	vimm.s32 $0x139E;
	v3 =	vsel vm14, $0x1D, v3;
	v25 =	vsel vm0, $0x1319, v2  }
0x9d: {  	v2 =	vimm.s32 $0x139C;
	v4 =	vsel vm14, $0x1E, v4;
	v3 =	vsel vm13, $0x9D, v3  }
0x9e: {  	v2 =	vsel vm14, $0x1C, v2;
	v4 =	vsel vm13, $0x9E, v4;
	v3 =	vsel vm12, $0x11D, v3  }
0x9f: {  	v2 =	vsel vm13, $0x9C, v2;
	v4 =	vsel vm12, $0x11E, v4;
	v3 =	vsel vm11, $0x19D, v3  }
0xa0: {  	v2 =	vsel vm12, $0x11C, v2;
	v4 =	vsel vm11, $0x19E, v4;
	v3 =	vsel vm10, $0x21D, v3  }
0xa1: {  	v2 =	vsel vm11, $0x19C, v2;
	v4 =	vsel vm10, $0x21E, v4;
	v3 =	vsel vm9, $0x29D, v3  }
0xa2: {  	v2 =	vsel vm10, $0x21C, v2;
	v4 =	vsel vm9, $0x29E, v4;
	v3 =	vsel vm8, $0x31D, v3  }
0xa3: {  	v2 =	vsel vm9, $0x29C, v2;
	v4 =	vsel vm8, $0x31E, v4;
	v3 =	vsel vm7, $0x39D, v3  }
0xa4: {  	v2 =	vsel vm8, $0x31C, v2;
	v4 =	vsel vm7, $0x39E, v4;
	v3 =	vsel vm6, $0x101D, v3  }
0xa5: {  	v2 =	vsel vm7, $0x39C, v2;
	v4 =	vsel vm6, $0x101E, v4;
	v3 =	vsel vm5, $0x109D, v3  }
0xa6: {  	v2 =	vsel vm6, $0x101C, v2;
	v4 =	vsel vm5, $0x109E, v4;
	v3 =	vsel vm4, $0x111D, v3  }
0xa7: {  	v2 =	vsel vm5, $0x109C, v2;
	v4 =	vsel vm4, $0x111E, v4;
	v3 =	vsel vm3, $0x119D, v3  }
0xa8: {  	v2 =	vsel vm4, $0x111C, v2;
	v4 =	vsel vm3, $0x119E, v4;
	v3 =	vsel vm2, $0x121D, v3  }
0xa9: {  	v2 =	vsel vm3, $0x119C, v2;
	v4 =	vsel vm2, $0x121E, v4;
	v3 =	vsel vm1, $0x129D, v3  }
0xaa: {  	v2 =	vsel vm2, $0x121C, v2;
	v4 =	vsel vm1, $0x129E, v4;
	v29 =	vsel vm0, $0x131D, v3  }
0xab: {  	v3 =	vimm.s32 $0x13A0;
	v2 =	vsel vm1, $0x129C, v2;
	v30 =	vsel vm0, $0x131E, v4  }
0xac: {  	v4 =	vimm.s32 $0x13A1;
	v3 =	vsel vm14, $0x20, v3;
	v28 =	vsel vm0, $0x131C, v2  }
0xad: {  	v2 =	vimm.s32 $0x139F;
	v4 =	vsel vm14, $0x21, v4;
	v3 =	vsel vm13, $0xA0, v3  }
0xae: {  	v2 =	vsel vm14, $0x1F, v2;
	v4 =	vsel vm13, $0xA1, v4;
	v3 =	vsel vm12, $0x120, v3  }
0xaf: {  	v2 =	vsel vm13, $0x9F, v2;
	v4 =	vsel vm12, $0x121, v4;
	v3 =	vsel vm11, $0x1A0, v3  }
0xb0: {  	v2 =	vsel vm12, $0x11F, v2;
	v4 =	vsel vm11, $0x1A1, v4;
	v3 =	vsel vm10, $0x220, v3  }
0xb1: {  	v2 =	vsel vm11, $0x19F, v2;
	v4 =	vsel vm10, $0x221, v4;
	v3 =	vsel vm9, $0x2A0, v3  }
0xb2: {  	v2 =	vsel vm10, $0x21F, v2;
	v4 =	vsel vm9, $0x2A1, v4;
	v3 =	vsel vm8, $0x320, v3  }
0xb3: {  	v2 =	vsel vm9, $0x29F, v2;
	v4 =	vsel vm8, $0x321, v4;
	v3 =	vsel vm7, $0x3A0, v3  }
0xb4: {  	v2 =	vsel vm8, $0x31F, v2;
	v4 =	vsel vm7, $0x3A1, v4;
	v3 =	vsel vm6, $0x1020, v3  }
0xb5: {  	v2 =	vsel vm7, $0x39F, v2;
	v4 =	vsel vm6, $0x1021, v4;
	v3 =	vsel vm5, $0x10A0, v3  }
0xb6: {  	v2 =	vsel vm6, $0x101F, v2;
	v4 =	vsel vm5, $0x10A1, v4;
	v3 =	vsel vm4, $0x1120, v3  }
0xb7: {  	v2 =	vsel vm5, $0x109F, v2;
	v4 =	vsel vm4, $0x1121, v4;
	v3 =	vsel vm3, $0x11A0, v3  }
0xb8: {  	v2 =	vsel vm4, $0x111F, v2;
	v4 =	vsel vm3, $0x11A1, v4;
	v3 =	vsel vm2, $0x1220, v3  }
0xb9: {  	v2 =	vsel vm3, $0x119F, v2;
	v4 =	vsel vm2, $0x1221, v4;
	v3 =	vsel vm1, $0x12A0, v3  }
0xba: {  	v2 =	vsel vm2, $0x121F, v2;
	v4 =	vsel vm1, $0x12A1, v4;
	v32 =	vsel vm0, $0x1320, v3  }
0xbb: {  	v3 =	vimm.s32 $0x13A3;
	v2 =	vsel vm1, $0x129F, v2;
	v33 =	vsel vm0, $0x1321, v4  }
0xbc: {  	v4 =	vimm.s32 $0x13A4;
	v3 =	vsel vm14, $0x23, v3;
	v31 =	vsel vm0, $0x131F, v2  }
0xbd: {  	v2 =	vimm.s32 $0x13A2;
	v4 =	vsel vm14, $0x24, v4;
	v3 =	vsel vm13, $0xA3, v3  }
0xbe: {  	v2 =	vsel vm14, $0x22, v2;
	v4 =	vsel vm13, $0xA4, v4;
	v3 =	vsel vm12, $0x123, v3  }
0xbf: {  	v2 =	vsel vm13, $0xA2, v2;
	v4 =	vsel vm12, $0x124, v4;
	v3 =	vsel vm11, $0x1A3, v3  }
0xc0: {  	v2 =	vsel vm12, $0x122, v2;
	v4 =	vsel vm11, $0x1A4, v4;
	v3 =	vsel vm10, $0x223, v3  }
0xc1: {  	v2 =	vsel vm11, $0x1A2, v2;
	v4 =	vsel vm10, $0x224, v4;
	v3 =	vsel vm9, $0x2A3, v3  }
0xc2: {  	v2 =	vsel vm10, $0x222, v2;
	v4 =	vsel vm9, $0x2A4, v4;
	v3 =	vsel vm8, $0x323, v3  }
0xc3: {  	v2 =	vsel vm9, $0x2A2, v2;
	v4 =	vsel vm8, $0x324, v4;
	v3 =	vsel vm7, $0x3A3, v3  }
0xc4: {  	v2 =	vsel vm8, $0x322, v2;
	v4 =	vsel vm7, $0x3A4, v4;
	v3 =	vsel vm6, $0x1023, v3  }
0xc5: {  	v2 =	vsel vm7, $0x3A2, v2;
	v4 =	vsel vm6, $0x1024, v4;
	v3 =	vsel vm5, $0x10A3, v3  }
0xc6: {  	v2 =	vsel vm6, $0x1022, v2;
	v4 =	vsel vm5, $0x10A4, v4;
	v3 =	vsel vm4, $0x1123, v3  }
0xc7: {  	v2 =	vsel vm5, $0x10A2, v2;
	v4 =	vsel vm4, $0x1124, v4;
	v3 =	vsel vm3, $0x11A3, v3  }
0xc8: {  	v2 =	vsel vm4, $0x1122, v2;
	v4 =	vsel vm3, $0x11A4, v4;
	v3 =	vsel vm2, $0x1223, v3  }
0xc9: {  	v2 =	vsel vm3, $0x11A2, v2;
	v4 =	vsel vm2, $0x1224, v4;
	v3 =	vsel vm1, $0x12A3, v3  }
0xca: {  	v2 =	vsel vm2, $0x1222, v2;
	v4 =	vsel vm1, $0x12A4, v4;
	v35 =	vsel vm0, $0x1323, v3  }
0xcb: {  	v3 =	vimm.s32 $0x13A6;
	v2 =	vsel vm1, $0x12A2, v2;
	v36 =	vsel vm0, $0x1324, v4  }
0xcc: {  	v4 =	vimm.s32 $0x13A7;
	v3 =	vsel vm14, $0x26, v3;
	v34 =	vsel vm0, $0x1322, v2  }
0xcd: {  	v2 =	vimm.s32 $0x13A5;
	v4 =	vsel vm14, $0x27, v4;
	v3 =	vsel vm13, $0xA6, v3  }
0xce: {  	v2 =	vsel vm14, $0x25, v2;
	v4 =	vsel vm13, $0xA7, v4;
	v3 =	vsel vm12, $0x126, v3  }
0xcf: {  	v2 =	vsel vm13, $0xA5, v2;
	v4 =	vsel vm12, $0x127, v4;
	v3 =	vsel vm11, $0x1A6, v3  }
0xd0: {  	v2 =	vsel vm12, $0x125, v2;
	v4 =	vsel vm11, $0x1A7, v4;
	v3 =	vsel vm10, $0x226, v3  }
0xd1: {  	v2 =	vsel vm11, $0x1A5, v2;
	v4 =	vsel vm10, $0x227, v4;
	v3 =	vsel vm9, $0x2A6, v3  }
0xd2: {  	v2 =	vsel vm10, $0x225, v2;
	v4 =	vsel vm9, $0x2A7, v4;
	v3 =	vsel vm8, $0x326, v3  }
0xd3: {  	v2 =	vsel vm9, $0x2A5, v2;
	v4 =	vsel vm8, $0x327, v4;
	v3 =	vsel vm7, $0x3A6, v3  }
0xd4: {  	v2 =	vsel vm8, $0x325, v2;
	v4 =	vsel vm7, $0x3A7, v4;
	v3 =	vsel vm6, $0x1026, v3  }
0xd5: {  	v2 =	vsel vm7, $0x3A5, v2;
	v4 =	vsel vm6, $0x1027, v4;
	v3 =	vsel vm5, $0x10A6, v3  }
0xd6: {  	v2 =	vsel vm6, $0x1025, v2;
	v4 =	vsel vm5, $0x10A7, v4;
	v3 =	vsel vm4, $0x1126, v3  }
0xd7: {  	v2 =	vsel vm5, $0x10A5, v2;
	v4 =	vsel vm4, $0x1127, v4;
	v3 =	vsel vm3, $0x11A6, v3  }
0xd8: {  	v2 =	vsel vm4, $0x1125, v2;
	v4 =	vsel vm3, $0x11A7, v4;
	v3 =	vsel vm2, $0x1226, v3  }
0xd9: {  	v2 =	vsel vm3, $0x11A5, v2;
	v4 =	vsel vm2, $0x1227, v4;
	v3 =	vsel vm1, $0x12A6, v3  }
0xda: {  	v2 =	vsel vm2, $0x1225, v2;
	v4 =	vsel vm1, $0x12A7, v4;
	v38 =	vsel vm0, $0x1326, v3  }
0xdb: {  	v3 =	vimm.s32 $0x13A9;
	v2 =	vsel vm1, $0x12A5, v2;
	v39 =	vsel vm0, $0x1327, v4  }
0xdc: {  	v4 =	vimm.s32 $0x13AA;
	v3 =	vsel vm14, $0x29, v3;
	v37 =	vsel vm0, $0x1325, v2  }
0xdd: {  	v2 =	vimm.s32 $0x13A8;
	v4 =	vsel vm14, $0x2A, v4;
	v3 =	vsel vm13, $0xA9, v3  }
0xde: {  	v2 =	vsel vm14, $0x28, v2;
	v4 =	vsel vm13, $0xAA, v4;
	v3 =	vsel vm12, $0x129, v3  }
0xdf: {  	v2 =	vsel vm13, $0xA8, v2;
	v4 =	vsel vm12, $0x12A, v4;
	v3 =	vsel vm11, $0x1A9, v3  }
0xe0: {  	v2 =	vsel vm12, $0x128, v2;
	v4 =	vsel vm11, $0x1AA, v4;
	v3 =	vsel vm10, $0x229, v3  }
0xe1: {  	v2 =	vsel vm11, $0x1A8, v2;
	v4 =	vsel vm10, $0x22A, v4;
	v3 =	vsel vm9, $0x2A9, v3  }
0xe2: {  	v2 =	vsel vm10, $0x228, v2;
	v4 =	vsel vm9, $0x2AA, v4;
	v3 =	vsel vm8, $0x329, v3  }
0xe3: {  	v2 =	vsel vm9, $0x2A8, v2;
	v4 =	vsel vm8, $0x32A, v4;
	v3 =	vsel vm7, $0x3A9, v3  }
0xe4: {  	v2 =	vsel vm8, $0x328, v2;
	v4 =	vsel vm7, $0x3AA, v4;
	v3 =	vsel vm6, $0x1029, v3  }
0xe5: {  	v2 =	vsel vm7, $0x3A8, v2;
	v4 =	vsel vm6, $0x102A, v4;
	v3 =	vsel vm5, $0x10A9, v3  }
0xe6: {  	v2 =	vsel vm6, $0x1028, v2;
	v4 =	vsel vm5, $0x10AA, v4;
	v3 =	vsel vm4, $0x1129, v3  }
0xe7: {  	v2 =	vsel vm5, $0x10A8, v2;
	v4 =	vsel vm4, $0x112A, v4;
	v3 =	vsel vm3, $0x11A9, v3  }
0xe8: {  	v2 =	vsel vm4, $0x1128, v2;
	v4 =	vsel vm3, $0x11AA, v4;
	v3 =	vsel vm2, $0x1229, v3  }
0xe9: {  	v2 =	vsel vm3, $0x11A8, v2;
	v4 =	vsel vm2, $0x122A, v4;
	v3 =	vsel vm1, $0x12A9, v3  }
0xea: {  	v2 =	vsel vm2, $0x1228, v2;
	v4 =	vsel vm1, $0x12AA, v4;
	v41 =	vsel vm0, $0x1329, v3  }
0xeb: {  	v3 =	vimm.s32 $0x13AC;
	v2 =	vsel vm1, $0x12A8, v2;
	v42 =	vsel vm0, $0x132A, v4  }
0xec: {  	v4 =	vimm.s32 $0x13AD;
	v3 =	vsel vm14, $0x2C, v3;
	v40 =	vsel vm0, $0x1328, v2  }
0xed: {  	v2 =	vimm.s32 $0x13AB;
	v4 =	vsel vm14, $0x2D, v4;
	v3 =	vsel vm13, $0xAC, v3  }
0xee: {  	v2 =	vsel vm14, $0x2B, v2;
	v4 =	vsel vm13, $0xAD, v4;
	v3 =	vsel vm12, $0x12C, v3  }
0xef: {  	v2 =	vsel vm13, $0xAB, v2;
	v4 =	vsel vm12, $0x12D, v4;
	v3 =	vsel vm11, $0x1AC, v3  }
0xf0: {  	v2 =	vsel vm12, $0x12B, v2;
	v4 =	vsel vm11, $0x1AD, v4;
	v3 =	vsel vm10, $0x22C, v3  }
0xf1: {  	v2 =	vsel vm11, $0x1AB, v2;
	v4 =	vsel vm10, $0x22D, v4;
	v3 =	vsel vm9, $0x2AC, v3  }
0xf2: {  	v2 =	vsel vm10, $0x22B, v2;
	v4 =	vsel vm9, $0x2AD, v4;
	v3 =	vsel vm8, $0x32C, v3  }
0xf3: {  	v2 =	vsel vm9, $0x2AB, v2;
	v4 =	vsel vm8, $0x32D, v4;
	v3 =	vsel vm7, $0x3AC, v3  }
0xf4: {  	v2 =	vsel vm8, $0x32B, v2;
	v4 =	vsel vm7, $0x3AD, v4;
	v3 =	vsel vm6, $0x102C, v3  }
0xf5: {  	v2 =	vsel vm7, $0x3AB, v2;
	v4 =	vsel vm6, $0x102D, v4;
	v3 =	vsel vm5, $0x10AC, v3  }
0xf6: {  	v2 =	vsel vm6, $0x102B, v2;
	v4 =	vsel vm5, $0x10AD, v4;
	v3 =	vsel vm4, $0x112C, v3  }
0xf7: {  	v2 =	vsel vm5, $0x10AB, v2;
	v4 =	vsel vm4, $0x112D, v4;
	v3 =	vsel vm3, $0x11AC, v3  }
0xf8: {  	v2 =	vsel vm4, $0x112B, v2;
	v4 =	vsel vm3, $0x11AD, v4;
	v3 =	vsel vm2, $0x122C, v3  }
0xf9: {  	v2 =	vsel vm3, $0x11AB, v2;
	v4 =	vsel vm2, $0x122D, v4;
	v3 =	vsel vm1, $0x12AC, v3  }
0xfa: {  	v2 =	vsel vm2, $0x122B, v2;
	v4 =	vsel vm1, $0x12AD, v4;
	v44 =	vsel vm0, $0x132C, v3  }
0xfb: {  	v3 =	vimm.s32 $0x13AF;
	v2 =	vsel vm1, $0x12AB, v2;
	v45 =	vsel vm0, $0x132D, v4  }
0xfc: {  	v4 =	vimm.s32 $0x13B0;
	v3 =	vsel vm14, $0x2F, v3;
	v43 =	vsel vm0, $0x132B, v2  }
0xfd: {  	v2 =	vimm.s32 $0x13AE;
	v4 =	vsel vm14, $0x30, v4;
	v3 =	vsel vm13, $0xAF, v3  }
0xfe: {  	v2 =	vsel vm14, $0x2E, v2;
	v4 =	vsel vm13, $0xB0, v4;
	v3 =	vsel vm12, $0x12F, v3  }
0xff: {  	v2 =	vsel vm13, $0xAE, v2;
	v4 =	vsel vm12, $0x130, v4;
	v3 =	vsel vm11, $0x1AF, v3  }
0x100: {  	v2 =	vsel vm12, $0x12E, v2;
	v4 =	vsel vm11, $0x1B0, v4;
	v3 =	vsel vm10, $0x22F, v3  }
0x101: {  	v2 =	vsel vm11, $0x1AE, v2;
	v4 =	vsel vm10, $0x230, v4;
	v3 =	vsel vm9, $0x2AF, v3  }
0x102: {  	v2 =	vsel vm10, $0x22E, v2;
	v4 =	vsel vm9, $0x2B0, v4;
	v3 =	vsel vm8, $0x32F, v3  }
0x103: {  	v2 =	vsel vm9, $0x2AE, v2;
	v4 =	vsel vm8, $0x330, v4;
	v3 =	vsel vm7, $0x3AF, v3  }
0x104: {  	v2 =	vsel vm8, $0x32E, v2;
	v4 =	vsel vm7, $0x3B0, v4;
	v3 =	vsel vm6, $0x102F, v3  }
0x105: {  	v2 =	vsel vm7, $0x3AE, v2;
	v4 =	vsel vm6, $0x1030, v4;
	v3 =	vsel vm5, $0x10AF, v3  }
0x106: {  	v2 =	vsel vm6, $0x102E, v2;
	v4 =	vsel vm5, $0x10B0, v4;
	v3 =	vsel vm4, $0x112F, v3  }
0x107: {  	v2 =	vsel vm5, $0x10AE, v2;
	v4 =	vsel vm4, $0x1130, v4;
	v3 =	vsel vm3, $0x11AF, v3  }
0x108: {  	v2 =	vsel vm4, $0x112E, v2;
	v4 =	vsel vm3, $0x11B0, v4;
	v3 =	vsel vm2, $0x122F, v3  }
0x109: {  	v2 =	vsel vm3, $0x11AE, v2;
	v4 =	vsel vm2, $0x1230, v4;
	v3 =	vsel vm1, $0x12AF, v3  }
0x10a: {  	v2 =	vsel vm2, $0x122E, v2;
	v4 =	vsel vm1, $0x12B0, v4;
	v47 =	vsel vm0, $0x132F, v3  }
0x10b: {  	v3 =	vimm.s32 $0x13B2;
	v2 =	vsel vm1, $0x12AE, v2;
	v48 =	vsel vm0, $0x1330, v4  }
0x10c: {  	v4 =	vimm.s32 $0x13B3;
	v3 =	vsel vm14, $0x32, v3;
	v46 =	vsel vm0, $0x132E, v2  }
0x10d: {  	v2 =	vimm.s32 $0x13B1;
	v4 =	vsel vm14, $0x33, v4;
	v3 =	vsel vm13, $0xB2, v3  }
0x10e: {  	v2 =	vsel vm14, $0x31, v2;
	v4 =	vsel vm13, $0xB3, v4;
	v3 =	vsel vm12, $0x132, v3  }
0x10f: {  	v2 =	vsel vm13, $0xB1, v2;
	v4 =	vsel vm12, $0x133, v4;
	v3 =	vsel vm11, $0x1B2, v3  }
0x110: {  	v2 =	vsel vm12, $0x131, v2;
	v4 =	vsel vm11, $0x1B3, v4;
	v3 =	vsel vm10, $0x232, v3  }
0x111: {  	v2 =	vsel vm11, $0x1B1, v2;
	v4 =	vsel vm10, $0x233, v4;
	v3 =	vsel vm9, $0x2B2, v3  }
0x112: {  	v2 =	vsel vm10, $0x231, v2;
	v4 =	vsel vm9, $0x2B3, v4;
	v3 =	vsel vm8, $0x332, v3  }
0x113: {  	v2 =	vsel vm9, $0x2B1, v2;
	v4 =	vsel vm8, $0x333, v4;
	v3 =	vsel vm7, $0x3B2, v3  }
0x114: {  	v2 =	vsel vm8, $0x331, v2;
	v4 =	vsel vm7, $0x3B3, v4;
	v3 =	vsel vm6, $0x1032, v3  }
0x115: {  	v2 =	vsel vm7, $0x3B1, v2;
	v4 =	vsel vm6, $0x1033, v4;
	v3 =	vsel vm5, $0x10B2, v3  }
0x116: {  	v2 =	vsel vm6, $0x1031, v2;
	v4 =	vsel vm5, $0x10B3, v4;
	v3 =	vsel vm4, $0x1132, v3  }
0x117: {  	v2 =	vsel vm5, $0x10B1, v2;
	v4 =	vsel vm4, $0x1133, v4;
	v3 =	vsel vm3, $0x11B2, v3  }
0x118: {  	v2 =	vsel vm4, $0x1131, v2;
	v4 =	vsel vm3, $0x11B3, v4;
	v3 =	vsel vm2, $0x1232, v3  }
0x119: {  	v2 =	vsel vm3, $0x11B1, v2;
	v4 =	vsel vm2, $0x1233, v4;
	v3 =	vsel vm1, $0x12B2, v3  }
0x11a: {  	v2 =	vsel vm2, $0x1231, v2;
	v4 =	vsel vm1, $0x12B3, v4;
	v50 =	vsel vm0, $0x1332, v3  }
0x11b: {  	v3 =	vimm.s32 $0x13B5;
	v2 =	vsel vm1, $0x12B1, v2;
	v51 =	vsel vm0, $0x1333, v4  }
0x11c: {  	v4 =	vimm.s32 $0x13B6;
	v3 =	vsel vm14, $0x35, v3;
	v49 =	vsel vm0, $0x1331, v2  }
0x11d: {  	v2 =	vimm.s32 $0x13B4;
	v4 =	vsel vm14, $0x36, v4;
	v3 =	vsel vm13, $0xB5, v3  }
0x11e: {  	v2 =	vsel vm14, $0x34, v2;
	v4 =	vsel vm13, $0xB6, v4;
	v3 =	vsel vm12, $0x135, v3  }
0x11f: {  	v2 =	vsel vm13, $0xB4, v2;
	v4 =	vsel vm12, $0x136, v4;
	v3 =	vsel vm11, $0x1B5, v3  }
0x120: {  	v2 =	vsel vm12, $0x134, v2;
	v4 =	vsel vm11, $0x1B6, v4;
	v3 =	vsel vm10, $0x235, v3  }
0x121: {  	v2 =	vsel vm11, $0x1B4, v2;
	v4 =	vsel vm10, $0x236, v4;
	v3 =	vsel vm9, $0x2B5, v3  }
0x122: {  	v2 =	vsel vm10, $0x234, v2;
	v4 =	vsel vm9, $0x2B6, v4;
	v3 =	vsel vm8, $0x335, v3  }
0x123: {  	v2 =	vsel vm9, $0x2B4, v2;
	v4 =	vsel vm8, $0x336, v4;
	v3 =	vsel vm7, $0x3B5, v3  }
0x124: {  	v2 =	vsel vm8, $0x334, v2;
	v4 =	vsel vm7, $0x3B6, v4;
	v3 =	vsel vm6, $0x1035, v3  }
0x125: {  	v2 =	vsel vm7, $0x3B4, v2;
	v4 =	vsel vm6, $0x1036, v4;
	v3 =	vsel vm5, $0x10B5, v3  }
0x126: {  	v2 =	vsel vm6, $0x1034, v2;
	v4 =	vsel vm5, $0x10B6, v4;
	v3 =	vsel vm4, $0x1135, v3  }
0x127: {  	v2 =	vsel vm5, $0x10B4, v2;
	v4 =	vsel vm4, $0x1136, v4;
	v3 =	vsel vm3, $0x11B5, v3  }
0x128: {  	v2 =	vsel vm4, $0x1134, v2;
	v4 =	vsel vm3, $0x11B6, v4;
	v3 =	vsel vm2, $0x1235, v3  }
0x129: {  	v2 =	vsel vm3, $0x11B4, v2;
	v4 =	vsel vm2, $0x1236, v4;
	v3 =	vsel vm1, $0x12B5, v3  }
0x12a: {  	v2 =	vsel vm2, $0x1234, v2;
	v4 =	vsel vm1, $0x12B6, v4;
	v53 =	vsel vm0, $0x1335, v3  }
0x12b: {  	v3 =	vimm.s32 $0x13B8;
	v2 =	vsel vm1, $0x12B4, v2;
	v54 =	vsel vm0, $0x1336, v4  }
0x12c: {  	v4 =	vimm.s32 $0x13B9;
	v3 =	vsel vm14, $0x38, v3;
	v52 =	vsel vm0, $0x1334, v2  }
0x12d: {  	v2 =	vimm.s32 $0x13B7;
	v4 =	vsel vm14, $0x39, v4;
	v3 =	vsel vm13, $0xB8, v3  }
0x12e: {  	v2 =	vsel vm14, $0x37, v2;
	v4 =	vsel vm13, $0xB9, v4;
	v3 =	vsel vm12, $0x138, v3  }
0x12f: {  	v2 =	vsel vm13, $0xB7, v2;
	v4 =	vsel vm12, $0x139, v4;
	v3 =	vsel vm11, $0x1B8, v3  }
0x130: {  	v2 =	vsel vm12, $0x137, v2;
	v4 =	vsel vm11, $0x1B9, v4;
	v3 =	vsel vm10, $0x238, v3  }
0x131: {  	v2 =	vsel vm11, $0x1B7, v2;
	v4 =	vsel vm10, $0x239, v4;
	v3 =	vsel vm9, $0x2B8, v3  }
0x132: {  	v2 =	vsel vm10, $0x237, v2;
	v4 =	vsel vm9, $0x2B9, v4;
	v3 =	vsel vm8, $0x338, v3  }
0x133: {  	v2 =	vsel vm9, $0x2B7, v2;
	v4 =	vsel vm8, $0x339, v4;
	v3 =	vsel vm7, $0x3B8, v3  }
0x134: {  	v2 =	vsel vm8, $0x337, v2;
	v4 =	vsel vm7, $0x3B9, v4;
	v3 =	vsel vm6, $0x1038, v3  }
0x135: {  	v2 =	vsel vm7, $0x3B7, v2;
	v4 =	vsel vm6, $0x1039, v4;
	v3 =	vsel vm5, $0x10B8, v3  }
0x136: {  	v2 =	vsel vm6, $0x1037, v2;
	v4 =	vsel vm5, $0x10B9, v4;
	v3 =	vsel vm4, $0x1138, v3  }
0x137: {  	v2 =	vsel vm5, $0x10B7, v2;
	v4 =	vsel vm4, $0x1139, v4;
	v3 =	vsel vm3, $0x11B8, v3  }
0x138: {  	v2 =	vsel vm4, $0x1137, v2;
	v4 =	vsel vm3, $0x11B9, v4;
	v3 =	vsel vm2, $0x1238, v3  }
0x139: {  	v2 =	vsel vm3, $0x11B7, v2;
	v4 =	vsel vm2, $0x1239, v4;
	v3 =	vsel vm1, $0x12B8, v3  }
0x13a: {  	v2 =	vsel vm2, $0x1237, v2;
	v4 =	vsel vm1, $0x12B9, v4;
	v56 =	vsel vm0, $0x1338, v3  }
0x13b: {  	v3 =	vimm.s32 $0x13BB;
	v2 =	vsel vm1, $0x12B7, v2;
	v57 =	vsel vm0, $0x1339, v4  }
0x13c: {  	v4 =	vimm.s32 $0x13BC;
	v3 =	vsel vm14, $0x3B, v3;
	v55 =	vsel vm0, $0x1337, v2  }
0x13d: {  	v2 =	vimm.s32 $0x13BA;
	v4 =	vsel vm14, $0x3C, v4;
	v3 =	vsel vm13, $0xBB, v3  }
0x13e: {  	v2 =	vsel vm14, $0x3A, v2;
	v4 =	vsel vm13, $0xBC, v4;
	v3 =	vsel vm12, $0x13B, v3  }
0x13f: {  	v2 =	vsel vm13, $0xBA, v2;
	v4 =	vsel vm12, $0x13C, v4;
	v3 =	vsel vm11, $0x1BB, v3  }
0x140: {  	v2 =	vsel vm12, $0x13A, v2;
	v4 =	vsel vm11, $0x1BC, v4;
	v3 =	vsel vm10, $0x23B, v3  }
0x141: {  	v2 =	vsel vm11, $0x1BA, v2;
	v4 =	vsel vm10, $0x23C, v4;
	v3 =	vsel vm9, $0x2BB, v3  }
0x142: {  	v2 =	vsel vm10, $0x23A, v2;
	v4 =	vsel vm9, $0x2BC, v4;
	v3 =	vsel vm8, $0x33B, v3  }
0x143: {  	v2 =	vsel vm9, $0x2BA, v2;
	v4 =	vsel vm8, $0x33C, v4;
	v3 =	vsel vm7, $0x3BB, v3  }
0x144: {  	v2 =	vsel vm8, $0x33A, v2;
	v4 =	vsel vm7, $0x3BC, v4;
	v3 =	vsel vm6, $0x103B, v3  }
0x145: {  	v2 =	vsel vm7, $0x3BA, v2;
	v4 =	vsel vm6, $0x103C, v4;
	v3 =	vsel vm5, $0x10BB, v3  }
0x146: {  	v2 =	vsel vm6, $0x103A, v2;
	v4 =	vsel vm5, $0x10BC, v4;
	v3 =	vsel vm4, $0x113B, v3  }
0x147: {  	v2 =	vsel vm5, $0x10BA, v2;
	v4 =	vsel vm4, $0x113C, v4;
	v3 =	vsel vm3, $0x11BB, v3  }
0x148: {  	v2 =	vsel vm4, $0x113A, v2;
	v4 =	vsel vm3, $0x11BC, v4;
	v3 =	vsel vm2, $0x123B, v3  }
0x149: {  	v2 =	vsel vm3, $0x11BA, v2;
	v4 =	vsel vm2, $0x123C, v4;
	v3 =	vsel vm1, $0x12BB, v3  }
0x14a: {  	v2 =	vsel vm2, $0x123A, v2;
	v4 =	vsel vm1, $0x12BC, v4;
	v59 =	vsel vm0, $0x133B, v3  }
0x14b: {  	s0 =	rddreg [dreg:$0x0];
	v3 =	vimm.s32 $0x13BE;
	v2 =	vsel vm1, $0x12BA, v2;
	v60 =	vsel vm0, $0x133C, v4  }
0x14c: {  	s14 =	rddreg [dreg:$0x1];
	v4 =	vimm.s32 $0x13BF;
	v58 =	vsel vm0, $0x133A, v2;
	v2 =	vimm.s32 $0x13BD  }
0x14d: {  	s1 =	srdreg.scid;
	s21 =	stileid.u32;
	v3 =	vsel vm14, $0x3E, v3;
	v4 =	vsel vm14, $0x3F, v4;
	v2 =	vsel vm14, $0x3D, v2  }
0x14e: {  	s4 =	rddreg [dreg:$0x2];
	s5 =	simm.s32 $0x0;
	s17 =	simm.s32 $0x1000;
	v3 =	vsel vm13, $0xBE, v3;
	v4 =	vsel vm13, $0xBF, v4;
	v2 =	vsel vm13, $0xBD, v2  }
0x14f: {  	s18 =	simm.s32 $0x1;
	s19 =	simm.s32 $0x2;
	s20 =	simm.s32 $0x2000;
	v3 =	vsel vm12, $0x13E, v3;
	v4 =	vsel vm12, $0x13F, v4;
	v2 =	vsel vm12, $0x13D, v2  }
0x150: {  	s22 =	simm.s32 $0x3;
	s28 =	simm.s32 $0x4400;
	s29 =	simm.s32 $0x4500;
	v3 =	vsel vm11, $0x1BE, v3;
	v4 =	vsel vm11, $0x1BF, v4;
	v2 =	vsel vm11, $0x1BD, v2  }
0x151: {  	s30 =	simm.s32 $0x4600;
	s31 =	simm.s32 $0x4700;
	s2 =	sand.u32 $0x1, s1;
	v3 =	vsel vm10, $0x23E, v3;
	v4 =	vsel vm10, $0x23F, v4;
	v2 =	vsel vm10, $0x23D, v2  }
0x152: {  	s23 =	sshll.u32 s21, $0x1;
	[smem:$0x7FF] =	sst s5;
	s26 =	sadd.s32 $0x80, s14;
	v3 =	vsel vm9, $0x2BE, v3;
	v4 =	vsel vm9, $0x2BF, v4;
	v2 =	vsel vm9, $0x2BD, v2  }
0x153: {  	s15 =	sadd.s32 $0x1E8400, s4;
	p0 =	sgt.u32 s21, $0x1;
	s1 =	sor.u32 s2, s23;
	v3 =	vsel vm8, $0x33E, v3;
	v4 =	vsel vm8, $0x33F, v4;
	v2 =	vsel vm8, $0x33D, v2  }
0x154: {  	s21 =	simm.s32 $0x4;
	s2 =	ssub.s32 $0x2, s2;
	s6 =	smul.u32 $0x3D000, s1;
	v3 =	vsel vm7, $0x3BE, v3;
	v4 =	vsel vm7, $0x3BF, v4;
	v2 =	vsel vm7, $0x3BD, v2  }
0x155: {  	s3 =	sshrl.u32 s2, $0x1;
	s12 =	sor.u32 $0x1E80, s1;
	s9 =	smul.u32 $0x7A000, s1;
	v3 =	vsel vm6, $0x103E, v3;
	v4 =	vsel vm6, $0x103F, v4;
	v2 =	vsel vm6, $0x103D, v2  }
0x156: {  	p1 =	sne.s32 s1, $0x1F;
	s1 =	simm.s32 $0x5;
	s2 =	ssub.s32 s2, s3;
	v3 =	vsel vm5, $0x10BE, v3;
	v4 =	vsel vm5, $0x10BF, v4;
	v2 =	vsel vm5, $0x10BD, v2  }
.Ltmp0:
0x157: {  	s24 =	sshll.u32 s12, $0x7;
	s25 =	sshll.u32 s12, $0x8;
	v3 =	vsel vm4, $0x113E, v3;
	v4 =	vsel vm4, $0x113F, v4;
	v2 =	vsel vm4, $0x113D, v2;
	(pc) =	sbr.rel .LBB2_1-.Ltmp0, $4  }
0x158: {  	s7 =	sshrl.u32 s6, $0x3;
	s10 =	sadd.s32 s0, s24;
	s11 =	sadd.s32 $0x2000, s6;
	v3 =	vsel vm3, $0x11BE, v3;
	v4 =	vsel vm3, $0x11BF, v4;
	v2 =	vsel vm3, $0x11BD, v2  }
0x159: {  	s13 =	sadd.s32 s4, s25;
	s16 =	smax.u32 s2, $0x1;
	s3 =	sadd.s32 $0xF4280, s10;
	v3 =	vsel vm2, $0x123E, v3;
	v4 =	vsel vm2, $0x123F, v4;
	v2 =	vsel vm2, $0x123D, v2  }
0x15a: {  	s7 =	sadd.s32 s0, s7;
	_ =	strace $0x80000047;
	[dreg:$0x4] =	wrdreg s3;
	v3 =	vsel vm1, $0x12BE, v3;
	v4 =	vsel vm1, $0x12BF, v4;
	v2 =	vsel vm1, $0x12BD, v2  }
0x15b: {  	s8 =	sadd.s32 $0xF4280, s7;
	[dreg:$0x5] =	wrdreg s26;
	s3 =	simm.s32 $0x0;
	v62 =	vsel vm0, $0x133E, v3;
	v63 =	vsel vm0, $0x133F, v4;
	v61 =	vsel vm0, $0x133D, v2  }
.LBB2_19:
0x15c: {  	s3 =	sadd.s32 $0x1, s3  }
0x15d: {  	p2 =	sne.s32 s3, s16  }
.Ltmp1:
0x15e: {  	_ = 	snop;
	(pc) =	sbr.rel @!p2 .LBB2_20-.Ltmp1, $1  }
0x15f: {  	_ =	sdelay $0x3  }
.LBB2_1:
.Ltmp2:
0x160: {  	(pc) =	sbr.rel .LBB2_2-.Ltmp2, $4  }
0x161: {  	_ = 	snop  }
0x162: {  	[tilespmem:s5], [sflag:$0x1] =	stream.linear.gather [hbm4b:s7+s5], $0x1000, $0x38;
	[tilespmem:$0x8000] =	vst v63  }
0x163: {  	s2 =	simm.s32 $0x0  }
0x164: {  	[tilespmem:s17], [sflag:$0x1] =	stream.linear.gather [hbm4b:s8+s5], $0x1000, $0x38;
	[tilespmem:$0x8000] =	vst v63  }
.LBB2_12:
0x165: {  	s2 =	sadd.s32 $0x1, s2  }
0x166: {  	p2 =	sne.s32 s2, $0x1F  }
.Ltmp3:
0x167: {  	_ = 	snop;
	(pc) =	sbr.rel @!p2 .LBB2_13-.Ltmp3, $1  }
0x168: {  	_ =	sdelay $0x3  }
.LBB2_2:
0x169: {  	_ =	swait.ge [sflag:s18], $0x1000;
	s12 =	sshllo.u32 s2, $0x1  }
0x16a: {  	[sflag:s18] =	ssyncset.done $0x0;
	p3 =	sgt.u32 s12, $0x3C  }
0x16b: {  	[sflag:s18] =	ssyncadd.s32 $0xFFFFF000;
	s14 =	sshll.u32 @!p3 s12, $0xC  }
0x16c: {  	_ =	swait.ge [sflag:s18], $0x1000;
	s14 =	sadd.s32 @!p3 s6, s14  }
0x16d: {  	v2 =	vimm.s32 $0x0;
	s23 =	simm.s32 @!p3 $0x0;
	[sflag:s18] =	ssyncset.done $0x0;
	s14 =	sshrl.u32 @!p3 s14, $0x3  }
0x16e: {  	v3 =	vshll.u32 v2, $0x3;
	s24 =	simm.s32 @!p3 $0x2000;
	[sflag:s18] =	ssyncadd.s32 $0xFFFFF000;
	s14 =	sadd.s32 @!p3 s0, s14  }
0x16f: {  	v4 =	vand.u32 $0x78, v2;
	v3 =	vand.u32 $0xFFFFFC00, v3;
	[tilespmem:s24], [sflag:$0x2] =	stream.linear.gather @!p3 [hbm4b:s14+s23], $0x1000, $0x38;
	[tilespmem:$0x8000] =	vst v63  }
0x170: {  	p2 =	seq.s32 s2, $0x0;
	v3 =	vor.u32 v4, v3;
	s14 =	sadd.s32 @!p3 $0xF4280, s14;
	s24 =	simm.s32 @!p3 $0x3000  }
0x171: {  	v5 =	vadd.s32 v0, v3;
	[tilespmem:s24], [sflag:$0x2] =	stream.linear.gather @!p3 [hbm4b:s14+s23], $0x1000, $0x38;
	[tilespmem:$0x8000] =	vst v63  }
0x172: {  	s14 =	simm.s32 @!p2 $0x3  }
0x173: {  	_ =	swait.ge @!p2 [sflag:s14], $0x2000  }
0x174: {  	[sflag:s14] =	ssyncset.done @!p2 $0x0  }
0x175: {  	[sflag:s14] =	ssyncadd.s32 @!p2 $0xFFFFE000  }
0x176: {  	v4 =	vld.idx.msk [tilespmem:v5+s5+$0x0], $0xffff  }
0x177: {  	v6 =	vor.u32 $0x1, v5;
	_ =	sdelay $0x2  }
0x178: {  	s23 =	simm.s32 $0x4040  }
0x179: {  	[tilespmem:s23+$0xFFFFFFC0] =	vst v4  }
0x17a: {  	v4 =	vld.idx.msk [tilespmem:v6+s5+$0x0], $0xffff  }
0x17b: {  	v6 =	vor.u32 $0x2, v5;
	_ =	sdelay $0x3  }
0x17c: {  	[tilespmem:s23+$0xFFFFFFD0] =	vst v4  }
0x17d: {  	v4 =	vld.idx.msk [tilespmem:v6+s5+$0x0], $0xffff  }
0x17e: {  	v3 =	vadd.s32 v1, v3;
	_ =	sdelay $0x3  }
0x17f: {  	[tilespmem:s23+$0xFFFFFFE0] =	vst v4  }
0x180: {  	v3 =	vld.idx.msk [tilespmem:v3+s5+$0x0], $0xffff  }
0x181: {  	v4 =	vor.u32 $0x4, v5;
	_ =	sdelay $0x3  }
0x182: {  	[tilespmem:s23+$0xFFFFFFF0] =	vst v3  }
0x183: {  	v3 =	vld.idx.msk [tilespmem:v4+s5+$0x0], $0xffff  }
0x184: {  	v4 =	vor.u32 $0x5, v5;
	_ =	sdelay $0x3  }
0x185: {  	[tilespmem:s23+$0x0] =	vst v3  }
0x186: {  	v3 =	vld.idx.msk [tilespmem:v4+s5+$0x0], $0xffff  }
0x187: {  	v4 =	vor.u32 $0x6, v5;
	_ =	sdelay $0x3  }
0x188: {  	[tilespmem:s23+$0x10] =	vst v3  }
0x189: {  	v4 =	vld.idx.msk [tilespmem:v4+s5+$0x0], $0xffff  }
0x18a: {  	v3 =	vor.u32 $0x7, v5;
	_ =	sdelay $0x2  }
0x18b: {  	v2 =	vadd.s32 $0x8, v2;
	s14 =	simm.s32 $0x0  }
.LBB2_3:
0x18c: {  	v5 =	vshll.u32 v2, $0x3;
	s14 =	sadd.s32 $0x8, s14;
	[tilespmem:s23+$0x20] =	vst v4  }
0x18d: {  	v4 =	vand.u32 $0x78, v2;
	v5 =	vand.u32 $0xFFFFFC00, v5;
	p4 =	slt.u32 s14, $0x1F8;
	v3 =	vld.idx.msk [tilespmem:v3+s5+$0x0], $0xffff  }
0x18e: {  	v4 =	vor.u32 v4, v5  }
0x18f: {  	v5 =	vadd.s32 v0, v4;
	_ =	sdelay $0x3  }
0x190: {  	[tilespmem:s23+$0x30] =	vst v3  }
0x191: {  	v3 =	vld.idx.msk [tilespmem:v5+s5+$0x0], $0xffff;
	_ =	sdelay $0x1  }
0x192: {  	v6 =	vor.u32 $0x1, v5;
	_ =	sdelay $0x2  }
0x193: {  	s23 =	sadd.s32 $0x100, s23  }
0x194: {  	[tilespmem:s23+$0xFFFFFFC0] =	vst v3  }
0x195: {  	v3 =	vld.idx.msk [tilespmem:v6+s5+$0x0], $0xffff;
	_ =	sdelay $0x1  }
0x196: {  	v6 =	vor.u32 $0x2, v5;
	_ =	sdelay $0x3  }
0x197: {  	[tilespmem:s23+$0xFFFFFFD0] =	vst v3  }
0x198: {  	v3 =	vld.idx.msk [tilespmem:v6+s5+$0x0], $0xffff;
	_ =	sdelay $0x1  }
0x199: {  	v4 =	vadd.s32 v1, v4;
	_ =	sdelay $0x3  }
0x19a: {  	[tilespmem:s23+$0xFFFFFFE0] =	vst v3  }
0x19b: {  	v3 =	vld.idx.msk [tilespmem:v4+s5+$0x0], $0xffff;
	_ =	sdelay $0x1  }
0x19c: {  	v4 =	vor.u32 $0x4, v5;
	_ =	sdelay $0x3  }
0x19d: {  	[tilespmem:s23+$0xFFFFFFF0] =	vst v3  }
0x19e: {  	v3 =	vld.idx.msk [tilespmem:v4+s5+$0x0], $0xffff;
	_ =	sdelay $0x1  }
0x19f: {  	v4 =	vor.u32 $0x5, v5;
	_ =	sdelay $0x3  }
0x1a0: {  	[tilespmem:s23+$0x0] =	vst v3  }
0x1a1: {  	v3 =	vld.idx.msk [tilespmem:v4+s5+$0x0], $0xffff;
	_ =	sdelay $0x1  }
0x1a2: {  	v4 =	vor.u32 $0x6, v5;
	_ =	sdelay $0x3  }
0x1a3: {  	[tilespmem:s23+$0x10] =	vst v3  }
0x1a4: {  	v4 =	vld.idx.msk [tilespmem:v4+s5+$0x0], $0xffff  }
.Ltmp4:
0x1a5: {  	(pc) =	sbr.rel @p4 .LBB2_3-.Ltmp4, $2  }
0x1a6: {  	v3 =	vor.u32 $0x7, v5;
	_ =	sdelay $0x2  }
0x1a7: {  	v2 =	vadd.s32 $0x8, v2  }
0x1a8: {  	_ =	sdelay $0x2  }
0x1a9: {  	[tilespmem:s23+$0x20] =	vst v4  }
0x1aa: {  	v2 =	vld.idx.msk [tilespmem:v3+s5+$0x0], $0xffff  }
0x1ab: {  	s14 =	sshll.u32 s2, $0xE  }
0x1ac: {  	s14 =	sadd.s32 s9, s14  }
0x1ad: {  	s14 =	sshrl.u32 s14, $0x3  }
0x1ae: {  	s24 =	simm.s32 $0x4000;
	s14 =	sadd.s32 s4, s14  }
0x1af: {  	s25 =	simm.s32 $0x4100;
	s26 =	sadd.s32 $0x0, s14;
	[tilespmem:s23+$0x30] =	vst v2;
	s23 =	simm.s32 $0x10  }
.LBB2_5:
0x1b0: {  	[hbm4b:s26+s5] =	stream.linear.scatter [tilespmem:s24], [sflag:$0x3], $0x80, $0x38;
	[tilespmem:$0x8000] =	vst v63  }
0x1b1: {  	s26 =	smov.u32 s23;
	s24 =	smov.u32 s25;
	p4 =	sne.s32 s23, $0x3F0  }
.Ltmp5:
0x1b2: {  	s23 =	sadd.s32 $0x10, s23;
	(pc) =	sbr.rel @p4 .LBB2_5-.Ltmp5, $2  }
0x1b3: {  	_ =	sdelay $0x2  }
0x1b4: {  	s25 =	sadd.s32 $0x100, s25;
	s26 =	sadd.s32 s26, s14  }
.Ltmp6:
0x1b5: {  	(pc) =	sbr.rel @p3 .LBB2_12-.Ltmp6, $2  }
0x1b6: {  	_ =	sdelay $0x2  }
0x1b7: {  	[hbm4b:s26+s5] =	stream.linear.scatter [tilespmem:s24], [sflag:$0x3], $0x80, $0x38;
	[tilespmem:$0x8000] =	vst v63  }
0x1b8: {  	_ =	swait.ge [sflag:s19], $0x1000  }
0x1b9: {  	[sflag:s19] =	ssyncset.done $0x0  }
0x1ba: {  	s14 =	sshll.u32 s2, $0xD;
	[sflag:s19] =	ssyncadd.s32 $0xFFFFF000  }
0x1bb: {  	s14 =	sadd.s32 s14, s11;
	_ =	swait.ge [sflag:s19], $0x1000  }
0x1bc: {  	v2 =	vimm.s32 $0x0;
	s14 =	sshrl.u32 s14, $0x3;
	[sflag:s19] =	ssyncset.done $0x0  }
0x1bd: {  	v3 =	vshll.u32 v2, $0x3;
	s14 =	sadd.s32 s0, s14;
	[sflag:s19] =	ssyncadd.s32 $0xFFFFF000  }
0x1be: {  	v4 =	vand.u32 $0x78, v2;
	v3 =	vand.u32 $0xFFFFFC00, v3;
	[tilespmem:s5], [sflag:$0x1] =	stream.linear.gather [hbm4b:s14+s5], $0x1000, $0x38;
	[tilespmem:$0x8000] =	vst v63  }
0x1bf: {  	v3 =	vor.u32 v4, v3;
	s14 =	sadd.s32 $0xF4280, s14  }
0x1c0: {  	v5 =	vadd.s32 v0, v3;
	[tilespmem:s17], [sflag:$0x1] =	stream.linear.gather [hbm4b:s14+s5], $0x1000, $0x38;
	[tilespmem:$0x8000] =	vst v63  }
0x1c1: {  	s14 =	simm.s32 @!p2 $0x4  }
0x1c2: {  	_ =	swait.ge @!p2 [sflag:s14], $0x2000  }
0x1c3: {  	[sflag:s14] =	ssyncset.done @!p2 $0x0  }
0x1c4: {  	[sflag:s14] =	ssyncadd.s32 @!p2 $0xFFFFE000  }
0x1c5: {  	v4 =	vld.idx.msk [tilespmem:v5+s20+$0x0], $0xffff  }
0x1c6: {  	v6 =	vor.u32 $0x1, v5;
	_ =	sdelay $0x2  }
0x1c7: {  	s23 =	simm.s32 $0x40F0  }
0x1c8: {  	[tilespmem:s23+$0xFFFFFF90] =	vst v4  }
0x1c9: {  	v4 =	vld.idx.msk [tilespmem:v6+s20+$0x0], $0xffff  }
0x1ca: {  	v6 =	vor.u32 $0x2, v5;
	_ =	sdelay $0x3  }
0x1cb: {  	[tilespmem:s23+$0xFFFFFFA0] =	vst v4  }
0x1cc: {  	v4 =	vld.idx.msk [tilespmem:v6+s20+$0x0], $0xffff  }
0x1cd: {  	v3 =	vadd.s32 v1, v3;
	_ =	sdelay $0x3  }
0x1ce: {  	[tilespmem:s23+$0xFFFFFFB0] =	vst v4  }
0x1cf: {  	v3 =	vld.idx.msk [tilespmem:v3+s20+$0x0], $0xffff  }
0x1d0: {  	v4 =	vor.u32 $0x4, v5;
	_ =	sdelay $0x3  }
0x1d1: {  	[tilespmem:s23+$0xFFFFFFC0] =	vst v3  }
0x1d2: {  	v3 =	vld.idx.msk [tilespmem:v4+s20+$0x0], $0xffff  }
0x1d3: {  	v4 =	vor.u32 $0x5, v5;
	_ =	sdelay $0x3  }
0x1d4: {  	[tilespmem:s23+$0xFFFFFFD0] =	vst v3  }
0x1d5: {  	v3 =	vld.idx.msk [tilespmem:v4+s20+$0x0], $0xffff  }
0x1d6: {  	v4 =	vor.u32 $0x6, v5;
	_ =	sdelay $0x3  }
0x1d7: {  	[tilespmem:s23+$0xFFFFFFE0] =	vst v3  }
0x1d8: {  	v4 =	vld.idx.msk [tilespmem:v4+s20+$0x0], $0xffff  }
0x1d9: {  	v3 =	vor.u32 $0x7, v5;
	_ =	sdelay $0x2  }
0x1da: {  	v2 =	vadd.s32 $0x8, v2;
	s14 =	simm.s32 $0x0  }
.LBB2_8:
0x1db: {  	v5 =	vshll.u32 v2, $0x3;
	s14 =	sadd.s32 $0x8, s14;
	[tilespmem:s23+$0xFFFFFFF0] =	vst v4  }
0x1dc: {  	v4 =	vand.u32 $0x78, v2;
	v5 =	vand.u32 $0xFFFFFC00, v5;
	p2 =	slt.u32 s14, $0x1F8;
	v3 =	vld.idx.msk [tilespmem:v3+s20+$0x0], $0xffff  }
0x1dd: {  	v4 =	vor.u32 v4, v5  }
0x1de: {  	v5 =	vadd.s32 v0, v4;
	_ =	sdelay $0x3  }
0x1df: {  	[tilespmem:s23+$0x0] =	vst v3  }
0x1e0: {  	v3 =	vld.idx.msk [tilespmem:v5+s20+$0x0], $0xffff;
	_ =	sdelay $0x1  }
0x1e1: {  	v6 =	vor.u32 $0x1, v5;
	_ =	sdelay $0x2  }
0x1e2: {  	s23 =	sadd.s32 $0x100, s23  }
0x1e3: {  	[tilespmem:s23+$0xFFFFFF90] =	vst v3  }
0x1e4: {  	v3 =	vld.idx.msk [tilespmem:v6+s20+$0x0], $0xffff;
	_ =	sdelay $0x1  }
0x1e5: {  	v6 =	vor.u32 $0x2, v5;
	_ =	sdelay $0x3  }
0x1e6: {  	[tilespmem:s23+$0xFFFFFFA0] =	vst v3  }
0x1e7: {  	v3 =	vld.idx.msk [tilespmem:v6+s20+$0x0], $0xffff;
	_ =	sdelay $0x1  }
0x1e8: {  	v4 =	vadd.s32 v1, v4;
	_ =	sdelay $0x3  }
0x1e9: {  	[tilespmem:s23+$0xFFFFFFB0] =	vst v3  }
0x1ea: {  	v3 =	vld.idx.msk [tilespmem:v4+s20+$0x0], $0xffff;
	_ =	sdelay $0x1  }
0x1eb: {  	v4 =	vor.u32 $0x4, v5;
	_ =	sdelay $0x3  }
0x1ec: {  	[tilespmem:s23+$0xFFFFFFC0] =	vst v3  }
0x1ed: {  	v3 =	vld.idx.msk [tilespmem:v4+s20+$0x0], $0xffff;
	_ =	sdelay $0x1  }
0x1ee: {  	v4 =	vor.u32 $0x5, v5;
	_ =	sdelay $0x3  }
0x1ef: {  	[tilespmem:s23+$0xFFFFFFD0] =	vst v3  }
0x1f0: {  	v3 =	vld.idx.msk [tilespmem:v4+s20+$0x0], $0xffff;
	_ =	sdelay $0x1  }
0x1f1: {  	v4 =	vor.u32 $0x6, v5;
	_ =	sdelay $0x3  }
0x1f2: {  	[tilespmem:s23+$0xFFFFFFE0] =	vst v3  }
0x1f3: {  	v4 =	vld.idx.msk [tilespmem:v4+s20+$0x0], $0xffff  }
.Ltmp7:
0x1f4: {  	(pc) =	sbr.rel @p2 .LBB2_8-.Ltmp7, $2  }
0x1f5: {  	v3 =	vor.u32 $0x7, v5;
	_ =	sdelay $0x2  }
0x1f6: {  	v2 =	vadd.s32 $0x8, v2  }
0x1f7: {  	_ =	sdelay $0x2  }
0x1f8: {  	[tilespmem:s23+$0xFFFFFFF0] =	vst v4  }
0x1f9: {  	v2 =	vld.idx.msk [tilespmem:v3+s20+$0x0], $0xffff  }
0x1fa: {  	s12 =	sshll.u32 s12, $0xD  }
0x1fb: {  	s12 =	sadd.s32 s9, s12  }
0x1fc: {  	s12 =	sshrl.u32 s12, $0x3  }
0x1fd: {  	s14 =	simm.s32 $0x4080;
	s12 =	sadd.s32 s4, s12  }
0x1fe: {  	s24 =	simm.s32 $0x4180;
	s25 =	sadd.s32 $0x0, s12;
	[tilespmem:s23+$0x0] =	vst v2;
	s23 =	simm.s32 $0x10  }
.LBB2_10:
0x1ff: {  	[hbm4b:s25+s5] =	stream.linear.scatter [tilespmem:s14], [sflag:$0x4], $0x80, $0x38;
	[tilespmem:$0x8000] =	vst v63  }
0x200: {  	s25 =	smov.u32 s23;
	s14 =	smov.u32 s24;
	p2 =	sne.s32 s23, $0x3F0  }
.Ltmp8:
0x201: {  	s23 =	sadd.s32 $0x10, s23;
	(pc) =	sbr.rel @p2 .LBB2_10-.Ltmp8, $2  }
0x202: {  	_ =	sdelay $0x2  }
0x203: {  	s24 =	sadd.s32 $0x100, s24;
	s25 =	sadd.s32 s25, s12  }
.Ltmp9:
0x204: {  	(pc) =	sbr.rel .LBB2_12-.Ltmp9, $2  }
0x205: {  	_ =	sdelay $0x2  }
0x206: {  	[hbm4b:s25+s5] =	stream.linear.scatter [tilespmem:s14], [sflag:$0x4], $0x80, $0x38;
	[tilespmem:$0x8000] =	vst v63  }
.LBB2_13:
0x207: {  	_ =	swait.ge [sflag:s21], $0x2000  }
.Ltmp10:
0x208: {  	[sflag:s21] =	ssyncset.done $0x0;
	(pc) =	sbr.rel @p0 .LBB2_17-.Ltmp10, $4  }
0x209: {  	[sflag:s21] =	ssyncadd.s32 $0xFFFFE000  }
0x20a: {  	_ =	swait.ge [sflag:s22], $0x2000  }
0x20b: {  	[sflag:s22] =	ssyncset.done $0x0  }
0x20c: {  	[sflag:s22] =	ssyncadd.s32 $0xFFFFE000  }
0x20d: {  	[tilespmem:s5], [sflag:$0x1] =	stream.linear.gather [hbm4b:s10+s5], $0x400, $0x38;
	v2 =	vimm.s32 $0x0;
	[tilespmem:$0x8000] =	vst v63  }
0x20e: {  	s2 =	rddreg [dreg:$0x4];
	v3 =	vshll.u32 v2, $0x3  }
0x20f: {  	v4 =	vand.u32 $0x78, v2;
	[tilespmem:s17], [sflag:$0x1] =	stream.linear.gather [hbm4b:s2+s5], $0x400, $0x38;
	v3 =	vand.u32 $0xFFFFFC00, v3;
	[tilespmem:$0x8000] =	vst v63  }
0x210: {  	_ =	swait.ge [sflag:s18], $0x400;
	v3 =	vor.u32 v4, v3  }
0x211: {  	[sflag:s18] =	ssyncset.done $0x0;
	v5 =	vadd.s32 v0, v3  }
0x212: {  	[sflag:s18] =	ssyncadd.s32 $0xFFFFFC00  }
0x213: {  	_ =	swait.ge [sflag:s18], $0x400  }
0x214: {  	[sflag:s18] =	ssyncset.done $0x0  }
0x215: {  	[sflag:s18] =	ssyncadd.s32 $0xFFFFFC00  }
0x216: {  	v4 =	vld.idx.msk [tilespmem:v5+s5+$0x0], $0xffff  }
0x217: {  	v6 =	vor.u32 $0x1, v5;
	_ =	sdelay $0x2  }
0x218: {  	s2 =	simm.s32 $0x4040  }
0x219: {  	[tilespmem:s2+$0xFFFFFFC0] =	vst v4  }
0x21a: {  	v4 =	vld.idx.msk [tilespmem:v6+s5+$0x0], $0xffff  }
0x21b: {  	v6 =	vor.u32 $0x2, v5;
	_ =	sdelay $0x3  }
0x21c: {  	[tilespmem:s2+$0xFFFFFFD0] =	vst v4  }
0x21d: {  	v4 =	vld.idx.msk [tilespmem:v6+s5+$0x0], $0xffff  }
0x21e: {  	v3 =	vadd.s32 v1, v3;
	_ =	sdelay $0x3  }
0x21f: {  	[tilespmem:s2+$0xFFFFFFE0] =	vst v4  }
0x220: {  	v3 =	vld.idx.msk [tilespmem:v3+s5+$0x0], $0xffff  }
0x221: {  	v4 =	vor.u32 $0x4, v5;
	_ =	sdelay $0x3  }
0x222: {  	[tilespmem:s2+$0xFFFFFFF0] =	vst v3  }
0x223: {  	v3 =	vld.idx.msk [tilespmem:v4+s5+$0x0], $0xffff  }
0x224: {  	v4 =	vor.u32 $0x5, v5;
	_ =	sdelay $0x3  }
0x225: {  	[tilespmem:s2+$0x0] =	vst v3  }
0x226: {  	v3 =	vld.idx.msk [tilespmem:v4+s5+$0x0], $0xffff  }
0x227: {  	v4 =	vor.u32 $0x6, v5;
	_ =	sdelay $0x3  }
0x228: {  	[tilespmem:s2+$0x10] =	vst v3  }
0x229: {  	v4 =	vld.idx.msk [tilespmem:v4+s5+$0x0], $0xffff  }
0x22a: {  	v3 =	vor.u32 $0x7, v5;
	_ =	sdelay $0x2  }
0x22b: {  	s12 =	simm.s32 $0x0;
	v2 =	vadd.s32 $0x8, v2  }
.LBB2_15:
0x22c: {  	v5 =	vshll.u32 v2, $0x3;
	s12 =	sadd.s32 $0x8, s12;
	[tilespmem:s2+$0x20] =	vst v4  }
0x22d: {  	v4 =	vand.u32 $0x78, v2;
	v5 =	vand.u32 $0xFFFFFC00, v5;
	p2 =	slt.u32 s12, $0x78;
	v3 =	vld.idx.msk [tilespmem:v3+s5+$0x0], $0xffff  }
0x22e: {  	v4 =	vor.u32 v4, v5  }
0x22f: {  	v5 =	vadd.s32 v0, v4;
	_ =	sdelay $0x3  }
0x230: {  	[tilespmem:s2+$0x30] =	vst v3  }
0x231: {  	v3 =	vld.idx.msk [tilespmem:v5+s5+$0x0], $0xffff;
	_ =	sdelay $0x1  }
0x232: {  	v6 =	vor.u32 $0x1, v5;
	_ =	sdelay $0x2  }
0x233: {  	s2 =	sadd.s32 $0x100, s2  }
0x234: {  	[tilespmem:s2+$0xFFFFFFC0] =	vst v3  }
0x235: {  	v3 =	vld.idx.msk [tilespmem:v6+s5+$0x0], $0xffff;
	_ =	sdelay $0x1  }
0x236: {  	v6 =	vor.u32 $0x2, v5;
	_ =	sdelay $0x3  }
0x237: {  	[tilespmem:s2+$0xFFFFFFD0] =	vst v3  }
0x238: {  	v3 =	vld.idx.msk [tilespmem:v6+s5+$0x0], $0xffff;
	_ =	sdelay $0x1  }
0x239: {  	v4 =	vadd.s32 v1, v4;
	_ =	sdelay $0x3  }
0x23a: {  	[tilespmem:s2+$0xFFFFFFE0] =	vst v3  }
0x23b: {  	v3 =	vld.idx.msk [tilespmem:v4+s5+$0x0], $0xffff;
	_ =	sdelay $0x1  }
0x23c: {  	v4 =	vor.u32 $0x4, v5;
	_ =	sdelay $0x3  }
0x23d: {  	[tilespmem:s2+$0xFFFFFFF0] =	vst v3  }
0x23e: {  	v3 =	vld.idx.msk [tilespmem:v4+s5+$0x0], $0xffff;
	_ =	sdelay $0x1  }
0x23f: {  	v4 =	vor.u32 $0x5, v5;
	_ =	sdelay $0x3  }
0x240: {  	[tilespmem:s2+$0x0] =	vst v3  }
0x241: {  	v3 =	vld.idx.msk [tilespmem:v4+s5+$0x0], $0xffff;
	_ =	sdelay $0x1  }
0x242: {  	v4 =	vor.u32 $0x6, v5;
	_ =	sdelay $0x3  }
0x243: {  	[tilespmem:s2+$0x10] =	vst v3  }
0x244: {  	v4 =	vld.idx.msk [tilespmem:v4+s5+$0x0], $0xffff  }
.Ltmp11:
0x245: {  	(pc) =	sbr.rel @p2 .LBB2_15-.Ltmp11, $2  }
0x246: {  	v3 =	vor.u32 $0x7, v5;
	_ =	sdelay $0x2  }
0x247: {  	v2 =	vadd.s32 $0x8, v2  }
0x248: {  	_ =	sdelay $0x2  }
0x249: {  	[tilespmem:s2+$0x20] =	vst v4  }
0x24a: {  	v2 =	vld.idx.msk [tilespmem:v3+s5+$0x0], $0xffff;
	_ =	sdelay $0x4  }
0x24b: {  	s25 =	simm.s32 $0x4000;
	[tilespmem:s2+$0x30] =	vst v2  }
0x24c: {  	[hbm4b:s13+s5] =	stream.linear.scatter [tilespmem:s25], [sflag:$0x5], $0x80, $0x38;
	[tilespmem:$0x8000] =	vst v63  }
0x24d: {  	s26 =	sadd.s32 $0x10, s13;
	s12 =	simm.s32 $0x4100  }
0x24e: {  	[hbm4b:s26+s5] =	stream.linear.scatter [tilespmem:s12], [sflag:$0x5], $0x80, $0x38;
	[tilespmem:$0x8000] =	vst v63  }
0x24f: {  	s14 =	simm.s32 $0x4200;
	s12 =	sadd.s32 $0x20, s13  }
0x250: {  	[hbm4b:s12+s5] =	stream.linear.scatter [tilespmem:s14], [sflag:$0x5], $0x80, $0x38;
	[tilespmem:$0x8000] =	vst v63  }
0x251: {  	s23 =	sadd.s32 $0x30, s13;
	s24 =	simm.s32 $0x4300  }
0x252: {  	[hbm4b:s23+s5] =	stream.linear.scatter [tilespmem:s24], [sflag:$0x5], $0x80, $0x38;
	[tilespmem:$0x8000] =	vst v63  }
0x253: {  	s25 =	sadd.s32 $0x40, s13  }
0x254: {  	[hbm4b:s25+s5] =	stream.linear.scatter [tilespmem:s28], [sflag:$0x5], $0x80, $0x38;
	[tilespmem:$0x8000] =	vst v63  }
0x255: {  	s26 =	sadd.s32 $0x50, s13  }
0x256: {  	[hbm4b:s26+s5] =	stream.linear.scatter [tilespmem:s29], [sflag:$0x5], $0x80, $0x38;
	[tilespmem:$0x8000] =	vst v63  }
0x257: {  	s12 =	sadd.s32 $0x60, s13  }
0x258: {  	[hbm4b:s12+s5] =	stream.linear.scatter [tilespmem:s30], [sflag:$0x5], $0x80, $0x38;
	[tilespmem:$0x8000] =	vst v63  }
0x259: {  	s14 =	sadd.s32 $0x70, s13  }
0x25a: {  	[hbm4b:s14+s5] =	stream.linear.scatter [tilespmem:s31], [sflag:$0x5], $0x80, $0x38;
	[tilespmem:$0x8000] =	vst v63  }
0x25b: {  	s23 =	sadd.s32 $0x80, s13;
	s24 =	simm.s32 $0x4800  }
0x25c: {  	[hbm4b:s23+s5] =	stream.linear.scatter [tilespmem:s24], [sflag:$0x5], $0x80, $0x38;
	[tilespmem:$0x8000] =	vst v63  }
0x25d: {  	s25 =	sadd.s32 $0x90, s13;
	s26 =	simm.s32 $0x4900  }
0x25e: {  	[hbm4b:s25+s5] =	stream.linear.scatter [tilespmem:s26], [sflag:$0x5], $0x80, $0x38;
	[tilespmem:$0x8000] =	vst v63  }
0x25f: {  	s12 =	sadd.s32 $0xA0, s13;
	s14 =	simm.s32 $0x4A00  }
0x260: {  	[hbm4b:s12+s5] =	stream.linear.scatter [tilespmem:s14], [sflag:$0x5], $0x80, $0x38;
	[tilespmem:$0x8000] =	vst v63  }
0x261: {  	s23 =	sadd.s32 $0xB0, s13;
	s24 =	simm.s32 $0x4B00  }
0x262: {  	[hbm4b:s23+s5] =	stream.linear.scatter [tilespmem:s24], [sflag:$0x5], $0x80, $0x38;
	[tilespmem:$0x8000] =	vst v63  }
0x263: {  	s25 =	sadd.s32 $0xC0, s13;
	s26 =	simm.s32 $0x4C00  }
0x264: {  	[hbm4b:s25+s5] =	stream.linear.scatter [tilespmem:s26], [sflag:$0x5], $0x80, $0x38;
	[tilespmem:$0x8000] =	vst v63  }
0x265: {  	s12 =	sadd.s32 $0xD0, s13;
	s14 =	simm.s32 $0x4D00  }
0x266: {  	[hbm4b:s12+s5] =	stream.linear.scatter [tilespmem:s14], [sflag:$0x5], $0x80, $0x38;
	[tilespmem:$0x8000] =	vst v63  }
0x267: {  	s23 =	sadd.s32 $0xE0, s13;
	s24 =	simm.s32 $0x4E00  }
0x268: {  	[hbm4b:s23+s5] =	stream.linear.scatter [tilespmem:s24], [sflag:$0x5], $0x80, $0x38;
	[tilespmem:$0x8000] =	vst v63  }
0x269: {  	s25 =	sadd.s32 $0xF0, s13;
	s26 =	simm.s32 $0x4F00  }
0x26a: {  	[hbm4b:s25+s5] =	stream.linear.scatter [tilespmem:s26], [sflag:$0x5], $0x80, $0x38;
	[tilespmem:$0x8000] =	vst v63  }
0x26b: {  	_ =	swait.ge [sflag:s1], $0x800  }
0x26c: {  	[sflag:s1] =	ssyncset.done $0x0  }
0x26d: {  	[sflag:s1] =	ssyncadd.s32 $0xFFFFF800  }
.LBB2_17:
.Ltmp12:
0x26e: {  	(pc) =	sbr.rel @p1 .LBB2_19-.Ltmp12, $1  }
0x26f: {  	_ =	sdelay $0x3  }
0x270: {  	s2 =	rddreg [dreg:$0x1]  }
0x271: {  	[tilespmem:s5], [sflag:$0x1] =	stream.linear.gather [hbm4b:s2+s5], $0x400, $0x38;
	[tilespmem:$0x8000] =	vst v63  }
0x272: {  	s14 =	rddreg [dreg:$0x5]  }
0x273: {  	[tilespmem:s17], [sflag:$0x1] =	stream.linear.gather [hbm4b:s14+s5], $0x400, $0x38;
	[tilespmem:$0x8000] =	vst v63  }
0x274: {  	_ =	swait.ge [sflag:s18], $0x400  }
0x275: {  	[sflag:s18] =	ssyncset.done $0x0  }
0x276: {  	[sflag:s18] =	ssyncadd.s32 $0xFFFFFC00  }
0x277: {  	_ =	swait.ge [sflag:s18], $0x400  }
0x278: {  	[sflag:s18] =	ssyncset.done $0x0  }
0x279: {  	[sflag:s18] =	ssyncadd.s32 $0xFFFFFC00  }
0x27a: {  	v2 =	vld.idx.msk [tilespmem:v0+s5+$0x0], $0xffff;
	_ =	sdelay $0x4  }
0x27b: {  	[tilespmem:$0x4000] =	vst v2;
	v2 =	vld [tilespmem:$0x1FFB0];
	_ =	sdelay $0x7  }
0x27c: {  	v2 =	vld.idx.msk [tilespmem:v2+s5+$0x0], $0xffff;
	_ =	sdelay $0x4  }
0x27d: {  	[tilespmem:$0x4010] =	vst v2;
	v2 =	vld [tilespmem:$0x1FFC0];
	_ =	sdelay $0x7  }
0x27e: {  	v2 =	vld.idx.msk [tilespmem:v2+s5+$0x0], $0xffff;
	_ =	sdelay $0x4  }
0x27f: {  	[tilespmem:$0x4020] =	vst v2  }
0x280: {  	v2 =	vld.idx.msk [tilespmem:v1+s5+$0x0], $0xffff;
	_ =	sdelay $0x4  }
0x281: {  	[tilespmem:$0x4030] =	vst v2;
	v2 =	vld [tilespmem:$0x1FFD0];
	_ =	sdelay $0x7  }
0x282: {  	v2 =	vld.idx.msk [tilespmem:v2+s5+$0x0], $0xffff;
	_ =	sdelay $0x4  }
0x283: {  	[tilespmem:$0x4040] =	vst v2;
	v2 =	vld [tilespmem:$0x1FFE0];
	_ =	sdelay $0x7  }
0x284: {  	v2 =	vld.idx.msk [tilespmem:v2+s5+$0x0], $0xffff;
	_ =	sdelay $0x4  }
0x285: {  	[tilespmem:$0x4050] =	vst v2;
	v2 =	vld [tilespmem:$0x1FFF0];
	_ =	sdelay $0x7  }
0x286: {  	v2 =	vld.idx.msk [tilespmem:v2+s5+$0x0], $0xffff;
	_ =	sdelay $0x4  }
0x287: {  	[tilespmem:$0x4060] =	vst v2  }
0x288: {  	v2 =	vld.idx.msk [tilespmem:v7+s5+$0x0], $0xffff;
	_ =	sdelay $0x4  }
0x289: {  	[tilespmem:$0x4070] =	vst v2  }
0x28a: {  	v2 =	vld.idx.msk [tilespmem:v8+s5+$0x0], $0xffff;
	_ =	sdelay $0x4  }
0x28b: {  	[tilespmem:$0x4100] =	vst v2  }
0x28c: {  	v2 =	vld.idx.msk [tilespmem:v9+s5+$0x0], $0xffff;
	_ =	sdelay $0x4  }
0x28d: {  	[tilespmem:$0x4110] =	vst v2  }
0x28e: {  	v2 =	vld.idx.msk [tilespmem:v10+s5+$0x0], $0xffff;
	_ =	sdelay $0x4  }
0x28f: {  	[tilespmem:$0x4120] =	vst v2  }
0x290: {  	v2 =	vld.idx.msk [tilespmem:v11+s5+$0x0], $0xffff;
	_ =	sdelay $0x4  }
0x291: {  	[tilespmem:$0x4130] =	vst v2  }
0x292: {  	v2 =	vld.idx.msk [tilespmem:v12+s5+$0x0], $0xffff;
	_ =	sdelay $0x4  }
0x293: {  	[tilespmem:$0x4140] =	vst v2  }
0x294: {  	v2 =	vld.idx.msk [tilespmem:v13+s5+$0x0], $0xffff;
	_ =	sdelay $0x4  }
0x295: {  	[tilespmem:$0x4150] =	vst v2  }
0x296: {  	v2 =	vld.idx.msk [tilespmem:v14+s5+$0x0], $0xffff;
	_ =	sdelay $0x4  }
0x297: {  	[tilespmem:$0x4160] =	vst v2  }
0x298: {  	v2 =	vld.idx.msk [tilespmem:v15+s5+$0x0], $0xffff;
	_ =	sdelay $0x4  }
0x299: {  	[tilespmem:$0x4170] =	vst v2  }
0x29a: {  	v2 =	vld.idx.msk [tilespmem:v16+s5+$0x0], $0xffff;
	_ =	sdelay $0x4  }
0x29b: {  	[tilespmem:$0x4200] =	vst v2  }
0x29c: {  	v2 =	vld.idx.msk [tilespmem:v17+s5+$0x0], $0xffff;
	_ =	sdelay $0x4  }
0x29d: {  	[tilespmem:$0x4210] =	vst v2  }
0x29e: {  	v2 =	vld.idx.msk [tilespmem:v18+s5+$0x0], $0xffff;
	_ =	sdelay $0x4  }
0x29f: {  	[tilespmem:$0x4220] =	vst v2  }
0x2a0: {  	v2 =	vld.idx.msk [tilespmem:v19+s5+$0x0], $0xffff;
	_ =	sdelay $0x4  }
0x2a1: {  	[tilespmem:$0x4230] =	vst v2  }
0x2a2: {  	v2 =	vld.idx.msk [tilespmem:v20+s5+$0x0], $0xffff;
	_ =	sdelay $0x4  }
0x2a3: {  	[tilespmem:$0x4240] =	vst v2  }
0x2a4: {  	v2 =	vld.idx.msk [tilespmem:v21+s5+$0x0], $0xffff;
	_ =	sdelay $0x4  }
0x2a5: {  	[tilespmem:$0x4250] =	vst v2  }
0x2a6: {  	v2 =	vld.idx.msk [tilespmem:v22+s5+$0x0], $0xffff;
	_ =	sdelay $0x4  }
0x2a7: {  	[tilespmem:$0x4260] =	vst v2  }
0x2a8: {  	v2 =	vld.idx.msk [tilespmem:v23+s5+$0x0], $0xffff;
	_ =	sdelay $0x4  }
0x2a9: {  	[tilespmem:$0x4270] =	vst v2  }
0x2aa: {  	v2 =	vld.idx.msk [tilespmem:v24+s5+$0x0], $0xffff;
	_ =	sdelay $0x4  }
0x2ab: {  	[tilespmem:$0x4300] =	vst v2  }
0x2ac: {  	v2 =	vld.idx.msk [tilespmem:v25+s5+$0x0], $0xffff;
	_ =	sdelay $0x4  }
0x2ad: {  	[tilespmem:$0x4310] =	vst v2  }
0x2ae: {  	v2 =	vld.idx.msk [tilespmem:v26+s5+$0x0], $0xffff;
	_ =	sdelay $0x4  }
0x2af: {  	[tilespmem:$0x4320] =	vst v2  }
0x2b0: {  	v2 =	vld.idx.msk [tilespmem:v27+s5+$0x0], $0xffff;
	_ =	sdelay $0x4  }
0x2b1: {  	[tilespmem:$0x4330] =	vst v2  }
0x2b2: {  	v2 =	vld.idx.msk [tilespmem:v28+s5+$0x0], $0xffff;
	_ =	sdelay $0x4  }
0x2b3: {  	[tilespmem:$0x4340] =	vst v2  }
0x2b4: {  	v2 =	vld.idx.msk [tilespmem:v29+s5+$0x0], $0xffff;
	_ =	sdelay $0x4  }
0x2b5: {  	[tilespmem:$0x4350] =	vst v2  }
0x2b6: {  	v2 =	vld.idx.msk [tilespmem:v30+s5+$0x0], $0xffff;
	_ =	sdelay $0x4  }
0x2b7: {  	[tilespmem:$0x4360] =	vst v2  }
0x2b8: {  	v2 =	vld.idx.msk [tilespmem:v31+s5+$0x0], $0xffff;
	_ =	sdelay $0x4  }
0x2b9: {  	[tilespmem:$0x4370] =	vst v2  }
0x2ba: {  	v2 =	vld.idx.msk [tilespmem:v32+s5+$0x0], $0xffff;
	_ =	sdelay $0x4  }
0x2bb: {  	[tilespmem:$0x4400] =	vst v2  }
0x2bc: {  	v2 =	vld.idx.msk [tilespmem:v33+s5+$0x0], $0xffff;
	_ =	sdelay $0x4  }
0x2bd: {  	[tilespmem:$0x4410] =	vst v2  }
0x2be: {  	v2 =	vld.idx.msk [tilespmem:v34+s5+$0x0], $0xffff;
	_ =	sdelay $0x4  }
0x2bf: {  	[tilespmem:$0x4420] =	vst v2  }
0x2c0: {  	v2 =	vld.idx.msk [tilespmem:v35+s5+$0x0], $0xffff;
	_ =	sdelay $0x4  }
0x2c1: {  	[tilespmem:$0x4430] =	vst v2  }
0x2c2: {  	v2 =	vld.idx.msk [tilespmem:v36+s5+$0x0], $0xffff;
	_ =	sdelay $0x4  }
0x2c3: {  	[tilespmem:$0x4440] =	vst v2  }
0x2c4: {  	v2 =	vld.idx.msk [tilespmem:v37+s5+$0x0], $0xffff;
	_ =	sdelay $0x4  }
0x2c5: {  	[tilespmem:$0x4450] =	vst v2  }
0x2c6: {  	v2 =	vld.idx.msk [tilespmem:v38+s5+$0x0], $0xffff;
	_ =	sdelay $0x4  }
0x2c7: {  	[tilespmem:$0x4460] =	vst v2  }
0x2c8: {  	v2 =	vld.idx.msk [tilespmem:v39+s5+$0x0], $0xffff;
	_ =	sdelay $0x4  }
0x2c9: {  	[tilespmem:$0x4470] =	vst v2  }
0x2ca: {  	v2 =	vld.idx.msk [tilespmem:v40+s5+$0x0], $0xffff;
	_ =	sdelay $0x4  }
0x2cb: {  	[tilespmem:$0x4500] =	vst v2  }
0x2cc: {  	v2 =	vld.idx.msk [tilespmem:v41+s5+$0x0], $0xffff;
	_ =	sdelay $0x4  }
0x2cd: {  	[tilespmem:$0x4510] =	vst v2  }
0x2ce: {  	v2 =	vld.idx.msk [tilespmem:v42+s5+$0x0], $0xffff;
	_ =	sdelay $0x4  }
0x2cf: {  	[tilespmem:$0x4520] =	vst v2  }
0x2d0: {  	v2 =	vld.idx.msk [tilespmem:v43+s5+$0x0], $0xffff;
	_ =	sdelay $0x4  }
0x2d1: {  	[tilespmem:$0x4530] =	vst v2  }
0x2d2: {  	v2 =	vld.idx.msk [tilespmem:v44+s5+$0x0], $0xffff;
	_ =	sdelay $0x4  }
0x2d3: {  	[tilespmem:$0x4540] =	vst v2  }
0x2d4: {  	v2 =	vld.idx.msk [tilespmem:v45+s5+$0x0], $0xffff;
	_ =	sdelay $0x4  }
0x2d5: {  	[tilespmem:$0x4550] =	vst v2  }
0x2d6: {  	v2 =	vld.idx.msk [tilespmem:v46+s5+$0x0], $0xffff;
	_ =	sdelay $0x4  }
0x2d7: {  	[tilespmem:$0x4560] =	vst v2  }
0x2d8: {  	v2 =	vld.idx.msk [tilespmem:v47+s5+$0x0], $0xffff;
	_ =	sdelay $0x4  }
0x2d9: {  	[tilespmem:$0x4570] =	vst v2  }
0x2da: {  	v2 =	vld.idx.msk [tilespmem:v48+s5+$0x0], $0xffff;
	_ =	sdelay $0x4  }
0x2db: {  	[tilespmem:$0x4600] =	vst v2  }
0x2dc: {  	v2 =	vld.idx.msk [tilespmem:v49+s5+$0x0], $0xffff;
	_ =	sdelay $0x4  }
0x2dd: {  	[tilespmem:$0x4610] =	vst v2  }
0x2de: {  	v2 =	vld.idx.msk [tilespmem:v50+s5+$0x0], $0xffff;
	_ =	sdelay $0x4  }
0x2df: {  	[tilespmem:$0x4620] =	vst v2  }
0x2e0: {  	v2 =	vld.idx.msk [tilespmem:v51+s5+$0x0], $0xffff;
	_ =	sdelay $0x4  }
0x2e1: {  	[tilespmem:$0x4630] =	vst v2  }
0x2e2: {  	v2 =	vld.idx.msk [tilespmem:v52+s5+$0x0], $0xffff;
	_ =	sdelay $0x4  }
0x2e3: {  	[tilespmem:$0x4640] =	vst v2  }
0x2e4: {  	v2 =	vld.idx.msk [tilespmem:v53+s5+$0x0], $0xffff;
	_ =	sdelay $0x4  }
0x2e5: {  	[tilespmem:$0x4650] =	vst v2  }
0x2e6: {  	v2 =	vld.idx.msk [tilespmem:v54+s5+$0x0], $0xffff;
	_ =	sdelay $0x4  }
0x2e7: {  	[tilespmem:$0x4660] =	vst v2  }
0x2e8: {  	v2 =	vld.idx.msk [tilespmem:v55+s5+$0x0], $0xffff;
	_ =	sdelay $0x4  }
0x2e9: {  	[tilespmem:$0x4670] =	vst v2  }
0x2ea: {  	v2 =	vld.idx.msk [tilespmem:v56+s5+$0x0], $0xffff;
	_ =	sdelay $0x4  }
0x2eb: {  	[tilespmem:$0x4700] =	vst v2  }
0x2ec: {  	v2 =	vld.idx.msk [tilespmem:v57+s5+$0x0], $0xffff;
	_ =	sdelay $0x4  }
0x2ed: {  	[tilespmem:$0x4710] =	vst v2  }
0x2ee: {  	v2 =	vld.idx.msk [tilespmem:v58+s5+$0x0], $0xffff;
	_ =	sdelay $0x4  }
0x2ef: {  	[tilespmem:$0x4720] =	vst v2  }
0x2f0: {  	v2 =	vld.idx.msk [tilespmem:v59+s5+$0x0], $0xffff;
	_ =	sdelay $0x4  }
0x2f1: {  	[tilespmem:$0x4730] =	vst v2  }
0x2f2: {  	v2 =	vld.idx.msk [tilespmem:v60+s5+$0x0], $0xffff;
	_ =	sdelay $0x4  }
0x2f3: {  	[tilespmem:$0x4740] =	vst v2  }
0x2f4: {  	v2 =	vld.idx.msk [tilespmem:v61+s5+$0x0], $0xffff;
	_ =	sdelay $0x4  }
0x2f5: {  	[tilespmem:$0x4750] =	vst v2  }
0x2f6: {  	v2 =	vld.idx.msk [tilespmem:v62+s5+$0x0], $0xffff;
	_ =	sdelay $0x4  }
0x2f7: {  	[tilespmem:$0x4760] =	vst v2  }
0x2f8: {  	v2 =	vld.idx.msk [tilespmem:v63+s5+$0x0], $0xffff;
	_ =	sdelay $0x4  }
0x2f9: {  	s23 =	simm.s32 $0x4000;
	[tilespmem:$0x4770] =	vst v2  }
0x2fa: {  	[hbm4b:s15+s5] =	stream.linear.scatter [tilespmem:s23], [sflag:$0x5], $0x80, $0x38;
	[tilespmem:$0x8000] =	vst v63  }
0x2fb: {  	s24 =	sadd.s32 $0x10, s15;
	s12 =	simm.s32 $0x4100  }
0x2fc: {  	[hbm4b:s24+s5] =	stream.linear.scatter [tilespmem:s12], [sflag:$0x5], $0x80, $0x38;
	[tilespmem:$0x8000] =	vst v63  }
0x2fd: {  	s25 =	sadd.s32 $0x20, s15;
	s26 =	simm.s32 $0x4200  }
0x2fe: {  	[hbm4b:s25+s5] =	stream.linear.scatter [tilespmem:s26], [sflag:$0x5], $0x80, $0x38;
	[tilespmem:$0x8000] =	vst v63  }
0x2ff: {  	s14 =	simm.s32 $0x4300;
	s12 =	sadd.s32 $0x30, s15  }
0x300: {  	[hbm4b:s12+s5] =	stream.linear.scatter [tilespmem:s14], [sflag:$0x5], $0x80, $0x38;
	[tilespmem:$0x8000] =	vst v63  }
0x301: {  	s23 =	sadd.s32 $0x40, s15  }
0x302: {  	[hbm4b:s23+s5] =	stream.linear.scatter [tilespmem:s28], [sflag:$0x5], $0x80, $0x38;
	[tilespmem:$0x8000] =	vst v63  }
0x303: {  	s24 =	sadd.s32 $0x50, s15  }
0x304: {  	[hbm4b:s24+s5] =	stream.linear.scatter [tilespmem:s29], [sflag:$0x5], $0x80, $0x38;
	[tilespmem:$0x8000] =	vst v63  }
0x305: {  	s25 =	sadd.s32 $0x60, s15  }
0x306: {  	[hbm4b:s25+s5] =	stream.linear.scatter [tilespmem:s30], [sflag:$0x5], $0x80, $0x38;
	[tilespmem:$0x8000] =	vst v63  }
.Ltmp13:
0x307: {  	s26 =	sadd.s32 $0x70, s15;
	(pc) =	sbr.rel .LBB2_19-.Ltmp13, $4  }
0x308: {  	[hbm4b:s26+s5] =	stream.linear.scatter [tilespmem:s31], [sflag:$0x5], $0x80, $0x38;
	[tilespmem:$0x8000] =	vst v63  }
0x309: {  	_ =	swait.ge [sflag:s1], $0x400  }
0x30a: {  	[sflag:s1] =	ssyncset.done $0x0  }
0x30b: {  	[sflag:s1] =	ssyncadd.s32 $0xFFFFFC00  }
.LBB2_20:
0x30c: {  	_ =	sfence.sel $0x180000  }
0x30d: {  	[bflag:$0x0] =	sbarrier.arrive $0xFFFF  }
0x30e: {  	_ =	strace $0x90000047  }
0x30f: {  	s0 =	stileid.u32;
	[bflag:$0x2] =	sbarrier.arrive $0xFFFF  }
0x310: {  	p0 =	sne.s32 s0, $0x0;
	s0 =	rddreg [dreg:$0x3]  }
0x311: {  	s0 =	sadd.s32 @!p0 $0x100000, s0  }
0x312: {  	[sflag:s0] =	ssyncadd.tile.s32 @!p0 $0x1;
	_ =	shalt  }
.Lfunc_end2:
_tile_overlayer_lowered:
.L_overlay_start_2:
0x313: {  	(tag) =	ssettag $0x2  }
0x314: {  	s0 =	rddreg [dreg:$0x0];
	s2 =	stileid.u32  }
0x315: {  	s1 =	rddreg [dreg:$0x1];
	p0 =	sne.s32 s2, $0x0  }
0x316: {  	s3 =	rddreg [dreg:$0x2];
	[bflag:$0x3] =	sbarrier.arrive $0xFFFF;
	s2 =	simm.s32 @!p0 $0x1C05  }
0x317: {  	[timem:s3], [sflag:s2] =	dma.local @!p0 [hbm:s0], s1  }
0x318: {  	s0 =	simm.s32 @!p0 $0x5  }
0x319: {  	_ =	swait.ge @!p0 [sflag:s0], s1  }
0x31a: {  	s1 =	ssub.s32 @!p0 $0x0, s1;
	[sflag:s0] =	ssyncset.done @!p0 $0x0  }
0x31b: {  	[sflag:s0] =	ssyncadd.s32 @!p0 s1  }
0x31c: {  	[bflag:$0x3] =	sbarrier.arrive $0xFFFF  }
0x31d: {  	_ =	shalt  }

</sc_bundles>
